<compile_context>
chip_gen: v7x
topology: tpu7x:2x2x1
jax: 0.10.2.dev20260603
libtpu: 0.0.44.dev20260713+nightly
codegen_flags: <defaults>
</compile_context>

<pallas_src>
import functools

import jax
import jax.numpy as jnp
from jax import lax
from jax.experimental import pallas as pl
from jax.experimental.pallas import tpu as pltpu
from jax.experimental.pallas import tpu_sc as plsc


def _make_sc_kernel(B, L, D):
    info = plsc.get_sparse_core_info()
    NC, NS = info.num_cores, info.num_subcores
    NW = NC * NS
    lw = L // NW
    CW = 16
    nch = lw // CW
    CHUNK = CW * D

    mesh = plsc.VectorSubcoreMesh(core_axis_name="c", subcore_axis_name="s")

    @functools.partial(
        pl.kernel, mesh=mesh,
        out_type=jax.ShapeDtypeStruct((B * L * D,), jnp.float32),
        scratch_types=[
            pltpu.VMEM((2, CHUNK), jnp.float32),
            pltpu.VMEM((CHUNK,), jnp.float32),
            pltpu.SemaphoreType.DMA,
            pltpu.SemaphoreType.DMA,
            pltpu.SemaphoreType.DMA,
            pltpu.SemaphoreType.DMA,
        ],
    )
    def k(x_hbm, pe_hbm, out_hbm, x_v, pe_v, si0, si1, so0, so1):
        sin = (si0, si1)
        sout = (so0, so1)
        wid = lax.axis_index("s") * NC + lax.axis_index("c")
        l_base = wid * lw
        for c in range(nch):
            l0 = l_base + c * CW
            pltpu.sync_copy(pe_hbm.at[pl.ds(l0 * D, CHUNK)], pe_v)
            loads = [None, None]
            stores = [None, None]
            r0 = (0 * L + l0) * D
            loads[0] = pltpu.async_copy(
                x_hbm.at[pl.ds(r0, CHUNK)], x_v.at[0], sin[0])
            for b in range(B):
                kbuf = b % 2
                loads[kbuf].wait()
                if b + 1 < B:
                    nbuf = (b + 1) % 2
                    if stores[nbuf] is not None:
                        stores[nbuf].wait()
                        stores[nbuf] = None
                    rn = ((b + 1) * L + l0) * D
                    loads[nbuf] = pltpu.async_copy(
                        x_hbm.at[pl.ds(rn, CHUNK)], x_v.at[nbuf], sin[nbuf])

                @plsc.parallel_loop(0, CHUNK, 16, unroll=8)
                def _(i):
                    s = pl.ds(i, 16)
                    x_v[kbuf, s] = x_v[kbuf, s] + pe_v[s]

                rb = (b * L + l0) * D
                stores[kbuf] = pltpu.async_copy(
                    x_v.at[kbuf], out_hbm.at[pl.ds(rb, CHUNK)], sout[kbuf])
            for st in stores:
                if st is not None:
                    st.wait()

    return k


def kernel(x, pe_table):
    B, L, D = x.shape
    out = _make_sc_kernel(B, L, D)(x.reshape(B * L * D), pe_table[:L].reshape(L * D))
    return out.reshape(B, L, D)

# --- scband reference (transcript-rebuilt; emitter-appended) ---
"""Pipeline reference for scband-learning-positional-encoding-87479893885471 (READ-ONLY COPY).

The authoritative reference and input builder live on the scoring server;
editing this copy changes nothing except your own understanding.
"""

import jax, jax.numpy as jnp
import numpy as np

FEATURE_DIM = 2048
NUM_WINDOWS = 2048

def setup_inputs(seed: int = 0) -> dict:
    key = jax.random.key(seed)
    k1, k2 = jax.random.split(key)
    x = jax.random.normal(k1, (4, 2048, FEATURE_DIM), dtype=jnp.float32)
    # nn.Embedding weight: N(0,1) init
    pe_table = jax.random.normal(k2, (NUM_WINDOWS, FEATURE_DIM), dtype=jnp.float32)
    return {"x": x, "pe_table": pe_table}

def reference(x, pe_table):
    L = x.shape[-2]
    positions_index = jnp.arange(L, dtype=jnp.int32)[None, :]  # [1, L]
    position_embedding = jnp.take(pe_table, positions_index, axis=0)  # [1, L, D]
    return position_embedding + x

if __name__ == "__main__":
    import jax
    _d = setup_inputs()
    print(jax.jit(kernel)(*tuple(_d.values())))

</pallas_src>

<mosaic_0001>
#map = affine_map<(d0, d1) -> (0)>
module attributes {stable_mosaic.version = 14 : i64} {
  func.func @k(%arg0: i32, %arg1: i32, %arg2: memref<16777216xf32, #tpu.memory_space<hbm>>, %arg3: memref<4194304xf32, #tpu.memory_space<hbm>>, %arg4: memref<16777216xf32, #tpu.memory_space<hbm>>, %arg5: memref<2x32768xf32, #tpu.memory_space<vmem>>, %arg6: memref<32768xf32, #tpu.memory_space<vmem>>, %arg7: memref<!tpu.dma_semaphore, #tpu.memory_space<semaphore_mem>>, %arg8: memref<!tpu.dma_semaphore, #tpu.memory_space<semaphore_mem>>, %arg9: memref<!tpu.dma_semaphore, #tpu.memory_space<semaphore_mem>>, %arg10: memref<!tpu.dma_semaphore, #tpu.memory_space<semaphore_mem>>) attributes {dimension_semantics = [#tpu.dimension_semantics<core_parallel>, #tpu.dimension_semantics<subcore_parallel>], iteration_bounds = array<i64: 2, 16>, scalar_prefetch = 0 : i64, scratch_operands = 6 : i64, tpu.core_type = #tpu.core_type<sc_vector_subcore>, window_params = [{transform_indices = #map}, {transform_indices = #map}, {transform_indices = #map}]} {
    %mul3A = arith.constant 2 : i32
    %mul3A_0 = arith.muli %arg1, %mul3A : i32
    %add3A = arith.addi %mul3A_0, %arg0 : i32
    %mul3A_1 = arith.constant 64 : i32
    %mul3A_2 = arith.muli %add3A, %mul3A_1 : i32
    %add3A_3 = arith.constant 0 : i32
    %add3A_4 = arith.addi %mul3A_2, %add3A_3 : i32
    %mul3A_5 = arith.constant 2048 : i32
    %mul3A_6 = arith.muli %add3A_4, %mul3A_5 : i32
    "tpu.region"() ({
      %run_scoped3A = tpu.sem_alloc : memref<!tpu.dma_semaphore, #tpu.memory_space<semaphore_mem>>
      %dma_start3A_768 = tpu.memref_slice %arg3[%mul3A_6] : memref<4194304xf32, #tpu.memory_space<hbm>> -> memref<32768xf32, #tpu.memory_space<hbm>>
      %dma_start3A_769 = tpu.memref_slice %arg3[%mul3A_6] : memref<4194304xf32, #tpu.memory_space<hbm>> -> memref<32768xf32, #tpu.memory_space<hbm>>
      tpu.enqueue_dma source(%dma_start3A_769 : memref<32768xf32, #tpu.memory_space<hbm>>) target(%arg6 : memref<32768xf32, #tpu.memory_space<vmem>>) target_semaphore(%run_scoped3A : memref<!tpu.dma_semaphore, #tpu.memory_space<semaphore_mem>>)
      %dma_wait3A_770 = tpu.memref_slice %arg3[%mul3A_6] : memref<4194304xf32, #tpu.memory_space<hbm>> -> memref<32768xf32, #tpu.memory_space<hbm>>
      %dma_wait3A_771 = tpu.memref_slice %arg3[%mul3A_6] : memref<4194304xf32, #tpu.memory_space<hbm>> -> memref<32768xf32, #tpu.memory_space<hbm>>
      tpu.wait_dma2 semaphore(%run_scoped3A : memref<!tpu.dma_semaphore, #tpu.memory_space<semaphore_mem>>) src(%dma_wait3A_771 : memref<32768xf32, #tpu.memory_space<hbm>>) dst(%arg6 : memref<32768xf32, #tpu.memory_space<vmem>>)
      tpu.yield
    }) : () -> ()
    %add3A_7 = arith.constant 0 : i32
    %add3A_8 = arith.addi %add3A_7, %add3A_4 : i32
    %mul3A_9 = arith.constant 2048 : i32
    %mul3A_10 = arith.muli %add3A_8, %mul3A_9 : i32
    %dma_start3A = arith.constant 0 : i32
    %dma_start3A_11 = arith.constant 0 : i32
    %dma_start3A_12 = tpu.memref_slice %arg5[%dma_start3A, %dma_start3A_11] : memref<2x32768xf32, #tpu.memory_space<vmem>> -> memref<1x32768xf32, #tpu.memory_space<vmem>>
    %dma_start3A_13 = tpu.memref_squeeze %dma_start3A_12 : memref<1x32768xf32, #tpu.memory_space<vmem>> -> memref<32768xf32, #tpu.memory_space<vmem>>
    %dma_start3A_14 = tpu.memref_slice %arg2[%mul3A_10] : memref<16777216xf32, #tpu.memory_space<hbm>> -> memref<32768xf32, #tpu.memory_space<hbm>>
    %dma_start3A_15 = arith.constant 0 : i32
    %dma_start3A_16 = tpu.memref_slice %arg5[%dma_start3A, %dma_start3A_15] : memref<2x32768xf32, #tpu.memory_space<vmem>> -> memref<1x32768xf32, #tpu.memory_space<vmem>>
    %dma_start3A_17 = tpu.memref_squeeze %dma_start3A_16 : memref<1x32768xf32, #tpu.memory_space<vmem>> -> memref<32768xf32, #tpu.memory_space<vmem>>
    %dma_start3A_18 = tpu.memref_slice %arg2[%mul3A_10] : memref<16777216xf32, #tpu.memory_space<hbm>> -> memref<32768xf32, #tpu.memory_space<hbm>>
    tpu.enqueue_dma source(%dma_start3A_18 : memref<32768xf32, #tpu.memory_space<hbm>>) target(%dma_start3A_17 : memref<32768xf32, #tpu.memory_space<vmem>>) target_semaphore(%arg7 : memref<!tpu.dma_semaphore, #tpu.memory_space<semaphore_mem>>)
    %dma_wait3A = arith.constant 0 : i32
    %dma_wait3A_19 = arith.constant 0 : i32
    %dma_wait3A_20 = tpu.memref_slice %arg5[%dma_wait3A, %dma_wait3A_19] : memref<2x32768xf32, #tpu.memory_space<vmem>> -> memref<1x32768xf32, #tpu.memory_space<vmem>>
    %dma_wait3A_21 = tpu.memref_squeeze %dma_wait3A_20 : memref<1x32768xf32, #tpu.memory_space<vmem>> -> memref<32768xf32, #tpu.memory_space<vmem>>
    %dma_wait3A_22 = tpu.memref_slice %arg2[%mul3A_10] : memref<16777216xf32, #tpu.memory_space<hbm>> -> memref<32768xf32, #tpu.memory_space<hbm>>
    %dma_wait3A_23 = arith.constant 0 : i32
    %dma_wait3A_24 = tpu.memref_slice %arg5[%dma_wait3A, %dma_wait3A_23] : memref<2x32768xf32, #tpu.memory_space<vmem>> -> memref<1x32768xf32, #tpu.memory_space<vmem>>
    %dma_wait3A_25 = tpu.memref_squeeze %dma_wait3A_24 : memref<1x32768xf32, #tpu.memory_space<vmem>> -> memref<32768xf32, #tpu.memory_space<vmem>>
    %dma_wait3A_26 = tpu.memref_slice %arg2[%mul3A_10] : memref<16777216xf32, #tpu.memory_space<hbm>> -> memref<32768xf32, #tpu.memory_space<hbm>>
    tpu.wait_dma2 semaphore(%arg7 : memref<!tpu.dma_semaphore, #tpu.memory_space<semaphore_mem>>) src(%dma_wait3A_26 : memref<32768xf32, #tpu.memory_space<hbm>>) dst(%dma_wait3A_25 : memref<32768xf32, #tpu.memory_space<vmem>>)
    %add3A_27 = arith.constant 2048 : i32
    %add3A_28 = arith.addi %add3A_27, %add3A_4 : i32
    %mul3A_29 = arith.constant 2048 : i32
    %mul3A_30 = arith.muli %add3A_28, %mul3A_29 : i32
    %dma_start3A_31 = arith.constant 1 : i32
    %dma_start3A_32 = arith.constant 0 : i32
    %dma_start3A_33 = tpu.memref_slice %arg5[%dma_start3A_31, %dma_start3A_32] : memref<2x32768xf32, #tpu.memory_space<vmem>> -> memref<1x32768xf32, #tpu.memory_space<vmem>>
    %dma_start3A_34 = tpu.memref_squeeze %dma_start3A_33 : memref<1x32768xf32, #tpu.memory_space<vmem>> -> memref<32768xf32, #tpu.memory_space<vmem>>
    %dma_start3A_35 = tpu.memref_slice %arg2[%mul3A_30] : memref<16777216xf32, #tpu.memory_space<hbm>> -> memref<32768xf32, #tpu.memory_space<hbm>>
    %dma_start3A_36 = arith.constant 0 : i32
    %dma_start3A_37 = tpu.memref_slice %arg5[%dma_start3A_31, %dma_start3A_36] : memref<2x32768xf32, #tpu.memory_space<vmem>> -> memref<1x32768xf32, #tpu.memory_space<vmem>>
    %dma_start3A_38 = tpu.memref_squeeze %dma_start3A_37 : memref<1x32768xf32, #tpu.memory_space<vmem>> -> memref<32768xf32, #tpu.memory_space<vmem>>
    %dma_start3A_39 = tpu.memref_slice %arg2[%mul3A_30] : memref<16777216xf32, #tpu.memory_space<hbm>> -> memref<32768xf32, #tpu.memory_space<hbm>>
    tpu.enqueue_dma source(%dma_start3A_39 : memref<32768xf32, #tpu.memory_space<hbm>>) target(%dma_start3A_38 : memref<32768xf32, #tpu.memory_space<vmem>>) target_semaphore(%arg8 : memref<!tpu.dma_semaphore, #tpu.memory_space<semaphore_mem>>)
    %parallel_loop3A = arith.constant 0 : i32
    %parallel_loop3A_40 = arith.constant 32768 : i32
    %parallel_loop3A_41 = arith.constant 16 : i32
    scf.for %parallel_loop3A_768 = %parallel_loop3A to %parallel_loop3A_40 step %parallel_loop3A_41  : i32 {
      %parallel_loop3A_769 = arith.constant 0 : i32
      %parallel_loop3A_770 = arith.index_cast %parallel_loop3A_769 : i32 to index
      %parallel_loop3A_771 = arith.index_cast %parallel_loop3A_768 : i32 to index
      %parallel_loop3A_772 = tpu.vector_load %arg5[%parallel_loop3A_770, %parallel_loop3A_771] {strides = array<i32>} : memref<2x32768xf32, #tpu.memory_space<vmem>>, vector<1x16xf32>,
      %parallel_loop3A_773 = vector.shape_cast %parallel_loop3A_772 : vector<1x16xf32> to vector<16xf32>
      %parallel_loop3A_774 = arith.index_cast %parallel_loop3A_768 : i32 to index
      %parallel_loop3A_775 = tpu.vector_load %arg6[%parallel_loop3A_774] {strides = array<i32>} : memref<32768xf32, #tpu.memory_space<vmem>>, vector<16xf32>,
      %parallel_loop3A_776 = vector.shape_cast %parallel_loop3A_775 : vector<16xf32> to vector<16xf32>
      %parallel_loop3A_777 = arith.addf %parallel_loop3A_773, %parallel_loop3A_776 : vector<16xf32>
      %parallel_loop3A_778 = arith.constant 0 : i32
      %parallel_loop3A_779 = arith.index_cast %parallel_loop3A_778 : i32 to index
      %parallel_loop3A_780 = arith.index_cast %parallel_loop3A_768 : i32 to index
      %parallel_loop3A_781 = tpu.vector_load %arg5[%parallel_loop3A_779, %parallel_loop3A_780] {strides = array<i32>} : memref<2x32768xf32, #tpu.memory_space<vmem>>, vector<1x16xf32>,
      %parallel_loop3A_782 = vector.shape_cast %parallel_loop3A_781 : vector<1x16xf32> to vector<16xf32>
      %parallel_loop3A_783 = vector.shape_cast %parallel_loop3A_777 : vector<16xf32> to vector<1x16xf32>
      tpu.vector_store %arg5[%parallel_loop3A_779, %parallel_loop3A_780], %parallel_loop3A_783 {strides = array<i32>} : memref<2x32768xf32, #tpu.memory_space<vmem>>, vector<1x16xf32>,
    } {sc.loop_unroll_factor = 8 : i64, sc.parallel_access}
    %add3A_42 = arith.constant 0 : i32
    %add3A_43 = arith.addi %add3A_42, %add3A_4 : i32
    %mul3A_44 = arith.constant 2048 : i32
    %mul3A_45 = arith.muli %add3A_43, %mul3A_44 : i32
    %dma_start3A_46 = arith.constant 0 : i32
    %dma_start3A_47 = arith.constant 0 : i32
    %dma_start3A_48 = tpu.memref_slice %arg5[%dma_start3A_46, %dma_start3A_47] : memref<2x32768xf32, #tpu.memory_space<vmem>> -> memref<1x32768xf32, #tpu.memory_space<vmem>>
    %dma_start3A_49 = tpu.memref_squeeze %dma_start3A_48 : memref<1x32768xf32, #tpu.memory_space<vmem>> -> memref<32768xf32, #tpu.memory_space<vmem>>
    %dma_start3A_50 = tpu.memref_slice %arg4[%mul3A_45] : memref<16777216xf32, #tpu.memory_space<hbm>> -> memref<32768xf32, #tpu.memory_space<hbm>>
    %dma_start3A_51 = tpu.memref_slice %arg4[%mul3A_45] : memref<16777216xf32, #tpu.memory_space<hbm>> -> memref<32768xf32, #tpu.memory_space<hbm>>
    %dma_start3A_52 = arith.constant 0 : i32
    %dma_start3A_53 = tpu.memref_slice %arg5[%dma_start3A_46, %dma_start3A_52] : memref<2x32768xf32, #tpu.memory_space<vmem>> -> memref<1x32768xf32, #tpu.memory_space<vmem>>
    %dma_start3A_54 = tpu.memref_squeeze %dma_start3A_53 : memref<1x32768xf32, #tpu.memory_space<vmem>> -> memref<32768xf32, #tpu.memory_space<vmem>>
    tpu.enqueue_dma source(%dma_start3A_54 : memref<32768xf32, #tpu.memory_space<vmem>>) target(%dma_start3A_51 : memref<32768xf32, #tpu.memory_space<hbm>>) target_semaphore(%arg9 : memref<!tpu.dma_semaphore, #tpu.memory_space<semaphore_mem>>)
    %dma_wait3A_55 = arith.constant 1 : i32
    %dma_wait3A_56 = arith.constant 0 : i32
    %dma_wait3A_57 = tpu.memref_slice %arg5[%dma_wait3A_55, %dma_wait3A_56] : memref<2x32768xf32, #tpu.memory_space<vmem>> -> memref<1x32768xf32, #tpu.memory_space<vmem>>
    %dma_wait3A_58 = tpu.memref_squeeze %dma_wait3A_57 : memref<1x32768xf32, #tpu.memory_space<vmem>> -> memref<32768xf32, #tpu.memory_space<vmem>>
    %dma_wait3A_59 = tpu.memref_slice %arg2[%mul3A_30] : memref<16777216xf32, #tpu.memory_space<hbm>> -> memref<32768xf32, #tpu.memory_space<hbm>>
    %dma_wait3A_60 = arith.constant 0 : i32
    %dma_wait3A_61 = tpu.memref_slice %arg5[%dma_wait3A_55, %dma_wait3A_60] : memref<2x32768xf32, #tpu.memory_space<vmem>> -> memref<1x32768xf32, #tpu.memory_space<vmem>>
    %dma_wait3A_62 = tpu.memref_squeeze %dma_wait3A_61 : memref<1x32768xf32, #tpu.memory_space<vmem>> -> memref<32768xf32, #tpu.memory_space<vmem>>
    %dma_wait3A_63 = tpu.memref_slice %arg2[%mul3A_30] : memref<16777216xf32, #tpu.memory_space<hbm>> -> memref<32768xf32, #tpu.memory_space<hbm>>
    tpu.wait_dma2 semaphore(%arg8 : memref<!tpu.dma_semaphore, #tpu.memory_space<semaphore_mem>>) src(%dma_wait3A_63 : memref<32768xf32, #tpu.memory_space<hbm>>) dst(%dma_wait3A_62 : memref<32768xf32, #tpu.memory_space<vmem>>)
    %dma_wait3A_64 = arith.constant 0 : i32
    %dma_wait3A_65 = arith.constant 0 : i32
    %dma_wait3A_66 = tpu.memref_slice %arg5[%dma_wait3A_64, %dma_wait3A_65] : memref<2x32768xf32, #tpu.memory_space<vmem>> -> memref<1x32768xf32, #tpu.memory_space<vmem>>
    %dma_wait3A_67 = tpu.memref_squeeze %dma_wait3A_66 : memref<1x32768xf32, #tpu.memory_space<vmem>> -> memref<32768xf32, #tpu.memory_space<vmem>>
    %dma_wait3A_68 = tpu.memref_slice %arg4[%mul3A_45] : memref<16777216xf32, #tpu.memory_space<hbm>> -> memref<32768xf32, #tpu.memory_space<hbm>>
    %dma_wait3A_69 = tpu.memref_slice %arg4[%mul3A_45] : memref<16777216xf32, #tpu.memory_space<hbm>> -> memref<32768xf32, #tpu.memory_space<hbm>>
    %dma_wait3A_70 = arith.constant 0 : i32
    %dma_wait3A_71 = tpu.memref_slice %arg5[%dma_wait3A_64, %dma_wait3A_70] : memref<2x32768xf32, #tpu.memory_space<vmem>> -> memref<1x32768xf32, #tpu.memory_space<vmem>>
    %dma_wait3A_72 = tpu.memref_squeeze %dma_wait3A_71 : memref<1x32768xf32, #tpu.memory_space<vmem>> -> memref<32768xf32, #tpu.memory_space<vmem>>
    tpu.wait_dma2 semaphore(%arg9 : memref<!tpu.dma_semaphore, #tpu.memory_space<semaphore_mem>>) src(%dma_wait3A_72 : memref<32768xf32, #tpu.memory_space<vmem>>) dst(%dma_wait3A_69 : memref<32768xf32, #tpu.memory_space<hbm>>)
    %add3A_73 = arith.constant 4096 : i32
    %add3A_74 = arith.addi %add3A_73, %add3A_4 : i32
    %mul3A_75 = arith.constant 2048 : i32
    %mul3A_76 = arith.muli %add3A_74, %mul3A_75 : i32
    %dma_start3A_77 = arith.constant 0 : i32
    %dma_start3A_78 = arith.constant 0 : i32
    %dma_start3A_79 = tpu.memref_slice %arg5[%dma_start3A_77, %dma_start3A_78] : memref<2x32768xf32, #tpu.memory_space<vmem>> -> memref<1x32768xf32, #tpu.memory_space<vmem>>
    %dma_start3A_80 = tpu.memref_squeeze %dma_start3A_79 : memref<1x32768xf32, #tpu.memory_space<vmem>> -> memref<32768xf32, #tpu.memory_space<vmem>>
    %dma_start3A_81 = tpu.memref_slice %arg2[%mul3A_76] : memref<16777216xf32, #tpu.memory_space<hbm>> -> memref<32768xf32, #tpu.memory_space<hbm>>
    %dma_start3A_82 = arith.constant 0 : i32
    %dma_start3A_83 = tpu.memref_slice %arg5[%dma_start3A_77, %dma_start3A_82] : memref<2x32768xf32, #tpu.memory_space<vmem>> -> memref<1x32768xf32, #tpu.memory_space<vmem>>
    %dma_start3A_84 = tpu.memref_squeeze %dma_start3A_83 : memref<1x32768xf32, #tpu.memory_space<vmem>> -> memref<32768xf32, #tpu.memory_space<vmem>>
    %dma_start3A_85 = tpu.memref_slice %arg2[%mul3A_76] : memref<16777216xf32, #tpu.memory_space<hbm>> -> memref<32768xf32, #tpu.memory_space<hbm>>
    tpu.enqueue_dma source(%dma_start3A_85 : memref<32768xf32, #tpu.memory_space<hbm>>) target(%dma_start3A_84 : memref<32768xf32, #tpu.memory_space<vmem>>) target_semaphore(%arg7 : memref<!tpu.dma_semaphore, #tpu.memory_space<semaphore_mem>>)
    %parallel_loop3A_86 = arith.constant 0 : i32
    %parallel_loop3A_87 = arith.constant 32768 : i32
    %parallel_loop3A_88 = arith.constant 16 : i32
    scf.for %parallel_loop3A_768 = %parallel_loop3A_86 to %parallel_loop3A_87 step %parallel_loop3A_88  : i32 {
      %parallel_loop3A_769 = arith.constant 1 : i32
      %parallel_loop3A_770 = arith.index_cast %parallel_loop3A_769 : i32 to index
      %parallel_loop3A_771 = arith.index_cast %parallel_loop3A_768 : i32 to index
      %parallel_loop3A_772 = tpu.vector_load %arg5[%parallel_loop3A_770, %parallel_loop3A_771] {strides = array<i32>} : memref<2x32768xf32, #tpu.memory_space<vmem>>, vector<1x16xf32>,
      %parallel_loop3A_773 = vector.shape_cast %parallel_loop3A_772 : vector<1x16xf32> to vector<16xf32>
      %parallel_loop3A_774 = arith.index_cast %parallel_loop3A_768 : i32 to index
      %parallel_loop3A_775 = tpu.vector_load %arg6[%parallel_loop3A_774] {strides = array<i32>} : memref<32768xf32, #tpu.memory_space<vmem>>, vector<16xf32>,
      %parallel_loop3A_776 = vector.shape_cast %parallel_loop3A_775 : vector<16xf32> to vector<16xf32>
      %parallel_loop3A_777 = arith.addf %parallel_loop3A_773, %parallel_loop3A_776 : vector<16xf32>
      %parallel_loop3A_778 = arith.constant 1 : i32
      %parallel_loop3A_779 = arith.index_cast %parallel_loop3A_778 : i32 to index
      %parallel_loop3A_780 = arith.index_cast %parallel_loop3A_768 : i32 to index
      %parallel_loop3A_781 = tpu.vector_load %arg5[%parallel_loop3A_779, %parallel_loop3A_780] {strides = array<i32>} : memref<2x32768xf32, #tpu.memory_space<vmem>>, vector<1x16xf32>,
      %parallel_loop3A_782 = vector.shape_cast %parallel_loop3A_781 : vector<1x16xf32> to vector<16xf32>
      %parallel_loop3A_783 = vector.shape_cast %parallel_loop3A_777 : vector<16xf32> to vector<1x16xf32>
      tpu.vector_store %arg5[%parallel_loop3A_779, %parallel_loop3A_780], %parallel_loop3A_783 {strides = array<i32>} : memref<2x32768xf32, #tpu.memory_space<vmem>>, vector<1x16xf32>,
    } {sc.loop_unroll_factor = 8 : i64, sc.parallel_access}
    %add3A_89 = arith.constant 2048 : i32
    %add3A_90 = arith.addi %add3A_89, %add3A_4 : i32
    %mul3A_91 = arith.constant 2048 : i32
    %mul3A_92 = arith.muli %add3A_90, %mul3A_91 : i32
    %dma_start3A_93 = arith.constant 1 : i32
    %dma_start3A_94 = arith.constant 0 : i32
    %dma_start3A_95 = tpu.memref_slice %arg5[%dma_start3A_93, %dma_start3A_94] : memref<2x32768xf32, #tpu.memory_space<vmem>> -> memref<1x32768xf32, #tpu.memory_space<vmem>>
    %dma_start3A_96 = tpu.memref_squeeze %dma_start3A_95 : memref<1x32768xf32, #tpu.memory_space<vmem>> -> memref<32768xf32, #tpu.memory_space<vmem>>
    %dma_start3A_97 = tpu.memref_slice %arg4[%mul3A_92] : memref<16777216xf32, #tpu.memory_space<hbm>> -> memref<32768xf32, #tpu.memory_space<hbm>>
    %dma_start3A_98 = tpu.memref_slice %arg4[%mul3A_92] : memref<16777216xf32, #tpu.memory_space<hbm>> -> memref<32768xf32, #tpu.memory_space<hbm>>
    %dma_start3A_99 = arith.constant 0 : i32
    %dma_start3A_100 = tpu.memref_slice %arg5[%dma_start3A_93, %dma_start3A_99] : memref<2x32768xf32, #tpu.memory_space<vmem>> -> memref<1x32768xf32, #tpu.memory_space<vmem>>
    %dma_start3A_101 = tpu.memref_squeeze %dma_start3A_100 : memref<1x32768xf32, #tpu.memory_space<vmem>> -> memref<32768xf32, #tpu.memory_space<vmem>>
    tpu.enqueue_dma source(%dma_start3A_101 : memref<32768xf32, #tpu.memory_space<vmem>>) target(%dma_start3A_98 : memref<32768xf32, #tpu.memory_space<hbm>>) target_semaphore(%arg10 : memref<!tpu.dma_semaphore, #tpu.memory_space<semaphore_mem>>)
    %dma_wait3A_102 = arith.constant 0 : i32
    %dma_wait3A_103 = arith.constant 0 : i32
    %dma_wait3A_104 = tpu.memref_slice %arg5[%dma_wait3A_102, %dma_wait3A_103] : memref<2x32768xf32, #tpu.memory_space<vmem>> -> memref<1x32768xf32, #tpu.memory_space<vmem>>
    %dma_wait3A_105 = tpu.memref_squeeze %dma_wait3A_104 : memref<1x32768xf32, #tpu.memory_space<vmem>> -> memref<32768xf32, #tpu.memory_space<vmem>>
    %dma_wait3A_106 = tpu.memref_slice %arg2[%mul3A_76] : memref<16777216xf32, #tpu.memory_space<hbm>> -> memref<32768xf32, #tpu.memory_space<hbm>>
    %dma_wait3A_107 = arith.constant 0 : i32
    %dma_wait3A_108 = tpu.memref_slice %arg5[%dma_wait3A_102, %dma_wait3A_107] : memref<2x32768xf32, #tpu.memory_space<vmem>> -> memref<1x32768xf32, #tpu.memory_space<vmem>>
    %dma_wait3A_109 = tpu.memref_squeeze %dma_wait3A_108 : memref<1x32768xf32, #tpu.memory_space<vmem>> -> memref<32768xf32, #tpu.memory_space<vmem>>
    %dma_wait3A_110 = tpu.memref_slice %arg2[%mul3A_76] : memref<16777216xf32, #tpu.memory_space<hbm>> -> memref<32768xf32, #tpu.memory_space<hbm>>
    tpu.wait_dma2 semaphore(%arg7 : memref<!tpu.dma_semaphore, #tpu.memory_space<semaphore_mem>>) src(%dma_wait3A_110 : memref<32768xf32, #tpu.memory_space<hbm>>) dst(%dma_wait3A_109 : memref<32768xf32, #tpu.memory_space<vmem>>)
    %dma_wait3A_111 = arith.constant 1 : i32
    %dma_wait3A_112 = arith.constant 0 : i32
    %dma_wait3A_113 = tpu.memref_slice %arg5[%dma_wait3A_111, %dma_wait3A_112] : memref<2x32768xf32, #tpu.memory_space<vmem>> -> memref<1x32768xf32, #tpu.memory_space<vmem>>
    %dma_wait3A_114 = tpu.memref_squeeze %dma_wait3A_113 : memref<1x32768xf32, #tpu.memory_space<vmem>> -> memref<32768xf32, #tpu.memory_space<vmem>>
    %dma_wait3A_115 = tpu.memref_slice %arg4[%mul3A_92] : memref<16777216xf32, #tpu.memory_space<hbm>> -> memref<32768xf32, #tpu.memory_space<hbm>>
    %dma_wait3A_116 = tpu.memref_slice %arg4[%mul3A_92] : memref<16777216xf32, #tpu.memory_space<hbm>> -> memref<32768xf32, #tpu.memory_space<hbm>>
    %dma_wait3A_117 = arith.constant 0 : i32
    %dma_wait3A_118 = tpu.memref_slice %arg5[%dma_wait3A_111, %dma_wait3A_117] : memref<2x32768xf32, #tpu.memory_space<vmem>> -> memref<1x32768xf32, #tpu.memory_space<vmem>>
    %dma_wait3A_119 = tpu.memref_squeeze %dma_wait3A_118 : memref<1x32768xf32, #tpu.memory_space<vmem>> -> memref<32768xf32, #tpu.memory_space<vmem>>
    tpu.wait_dma2 semaphore(%arg10 : memref<!tpu.dma_semaphore, #tpu.memory_space<semaphore_mem>>) src(%dma_wait3A_119 : memref<32768xf32, #tpu.memory_space<vmem>>) dst(%dma_wait3A_116 : memref<32768xf32, #tpu.memory_space<hbm>>)
    %add3A_120 = arith.constant 6144 : i32
    %add3A_121 = arith.addi %add3A_120, %add3A_4 : i32
    %mul3A_122 = arith.constant 2048 : i32
    %mul3A_123 = arith.muli %add3A_121, %mul3A_122 : i32
    %dma_start3A_124 = arith.constant 1 : i32
    %dma_start3A_125 = arith.constant 0 : i32
    %dma_start3A_126 = tpu.memref_slice %arg5[%dma_start3A_124, %dma_start3A_125] : memref<2x32768xf32, #tpu.memory_space<vmem>> -> memref<1x32768xf32, #tpu.memory_space<vmem>>
    %dma_start3A_127 = tpu.memref_squeeze %dma_start3A_126 : memref<1x32768xf32, #tpu.memory_space<vmem>> -> memref<32768xf32, #tpu.memory_space<vmem>>
    %dma_start3A_128 = tpu.memref_slice %arg2[%mul3A_123] : memref<16777216xf32, #tpu.memory_space<hbm>> -> memref<32768xf32, #tpu.memory_space<hbm>>
    %dma_start3A_129 = arith.constant 0 : i32
    %dma_start3A_130 = tpu.memref_slice %arg5[%dma_start3A_124, %dma_start3A_129] : memref<2x32768xf32, #tpu.memory_space<vmem>> -> memref<1x32768xf32, #tpu.memory_space<vmem>>
    %dma_start3A_131 = tpu.memref_squeeze %dma_start3A_130 : memref<1x32768xf32, #tpu.memory_space<vmem>> -> memref<32768xf32, #tpu.memory_space<vmem>>
    %dma_start3A_132 = tpu.memref_slice %arg2[%mul3A_123] : memref<16777216xf32, #tpu.memory_space<hbm>> -> memref<32768xf32, #tpu.memory_space<hbm>>
    tpu.enqueue_dma source(%dma_start3A_132 : memref<32768xf32, #tpu.memory_space<hbm>>) target(%dma_start3A_131 : memref<32768xf32, #tpu.memory_space<vmem>>) target_semaphore(%arg8 : memref<!tpu.dma_semaphore, #tpu.memory_space<semaphore_mem>>)
    %parallel_loop3A_133 = arith.constant 0 : i32
    %parallel_loop3A_134 = arith.constant 32768 : i32
    %parallel_loop3A_135 = arith.constant 16 : i32
    scf.for %parallel_loop3A_768 = %parallel_loop3A_133 to %parallel_loop3A_134 step %parallel_loop3A_135  : i32 {
      %parallel_loop3A_769 = arith.constant 0 : i32
      %parallel_loop3A_770 = arith.index_cast %parallel_loop3A_769 : i32 to index
      %parallel_loop3A_771 = arith.index_cast %parallel_loop3A_768 : i32 to index
      %parallel_loop3A_772 = tpu.vector_load %arg5[%parallel_loop3A_770, %parallel_loop3A_771] {strides = array<i32>} : memref<2x32768xf32, #tpu.memory_space<vmem>>, vector<1x16xf32>,
      %parallel_loop3A_773 = vector.shape_cast %parallel_loop3A_772 : vector<1x16xf32> to vector<16xf32>
      %parallel_loop3A_774 = arith.index_cast %parallel_loop3A_768 : i32 to index
      %parallel_loop3A_775 = tpu.vector_load %arg6[%parallel_loop3A_774] {strides = array<i32>} : memref<32768xf32, #tpu.memory_space<vmem>>, vector<16xf32>,
      %parallel_loop3A_776 = vector.shape_cast %parallel_loop3A_775 : vector<16xf32> to vector<16xf32>
      %parallel_loop3A_777 = arith.addf %parallel_loop3A_773, %parallel_loop3A_776 : vector<16xf32>
      %parallel_loop3A_778 = arith.constant 0 : i32
      %parallel_loop3A_779 = arith.index_cast %parallel_loop3A_778 : i32 to index
      %parallel_loop3A_780 = arith.index_cast %parallel_loop3A_768 : i32 to index
      %parallel_loop3A_781 = tpu.vector_load %arg5[%parallel_loop3A_779, %parallel_loop3A_780] {strides = array<i32>} : memref<2x32768xf32, #tpu.memory_space<vmem>>, vector<1x16xf32>,
      %parallel_loop3A_782 = vector.shape_cast %parallel_loop3A_781 : vector<1x16xf32> to vector<16xf32>
      %parallel_loop3A_783 = vector.shape_cast %parallel_loop3A_777 : vector<16xf32> to vector<1x16xf32>
      tpu.vector_store %arg5[%parallel_loop3A_779, %parallel_loop3A_780], %parallel_loop3A_783 {strides = array<i32>} : memref<2x32768xf32, #tpu.memory_space<vmem>>, vector<1x16xf32>,
    } {sc.loop_unroll_factor = 8 : i64, sc.parallel_access}
    %add3A_136 = arith.constant 4096 : i32
    %add3A_137 = arith.addi %add3A_136, %add3A_4 : i32
    %mul3A_138 = arith.constant 2048 : i32
    %mul3A_139 = arith.muli %add3A_137, %mul3A_138 : i32
    %dma_start3A_140 = arith.constant 0 : i32
    %dma_start3A_141 = arith.constant 0 : i32
    %dma_start3A_142 = tpu.memref_slice %arg5[%dma_start3A_140, %dma_start3A_141] : memref<2x32768xf32, #tpu.memory_space<vmem>> -> memref<1x32768xf32, #tpu.memory_space<vmem>>
    %dma_start3A_143 = tpu.memref_squeeze %dma_start3A_142 : memref<1x32768xf32, #tpu.memory_space<vmem>> -> memref<32768xf32, #tpu.memory_space<vmem>>
    %dma_start3A_144 = tpu.memref_slice %arg4[%mul3A_139] : memref<16777216xf32, #tpu.memory_space<hbm>> -> memref<32768xf32, #tpu.memory_space<hbm>>
    %dma_start3A_145 = tpu.memref_slice %arg4[%mul3A_139] : memref<16777216xf32, #tpu.memory_space<hbm>> -> memref<32768xf32, #tpu.memory_space<hbm>>
    %dma_start3A_146 = arith.constant 0 : i32
    %dma_start3A_147 = tpu.memref_slice %arg5[%dma_start3A_140, %dma_start3A_146] : memref<2x32768xf32, #tpu.memory_space<vmem>> -> memref<1x32768xf32, #tpu.memory_space<vmem>>
    %dma_start3A_148 = tpu.memref_squeeze %dma_start3A_147 : memref<1x32768xf32, #tpu.memory_space<vmem>> -> memref<32768xf32, #tpu.memory_space<vmem>>
    tpu.enqueue_dma source(%dma_start3A_148 : memref<32768xf32, #tpu.memory_space<vmem>>) target(%dma_start3A_145 : memref<32768xf32, #tpu.memory_space<hbm>>) target_semaphore(%arg9 : memref<!tpu.dma_semaphore, #tpu.memory_space<semaphore_mem>>)
    %dma_wait3A_149 = arith.constant 1 : i32
    %dma_wait3A_150 = arith.constant 0 : i32
    %dma_wait3A_151 = tpu.memref_slice %arg5[%dma_wait3A_149, %dma_wait3A_150] : memref<2x32768xf32, #tpu.memory_space<vmem>> -> memref<1x32768xf32, #tpu.memory_space<vmem>>
    %dma_wait3A_152 = tpu.memref_squeeze %dma_wait3A_151 : memref<1x32768xf32, #tpu.memory_space<vmem>> -> memref<32768xf32, #tpu.memory_space<vmem>>
    %dma_wait3A_153 = tpu.memref_slice %arg2[%mul3A_123] : memref<16777216xf32, #tpu.memory_space<hbm>> -> memref<32768xf32, #tpu.memory_space<hbm>>
    %dma_wait3A_154 = arith.constant 0 : i32
    %dma_wait3A_155 = tpu.memref_slice %arg5[%dma_wait3A_149, %dma_wait3A_154] : memref<2x32768xf32, #tpu.memory_space<vmem>> -> memref<1x32768xf32, #tpu.memory_space<vmem>>
    %dma_wait3A_156 = tpu.memref_squeeze %dma_wait3A_155 : memref<1x32768xf32, #tpu.memory_space<vmem>> -> memref<32768xf32, #tpu.memory_space<vmem>>
    %dma_wait3A_157 = tpu.memref_slice %arg2[%mul3A_123] : memref<16777216xf32, #tpu.memory_space<hbm>> -> memref<32768xf32, #tpu.memory_space<hbm>>
    tpu.wait_dma2 semaphore(%arg8 : memref<!tpu.dma_semaphore, #tpu.memory_space<semaphore_mem>>) src(%dma_wait3A_157 : memref<32768xf32, #tpu.memory_space<hbm>>) dst(%dma_wait3A_156 : memref<32768xf32, #tpu.memory_space<vmem>>)
    %parallel_loop3A_158 = arith.constant 0 : i32
    %parallel_loop3A_159 = arith.constant 32768 : i32
    %parallel_loop3A_160 = arith.constant 16 : i32
    scf.for %parallel_loop3A_768 = %parallel_loop3A_158 to %parallel_loop3A_159 step %parallel_loop3A_160  : i32 {
      %parallel_loop3A_769 = arith.constant 1 : i32
      %parallel_loop3A_770 = arith.index_cast %parallel_loop3A_769 : i32 to index
      %parallel_loop3A_771 = arith.index_cast %parallel_loop3A_768 : i32 to index
      %parallel_loop3A_772 = tpu.vector_load %arg5[%parallel_loop3A_770, %parallel_loop3A_771] {strides = array<i32>} : memref<2x32768xf32, #tpu.memory_space<vmem>>, vector<1x16xf32>,
      %parallel_loop3A_773 = vector.shape_cast %parallel_loop3A_772 : vector<1x16xf32> to vector<16xf32>
      %parallel_loop3A_774 = arith.index_cast %parallel_loop3A_768 : i32 to index
      %parallel_loop3A_775 = tpu.vector_load %arg6[%parallel_loop3A_774] {strides = array<i32>} : memref<32768xf32, #tpu.memory_space<vmem>>, vector<16xf32>,
      %parallel_loop3A_776 = vector.shape_cast %parallel_loop3A_775 : vector<16xf32> to vector<16xf32>
      %parallel_loop3A_777 = arith.addf %parallel_loop3A_773, %parallel_loop3A_776 : vector<16xf32>
      %parallel_loop3A_778 = arith.constant 1 : i32
      %parallel_loop3A_779 = arith.index_cast %parallel_loop3A_778 : i32 to index
      %parallel_loop3A_780 = arith.index_cast %parallel_loop3A_768 : i32 to index
      %parallel_loop3A_781 = tpu.vector_load %arg5[%parallel_loop3A_779, %parallel_loop3A_780] {strides = array<i32>} : memref<2x32768xf32, #tpu.memory_space<vmem>>, vector<1x16xf32>,
      %parallel_loop3A_782 = vector.shape_cast %parallel_loop3A_781 : vector<1x16xf32> to vector<16xf32>
      %parallel_loop3A_783 = vector.shape_cast %parallel_loop3A_777 : vector<16xf32> to vector<1x16xf32>
      tpu.vector_store %arg5[%parallel_loop3A_779, %parallel_loop3A_780], %parallel_loop3A_783 {strides = array<i32>} : memref<2x32768xf32, #tpu.memory_space<vmem>>, vector<1x16xf32>,
    } {sc.loop_unroll_factor = 8 : i64, sc.parallel_access}
    %add3A_161 = arith.constant 6144 : i32
    %add3A_162 = arith.addi %add3A_161, %add3A_4 : i32
    %mul3A_163 = arith.constant 2048 : i32
    %mul3A_164 = arith.muli %add3A_162, %mul3A_163 : i32
    %dma_start3A_165 = arith.constant 1 : i32
    %dma_start3A_166 = arith.constant 0 : i32
    %dma_start3A_167 = tpu.memref_slice %arg5[%dma_start3A_165, %dma_start3A_166] : memref<2x32768xf32, #tpu.memory_space<vmem>> -> memref<1x32768xf32, #tpu.memory_space<vmem>>
    %dma_start3A_168 = tpu.memref_squeeze %dma_start3A_167 : memref<1x32768xf32, #tpu.memory_space<vmem>> -> memref<32768xf32, #tpu.memory_space<vmem>>
    %dma_start3A_169 = tpu.memref_slice %arg4[%mul3A_164] : memref<16777216xf32, #tpu.memory_space<hbm>> -> memref<32768xf32, #tpu.memory_space<hbm>>
    %dma_start3A_170 = tpu.memref_slice %arg4[%mul3A_164] : memref<16777216xf32, #tpu.memory_space<hbm>> -> memref<32768xf32, #tpu.memory_space<hbm>>
    %dma_start3A_171 = arith.constant 0 : i32
    %dma_start3A_172 = tpu.memref_slice %arg5[%dma_start3A_165, %dma_start3A_171] : memref<2x32768xf32, #tpu.memory_space<vmem>> -> memref<1x32768xf32, #tpu.memory_space<vmem>>
    %dma_start3A_173 = tpu.memref_squeeze %dma_start3A_172 : memref<1x32768xf32, #tpu.memory_space<vmem>> -> memref<32768xf32, #tpu.memory_space<vmem>>
    tpu.enqueue_dma source(%dma_start3A_173 : memref<32768xf32, #tpu.memory_space<vmem>>) target(%dma_start3A_170 : memref<32768xf32, #tpu.memory_space<hbm>>) target_semaphore(%arg10 : memref<!tpu.dma_semaphore, #tpu.memory_space<semaphore_mem>>)
    %dma_wait3A_174 = arith.constant 0 : i32
    %dma_wait3A_175 = arith.constant 0 : i32
    %dma_wait3A_176 = tpu.memref_slice %arg5[%dma_wait3A_174, %dma_wait3A_175] : memref<2x32768xf32, #tpu.memory_space<vmem>> -> memref<1x32768xf32, #tpu.memory_space<vmem>>
    %dma_wait3A_177 = tpu.memref_squeeze %dma_wait3A_176 : memref<1x32768xf32, #tpu.memory_space<vmem>> -> memref<32768xf32, #tpu.memory_space<vmem>>
    %dma_wait3A_178 = tpu.memref_slice %arg4[%mul3A_139] : memref<16777216xf32, #tpu.memory_space<hbm>> -> memref<32768xf32, #tpu.memory_space<hbm>>
    %dma_wait3A_179 = tpu.memref_slice %arg4[%mul3A_139] : memref<16777216xf32, #tpu.memory_space<hbm>> -> memref<32768xf32, #tpu.memory_space<hbm>>
    %dma_wait3A_180 = arith.constant 0 : i32
    %dma_wait3A_181 = tpu.memref_slice %arg5[%dma_wait3A_174, %dma_wait3A_180] : memref<2x32768xf32, #tpu.memory_space<vmem>> -> memref<1x32768xf32, #tpu.memory_space<vmem>>
    %dma_wait3A_182 = tpu.memref_squeeze %dma_wait3A_181 : memref<1x32768xf32, #tpu.memory_space<vmem>> -> memref<32768xf32, #tpu.memory_space<vmem>>
    tpu.wait_dma2 semaphore(%arg9 : memref<!tpu.dma_semaphore, #tpu.memory_space<semaphore_mem>>) src(%dma_wait3A_182 : memref<32768xf32, #tpu.memory_space<vmem>>) dst(%dma_wait3A_179 : memref<32768xf32, #tpu.memory_space<hbm>>)
    %dma_wait3A_183 = arith.constant 1 : i32
    %dma_wait3A_184 = arith.constant 0 : i32
    %dma_wait3A_185 = tpu.memref_slice %arg5[%dma_wait3A_183, %dma_wait3A_184] : memref<2x32768xf32, #tpu.memory_space<vmem>> -> memref<1x32768xf32, #tpu.memory_space<vmem>>
    %dma_wait3A_186 = tpu.memref_squeeze %dma_wait3A_185 : memref<1x32768xf32, #tpu.memory_space<vmem>> -> memref<32768xf32, #tpu.memory_space<vmem>>
    %dma_wait3A_187 = tpu.memref_slice %arg4[%mul3A_164] : memref<16777216xf32, #tpu.memory_space<hbm>> -> memref<32768xf32, #tpu.memory_space<hbm>>
    %dma_wait3A_188 = tpu.memref_slice %arg4[%mul3A_164] : memref<16777216xf32, #tpu.memory_space<hbm>> -> memref<32768xf32, #tpu.memory_space<hbm>>
    %dma_wait3A_189 = arith.constant 0 : i32
    %dma_wait3A_190 = tpu.memref_slice %arg5[%dma_wait3A_183, %dma_wait3A_189] : memref<2x32768xf32, #tpu.memory_space<vmem>> -> memref<1x32768xf32, #tpu.memory_space<vmem>>
    %dma_wait3A_191 = tpu.memref_squeeze %dma_wait3A_190 : memref<1x32768xf32, #tpu.memory_space<vmem>> -> memref<32768xf32, #tpu.memory_space<vmem>>
    tpu.wait_dma2 semaphore(%arg10 : memref<!tpu.dma_semaphore, #tpu.memory_space<semaphore_mem>>) src(%dma_wait3A_191 : memref<32768xf32, #tpu.memory_space<vmem>>) dst(%dma_wait3A_188 : memref<32768xf32, #tpu.memory_space<hbm>>)
    %add3A_192 = arith.constant 16 : i32
    %add3A_193 = arith.addi %mul3A_2, %add3A_192 : i32
    %mul3A_194 = arith.constant 2048 : i32
    %mul3A_195 = arith.muli %add3A_193, %mul3A_194 : i32
    "tpu.region"() ({
      %run_scoped3A = tpu.sem_alloc : memref<!tpu.dma_semaphore, #tpu.memory_space<semaphore_mem>>
      %dma_start3A_768 = tpu.memref_slice %arg3[%mul3A_195] : memref<4194304xf32, #tpu.memory_space<hbm>> -> memref<32768xf32, #tpu.memory_space<hbm>>
      %dma_start3A_769 = tpu.memref_slice %arg3[%mul3A_195] : memref<4194304xf32, #tpu.memory_space<hbm>> -> memref<32768xf32, #tpu.memory_space<hbm>>
      tpu.enqueue_dma source(%dma_start3A_769 : memref<32768xf32, #tpu.memory_space<hbm>>) target(%arg6 : memref<32768xf32, #tpu.memory_space<vmem>>) target_semaphore(%run_scoped3A : memref<!tpu.dma_semaphore, #tpu.memory_space<semaphore_mem>>)
      %dma_wait3A_770 = tpu.memref_slice %arg3[%mul3A_195] : memref<4194304xf32, #tpu.memory_space<hbm>> -> memref<32768xf32, #tpu.memory_space<hbm>>
      %dma_wait3A_771 = tpu.memref_slice %arg3[%mul3A_195] : memref<4194304xf32, #tpu.memory_space<hbm>> -> memref<32768xf32, #tpu.memory_space<hbm>>
      tpu.wait_dma2 semaphore(%run_scoped3A : memref<!tpu.dma_semaphore, #tpu.memory_space<semaphore_mem>>) src(%dma_wait3A_771 : memref<32768xf32, #tpu.memory_space<hbm>>) dst(%arg6 : memref<32768xf32, #tpu.memory_space<vmem>>)
      tpu.yield
    }) : () -> ()
    %add3A_196 = arith.constant 0 : i32
    %add3A_197 = arith.addi %add3A_196, %add3A_193 : i32
    %mul3A_198 = arith.constant 2048 : i32
    %mul3A_199 = arith.muli %add3A_197, %mul3A_198 : i32
    %dma_start3A_200 = arith.constant 0 : i32
    %dma_start3A_201 = arith.constant 0 : i32
    %dma_start3A_202 = tpu.memref_slice %arg5[%dma_start3A_200, %dma_start3A_201] : memref<2x32768xf32, #tpu.memory_space<vmem>> -> memref<1x32768xf32, #tpu.memory_space<vmem>>
    %dma_start3A_203 = tpu.memref_squeeze %dma_start3A_202 : memref<1x32768xf32, #tpu.memory_space<vmem>> -> memref<32768xf32, #tpu.memory_space<vmem>>
    %dma_start3A_204 = tpu.memref_slice %arg2[%mul3A_199] : memref<16777216xf32, #tpu.memory_space<hbm>> -> memref<32768xf32, #tpu.memory_space<hbm>>
    %dma_start3A_205 = arith.constant 0 : i32
    %dma_start3A_206 = tpu.memref_slice %arg5[%dma_start3A_200, %dma_start3A_205] : memref<2x32768xf32, #tpu.memory_space<vmem>> -> memref<1x32768xf32, #tpu.memory_space<vmem>>
    %dma_start3A_207 = tpu.memref_squeeze %dma_start3A_206 : memref<1x32768xf32, #tpu.memory_space<vmem>> -> memref<32768xf32, #tpu.memory_space<vmem>>
    %dma_start3A_208 = tpu.memref_slice %arg2[%mul3A_199] : memref<16777216xf32, #tpu.memory_space<hbm>> -> memref<32768xf32, #tpu.memory_space<hbm>>
    tpu.enqueue_dma source(%dma_start3A_208 : memref<32768xf32, #tpu.memory_space<hbm>>) target(%dma_start3A_207 : memref<32768xf32, #tpu.memory_space<vmem>>) target_semaphore(%arg7 : memref<!tpu.dma_semaphore, #tpu.memory_space<semaphore_mem>>)
    %dma_wait3A_209 = arith.constant 0 : i32
    %dma_wait3A_210 = arith.constant 0 : i32
    %dma_wait3A_211 = tpu.memref_slice %arg5[%dma_wait3A_209, %dma_wait3A_210] : memref<2x32768xf32, #tpu.memory_space<vmem>> -> memref<1x32768xf32, #tpu.memory_space<vmem>>
    %dma_wait3A_212 = tpu.memref_squeeze %dma_wait3A_211 : memref<1x32768xf32, #tpu.memory_space<vmem>> -> memref<32768xf32, #tpu.memory_space<vmem>>
    %dma_wait3A_213 = tpu.memref_slice %arg2[%mul3A_199] : memref<16777216xf32, #tpu.memory_space<hbm>> -> memref<32768xf32, #tpu.memory_space<hbm>>
    %dma_wait3A_214 = arith.constant 0 : i32
    %dma_wait3A_215 = tpu.memref_slice %arg5[%dma_wait3A_209, %dma_wait3A_214] : memref<2x32768xf32, #tpu.memory_space<vmem>> -> memref<1x32768xf32, #tpu.memory_space<vmem>>
    %dma_wait3A_216 = tpu.memref_squeeze %dma_wait3A_215 : memref<1x32768xf32, #tpu.memory_space<vmem>> -> memref<32768xf32, #tpu.memory_space<vmem>>
    %dma_wait3A_217 = tpu.memref_slice %arg2[%mul3A_199] : memref<16777216xf32, #tpu.memory_space<hbm>> -> memref<32768xf32, #tpu.memory_space<hbm>>
    tpu.wait_dma2 semaphore(%arg7 : memref<!tpu.dma_semaphore, #tpu.memory_space<semaphore_mem>>) src(%dma_wait3A_217 : memref<32768xf32, #tpu.memory_space<hbm>>) dst(%dma_wait3A_216 : memref<32768xf32, #tpu.memory_space<vmem>>)
    %add3A_218 = arith.constant 2048 : i32
    %add3A_219 = arith.addi %add3A_218, %add3A_193 : i32
    %mul3A_220 = arith.constant 2048 : i32
    %mul3A_221 = arith.muli %add3A_219, %mul3A_220 : i32
    %dma_start3A_222 = arith.constant 1 : i32
    %dma_start3A_223 = arith.constant 0 : i32
    %dma_start3A_224 = tpu.memref_slice %arg5[%dma_start3A_222, %dma_start3A_223] : memref<2x32768xf32, #tpu.memory_space<vmem>> -> memref<1x32768xf32, #tpu.memory_space<vmem>>
    %dma_start3A_225 = tpu.memref_squeeze %dma_start3A_224 : memref<1x32768xf32, #tpu.memory_space<vmem>> -> memref<32768xf32, #tpu.memory_space<vmem>>
    %dma_start3A_226 = tpu.memref_slice %arg2[%mul3A_221] : memref<16777216xf32, #tpu.memory_space<hbm>> -> memref<32768xf32, #tpu.memory_space<hbm>>
    %dma_start3A_227 = arith.constant 0 : i32
    %dma_start3A_228 = tpu.memref_slice %arg5[%dma_start3A_222, %dma_start3A_227] : memref<2x32768xf32, #tpu.memory_space<vmem>> -> memref<1x32768xf32, #tpu.memory_space<vmem>>
    %dma_start3A_229 = tpu.memref_squeeze %dma_start3A_228 : memref<1x32768xf32, #tpu.memory_space<vmem>> -> memref<32768xf32, #tpu.memory_space<vmem>>
    %dma_start3A_230 = tpu.memref_slice %arg2[%mul3A_221] : memref<16777216xf32, #tpu.memory_space<hbm>> -> memref<32768xf32, #tpu.memory_space<hbm>>
    tpu.enqueue_dma source(%dma_start3A_230 : memref<32768xf32, #tpu.memory_space<hbm>>) target(%dma_start3A_229 : memref<32768xf32, #tpu.memory_space<vmem>>) target_semaphore(%arg8 : memref<!tpu.dma_semaphore, #tpu.memory_space<semaphore_mem>>)
    %parallel_loop3A_231 = arith.constant 0 : i32
    %parallel_loop3A_232 = arith.constant 32768 : i32
    %parallel_loop3A_233 = arith.constant 16 : i32
    scf.for %parallel_loop3A_768 = %parallel_loop3A_231 to %parallel_loop3A_232 step %parallel_loop3A_233  : i32 {
      %parallel_loop3A_769 = arith.constant 0 : i32
      %parallel_loop3A_770 = arith.index_cast %parallel_loop3A_769 : i32 to index
      %parallel_loop3A_771 = arith.index_cast %parallel_loop3A_768 : i32 to index
      %parallel_loop3A_772 = tpu.vector_load %arg5[%parallel_loop3A_770, %parallel_loop3A_771] {strides = array<i32>} : memref<2x32768xf32, #tpu.memory_space<vmem>>, vector<1x16xf32>,
      %parallel_loop3A_773 = vector.shape_cast %parallel_loop3A_772 : vector<1x16xf32> to vector<16xf32>
      %parallel_loop3A_774 = arith.index_cast %parallel_loop3A_768 : i32 to index
      %parallel_loop3A_775 = tpu.vector_load %arg6[%parallel_loop3A_774] {strides = array<i32>} : memref<32768xf32, #tpu.memory_space<vmem>>, vector<16xf32>,
      %parallel_loop3A_776 = vector.shape_cast %parallel_loop3A_775 : vector<16xf32> to vector<16xf32>
      %parallel_loop3A_777 = arith.addf %parallel_loop3A_773, %parallel_loop3A_776 : vector<16xf32>
      %parallel_loop3A_778 = arith.constant 0 : i32
      %parallel_loop3A_779 = arith.index_cast %parallel_loop3A_778 : i32 to index
      %parallel_loop3A_780 = arith.index_cast %parallel_loop3A_768 : i32 to index
      %parallel_loop3A_781 = tpu.vector_load %arg5[%parallel_loop3A_779, %parallel_loop3A_780] {strides = array<i32>} : memref<2x32768xf32, #tpu.memory_space<vmem>>, vector<1x16xf32>,
      %parallel_loop3A_782 = vector.shape_cast %parallel_loop3A_781 : vector<1x16xf32> to vector<16xf32>
      %parallel_loop3A_783 = vector.shape_cast %parallel_loop3A_777 : vector<16xf32> to vector<1x16xf32>
      tpu.vector_store %arg5[%parallel_loop3A_779, %parallel_loop3A_780], %parallel_loop3A_783 {strides = array<i32>} : memref<2x32768xf32, #tpu.memory_space<vmem>>, vector<1x16xf32>,
    } {sc.loop_unroll_factor = 8 : i64, sc.parallel_access}
    %add3A_234 = arith.constant 0 : i32
    %add3A_235 = arith.addi %add3A_234, %add3A_193 : i32
    %mul3A_236 = arith.constant 2048 : i32
    %mul3A_237 = arith.muli %add3A_235, %mul3A_236 : i32
    %dma_start3A_238 = arith.constant 0 : i32
    %dma_start3A_239 = arith.constant 0 : i32
    %dma_start3A_240 = tpu.memref_slice %arg5[%dma_start3A_238, %dma_start3A_239] : memref<2x32768xf32, #tpu.memory_space<vmem>> -> memref<1x32768xf32, #tpu.memory_space<vmem>>
    %dma_start3A_241 = tpu.memref_squeeze %dma_start3A_240 : memref<1x32768xf32, #tpu.memory_space<vmem>> -> memref<32768xf32, #tpu.memory_space<vmem>>
    %dma_start3A_242 = tpu.memref_slice %arg4[%mul3A_237] : memref<16777216xf32, #tpu.memory_space<hbm>> -> memref<32768xf32, #tpu.memory_space<hbm>>
    %dma_start3A_243 = tpu.memref_slice %arg4[%mul3A_237] : memref<16777216xf32, #tpu.memory_space<hbm>> -> memref<32768xf32, #tpu.memory_space<hbm>>
    %dma_start3A_244 = arith.constant 0 : i32
    %dma_start3A_245 = tpu.memref_slice %arg5[%dma_start3A_238, %dma_start3A_244] : memref<2x32768xf32, #tpu.memory_space<vmem>> -> memref<1x32768xf32, #tpu.memory_space<vmem>>
    %dma_start3A_246 = tpu.memref_squeeze %dma_start3A_245 : memref<1x32768xf32, #tpu.memory_space<vmem>> -> memref<32768xf32, #tpu.memory_space<vmem>>
    tpu.enqueue_dma source(%dma_start3A_246 : memref<32768xf32, #tpu.memory_space<vmem>>) target(%dma_start3A_243 : memref<32768xf32, #tpu.memory_space<hbm>>) target_semaphore(%arg9 : memref<!tpu.dma_semaphore, #tpu.memory_space<semaphore_mem>>)
    %dma_wait3A_247 = arith.constant 1 : i32
    %dma_wait3A_248 = arith.constant 0 : i32
    %dma_wait3A_249 = tpu.memref_slice %arg5[%dma_wait3A_247, %dma_wait3A_248] : memref<2x32768xf32, #tpu.memory_space<vmem>> -> memref<1x32768xf32, #tpu.memory_space<vmem>>
    %dma_wait3A_250 = tpu.memref_squeeze %dma_wait3A_249 : memref<1x32768xf32, #tpu.memory_space<vmem>> -> memref<32768xf32, #tpu.memory_space<vmem>>
    %dma_wait3A_251 = tpu.memref_slice %arg2[%mul3A_221] : memref<16777216xf32, #tpu.memory_space<hbm>> -> memref<32768xf32, #tpu.memory_space<hbm>>
    %dma_wait3A_252 = arith.constant 0 : i32
    %dma_wait3A_253 = tpu.memref_slice %arg5[%dma_wait3A_247, %dma_wait3A_252] : memref<2x32768xf32, #tpu.memory_space<vmem>> -> memref<1x32768xf32, #tpu.memory_space<vmem>>
    %dma_wait3A_254 = tpu.memref_squeeze %dma_wait3A_253 : memref<1x32768xf32, #tpu.memory_space<vmem>> -> memref<32768xf32, #tpu.memory_space<vmem>>
    %dma_wait3A_255 = tpu.memref_slice %arg2[%mul3A_221] : memref<16777216xf32, #tpu.memory_space<hbm>> -> memref<32768xf32, #tpu.memory_space<hbm>>
    tpu.wait_dma2 semaphore(%arg8 : memref<!tpu.dma_semaphore, #tpu.memory_space<semaphore_mem>>) src(%dma_wait3A_255 : memref<32768xf32, #tpu.memory_space<hbm>>) dst(%dma_wait3A_254 : memref<32768xf32, #tpu.memory_space<vmem>>)
    %dma_wait3A_256 = arith.constant 0 : i32
    %dma_wait3A_257 = arith.constant 0 : i32
    %dma_wait3A_258 = tpu.memref_slice %arg5[%dma_wait3A_256, %dma_wait3A_257] : memref<2x32768xf32, #tpu.memory_space<vmem>> -> memref<1x32768xf32, #tpu.memory_space<vmem>>
    %dma_wait3A_259 = tpu.memref_squeeze %dma_wait3A_258 : memref<1x32768xf32, #tpu.memory_space<vmem>> -> memref<32768xf32, #tpu.memory_space<vmem>>
    %dma_wait3A_260 = tpu.memref_slice %arg4[%mul3A_237] : memref<16777216xf32, #tpu.memory_space<hbm>> -> memref<32768xf32, #tpu.memory_space<hbm>>
    %dma_wait3A_261 = tpu.memref_slice %arg4[%mul3A_237] : memref<16777216xf32, #tpu.memory_space<hbm>> -> memref<32768xf32, #tpu.memory_space<hbm>>
    %dma_wait3A_262 = arith.constant 0 : i32
    %dma_wait3A_263 = tpu.memref_slice %arg5[%dma_wait3A_256, %dma_wait3A_262] : memref<2x32768xf32, #tpu.memory_space<vmem>> -> memref<1x32768xf32, #tpu.memory_space<vmem>>
    %dma_wait3A_264 = tpu.memref_squeeze %dma_wait3A_263 : memref<1x32768xf32, #tpu.memory_space<vmem>> -> memref<32768xf32, #tpu.memory_space<vmem>>
    tpu.wait_dma2 semaphore(%arg9 : memref<!tpu.dma_semaphore, #tpu.memory_space<semaphore_mem>>) src(%dma_wait3A_264 : memref<32768xf32, #tpu.memory_space<vmem>>) dst(%dma_wait3A_261 : memref<32768xf32, #tpu.memory_space<hbm>>)
    %add3A_265 = arith.constant 4096 : i32
    %add3A_266 = arith.addi %add3A_265, %add3A_193 : i32
    %mul3A_267 = arith.constant 2048 : i32
    %mul3A_268 = arith.muli %add3A_266, %mul3A_267 : i32
    %dma_start3A_269 = arith.constant 0 : i32
    %dma_start3A_270 = arith.constant 0 : i32
    %dma_start3A_271 = tpu.memref_slice %arg5[%dma_start3A_269, %dma_start3A_270] : memref<2x32768xf32, #tpu.memory_space<vmem>> -> memref<1x32768xf32, #tpu.memory_space<vmem>>
    %dma_start3A_272 = tpu.memref_squeeze %dma_start3A_271 : memref<1x32768xf32, #tpu.memory_space<vmem>> -> memref<32768xf32, #tpu.memory_space<vmem>>
    %dma_start3A_273 = tpu.memref_slice %arg2[%mul3A_268] : memref<16777216xf32, #tpu.memory_space<hbm>> -> memref<32768xf32, #tpu.memory_space<hbm>>
    %dma_start3A_274 = arith.constant 0 : i32
    %dma_start3A_275 = tpu.memref_slice %arg5[%dma_start3A_269, %dma_start3A_274] : memref<2x32768xf32, #tpu.memory_space<vmem>> -> memref<1x32768xf32, #tpu.memory_space<vmem>>
    %dma_start3A_276 = tpu.memref_squeeze %dma_start3A_275 : memref<1x32768xf32, #tpu.memory_space<vmem>> -> memref<32768xf32, #tpu.memory_space<vmem>>
    %dma_start3A_277 = tpu.memref_slice %arg2[%mul3A_268] : memref<16777216xf32, #tpu.memory_space<hbm>> -> memref<32768xf32, #tpu.memory_space<hbm>>
    tpu.enqueue_dma source(%dma_start3A_277 : memref<32768xf32, #tpu.memory_space<hbm>>) target(%dma_start3A_276 : memref<32768xf32, #tpu.memory_space<vmem>>) target_semaphore(%arg7 : memref<!tpu.dma_semaphore, #tpu.memory_space<semaphore_mem>>)
    %parallel_loop3A_278 = arith.constant 0 : i32
    %parallel_loop3A_279 = arith.constant 32768 : i32
    %parallel_loop3A_280 = arith.constant 16 : i32
    scf.for %parallel_loop3A_768 = %parallel_loop3A_278 to %parallel_loop3A_279 step %parallel_loop3A_280  : i32 {
      %parallel_loop3A_769 = arith.constant 1 : i32
      %parallel_loop3A_770 = arith.index_cast %parallel_loop3A_769 : i32 to index
      %parallel_loop3A_771 = arith.index_cast %parallel_loop3A_768 : i32 to index
      %parallel_loop3A_772 = tpu.vector_load %arg5[%parallel_loop3A_770, %parallel_loop3A_771] {strides = array<i32>} : memref<2x32768xf32, #tpu.memory_space<vmem>>, vector<1x16xf32>,
      %parallel_loop3A_773 = vector.shape_cast %parallel_loop3A_772 : vector<1x16xf32> to vector<16xf32>
      %parallel_loop3A_774 = arith.index_cast %parallel_loop3A_768 : i32 to index
      %parallel_loop3A_775 = tpu.vector_load %arg6[%parallel_loop3A_774] {strides = array<i32>} : memref<32768xf32, #tpu.memory_space<vmem>>, vector<16xf32>,
      %parallel_loop3A_776 = vector.shape_cast %parallel_loop3A_775 : vector<16xf32> to vector<16xf32>
      %parallel_loop3A_777 = arith.addf %parallel_loop3A_773, %parallel_loop3A_776 : vector<16xf32>
      %parallel_loop3A_778 = arith.constant 1 : i32
      %parallel_loop3A_779 = arith.index_cast %parallel_loop3A_778 : i32 to index
      %parallel_loop3A_780 = arith.index_cast %parallel_loop3A_768 : i32 to index
      %parallel_loop3A_781 = tpu.vector_load %arg5[%parallel_loop3A_779, %parallel_loop3A_780] {strides = array<i32>} : memref<2x32768xf32, #tpu.memory_space<vmem>>, vector<1x16xf32>,
      %parallel_loop3A_782 = vector.shape_cast %parallel_loop3A_781 : vector<1x16xf32> to vector<16xf32>
      %parallel_loop3A_783 = vector.shape_cast %parallel_loop3A_777 : vector<16xf32> to vector<1x16xf32>
      tpu.vector_store %arg5[%parallel_loop3A_779, %parallel_loop3A_780], %parallel_loop3A_783 {strides = array<i32>} : memref<2x32768xf32, #tpu.memory_space<vmem>>, vector<1x16xf32>,
    } {sc.loop_unroll_factor = 8 : i64, sc.parallel_access}
    %add3A_281 = arith.constant 2048 : i32
    %add3A_282 = arith.addi %add3A_281, %add3A_193 : i32
    %mul3A_283 = arith.constant 2048 : i32
    %mul3A_284 = arith.muli %add3A_282, %mul3A_283 : i32
    %dma_start3A_285 = arith.constant 1 : i32
    %dma_start3A_286 = arith.constant 0 : i32
    %dma_start3A_287 = tpu.memref_slice %arg5[%dma_start3A_285, %dma_start3A_286] : memref<2x32768xf32, #tpu.memory_space<vmem>> -> memref<1x32768xf32, #tpu.memory_space<vmem>>
    %dma_start3A_288 = tpu.memref_squeeze %dma_start3A_287 : memref<1x32768xf32, #tpu.memory_space<vmem>> -> memref<32768xf32, #tpu.memory_space<vmem>>
    %dma_start3A_289 = tpu.memref_slice %arg4[%mul3A_284] : memref<16777216xf32, #tpu.memory_space<hbm>> -> memref<32768xf32, #tpu.memory_space<hbm>>
    %dma_start3A_290 = tpu.memref_slice %arg4[%mul3A_284] : memref<16777216xf32, #tpu.memory_space<hbm>> -> memref<32768xf32, #tpu.memory_space<hbm>>
    %dma_start3A_291 = arith.constant 0 : i32
    %dma_start3A_292 = tpu.memref_slice %arg5[%dma_start3A_285, %dma_start3A_291] : memref<2x32768xf32, #tpu.memory_space<vmem>> -> memref<1x32768xf32, #tpu.memory_space<vmem>>
    %dma_start3A_293 = tpu.memref_squeeze %dma_start3A_292 : memref<1x32768xf32, #tpu.memory_space<vmem>> -> memref<32768xf32, #tpu.memory_space<vmem>>
    tpu.enqueue_dma source(%dma_start3A_293 : memref<32768xf32, #tpu.memory_space<vmem>>) target(%dma_start3A_290 : memref<32768xf32, #tpu.memory_space<hbm>>) target_semaphore(%arg10 : memref<!tpu.dma_semaphore, #tpu.memory_space<semaphore_mem>>)
    %dma_wait3A_294 = arith.constant 0 : i32
    %dma_wait3A_295 = arith.constant 0 : i32
    %dma_wait3A_296 = tpu.memref_slice %arg5[%dma_wait3A_294, %dma_wait3A_295] : memref<2x32768xf32, #tpu.memory_space<vmem>> -> memref<1x32768xf32, #tpu.memory_space<vmem>>
    %dma_wait3A_297 = tpu.memref_squeeze %dma_wait3A_296 : memref<1x32768xf32, #tpu.memory_space<vmem>> -> memref<32768xf32, #tpu.memory_space<vmem>>
    %dma_wait3A_298 = tpu.memref_slice %arg2[%mul3A_268] : memref<16777216xf32, #tpu.memory_space<hbm>> -> memref<32768xf32, #tpu.memory_space<hbm>>
    %dma_wait3A_299 = arith.constant 0 : i32
    %dma_wait3A_300 = tpu.memref_slice %arg5[%dma_wait3A_294, %dma_wait3A_299] : memref<2x32768xf32, #tpu.memory_space<vmem>> -> memref<1x32768xf32, #tpu.memory_space<vmem>>
    %dma_wait3A_301 = tpu.memref_squeeze %dma_wait3A_300 : memref<1x32768xf32, #tpu.memory_space<vmem>> -> memref<32768xf32, #tpu.memory_space<vmem>>
    %dma_wait3A_302 = tpu.memref_slice %arg2[%mul3A_268] : memref<16777216xf32, #tpu.memory_space<hbm>> -> memref<32768xf32, #tpu.memory_space<hbm>>
    tpu.wait_dma2 semaphore(%arg7 : memref<!tpu.dma_semaphore, #tpu.memory_space<semaphore_mem>>) src(%dma_wait3A_302 : memref<32768xf32, #tpu.memory_space<hbm>>) dst(%dma_wait3A_301 : memref<32768xf32, #tpu.memory_space<vmem>>)
    %dma_wait3A_303 = arith.constant 1 : i32
    %dma_wait3A_304 = arith.constant 0 : i32
    %dma_wait3A_305 = tpu.memref_slice %arg5[%dma_wait3A_303, %dma_wait3A_304] : memref<2x32768xf32, #tpu.memory_space<vmem>> -> memref<1x32768xf32, #tpu.memory_space<vmem>>
    %dma_wait3A_306 = tpu.memref_squeeze %dma_wait3A_305 : memref<1x32768xf32, #tpu.memory_space<vmem>> -> memref<32768xf32, #tpu.memory_space<vmem>>
    %dma_wait3A_307 = tpu.memref_slice %arg4[%mul3A_284] : memref<16777216xf32, #tpu.memory_space<hbm>> -> memref<32768xf32, #tpu.memory_space<hbm>>
    %dma_wait3A_308 = tpu.memref_slice %arg4[%mul3A_284] : memref<16777216xf32, #tpu.memory_space<hbm>> -> memref<32768xf32, #tpu.memory_space<hbm>>
    %dma_wait3A_309 = arith.constant 0 : i32
    %dma_wait3A_310 = tpu.memref_slice %arg5[%dma_wait3A_303, %dma_wait3A_309] : memref<2x32768xf32, #tpu.memory_space<vmem>> -> memref<1x32768xf32, #tpu.memory_space<vmem>>
    %dma_wait3A_311 = tpu.memref_squeeze %dma_wait3A_310 : memref<1x32768xf32, #tpu.memory_space<vmem>> -> memref<32768xf32, #tpu.memory_space<vmem>>
    tpu.wait_dma2 semaphore(%arg10 : memref<!tpu.dma_semaphore, #tpu.memory_space<semaphore_mem>>) src(%dma_wait3A_311 : memref<32768xf32, #tpu.memory_space<vmem>>) dst(%dma_wait3A_308 : memref<32768xf32, #tpu.memory_space<hbm>>)
    %add3A_312 = arith.constant 6144 : i32
    %add3A_313 = arith.addi %add3A_312, %add3A_193 : i32
    %mul3A_314 = arith.constant 2048 : i32
    %mul3A_315 = arith.muli %add3A_313, %mul3A_314 : i32
    %dma_start3A_316 = arith.constant 1 : i32
    %dma_start3A_317 = arith.constant 0 : i32
    %dma_start3A_318 = tpu.memref_slice %arg5[%dma_start3A_316, %dma_start3A_317] : memref<2x32768xf32, #tpu.memory_space<vmem>> -> memref<1x32768xf32, #tpu.memory_space<vmem>>
    %dma_start3A_319 = tpu.memref_squeeze %dma_start3A_318 : memref<1x32768xf32, #tpu.memory_space<vmem>> -> memref<32768xf32, #tpu.memory_space<vmem>>
    %dma_start3A_320 = tpu.memref_slice %arg2[%mul3A_315] : memref<16777216xf32, #tpu.memory_space<hbm>> -> memref<32768xf32, #tpu.memory_space<hbm>>
    %dma_start3A_321 = arith.constant 0 : i32
    %dma_start3A_322 = tpu.memref_slice %arg5[%dma_start3A_316, %dma_start3A_321] : memref<2x32768xf32, #tpu.memory_space<vmem>> -> memref<1x32768xf32, #tpu.memory_space<vmem>>
    %dma_start3A_323 = tpu.memref_squeeze %dma_start3A_322 : memref<1x32768xf32, #tpu.memory_space<vmem>> -> memref<32768xf32, #tpu.memory_space<vmem>>
    %dma_start3A_324 = tpu.memref_slice %arg2[%mul3A_315] : memref<16777216xf32, #tpu.memory_space<hbm>> -> memref<32768xf32, #tpu.memory_space<hbm>>
    tpu.enqueue_dma source(%dma_start3A_324 : memref<32768xf32, #tpu.memory_space<hbm>>) target(%dma_start3A_323 : memref<32768xf32, #tpu.memory_space<vmem>>) target_semaphore(%arg8 : memref<!tpu.dma_semaphore, #tpu.memory_space<semaphore_mem>>)
    %parallel_loop3A_325 = arith.constant 0 : i32
    %parallel_loop3A_326 = arith.constant 32768 : i32
    %parallel_loop3A_327 = arith.constant 16 : i32
    scf.for %parallel_loop3A_768 = %parallel_loop3A_325 to %parallel_loop3A_326 step %parallel_loop3A_327  : i32 {
      %parallel_loop3A_769 = arith.constant 0 : i32
      %parallel_loop3A_770 = arith.index_cast %parallel_loop3A_769 : i32 to index
      %parallel_loop3A_771 = arith.index_cast %parallel_loop3A_768 : i32 to index
      %parallel_loop3A_772 = tpu.vector_load %arg5[%parallel_loop3A_770, %parallel_loop3A_771] {strides = array<i32>} : memref<2x32768xf32, #tpu.memory_space<vmem>>, vector<1x16xf32>,
      %parallel_loop3A_773 = vector.shape_cast %parallel_loop3A_772 : vector<1x16xf32> to vector<16xf32>
      %parallel_loop3A_774 = arith.index_cast %parallel_loop3A_768 : i32 to index
      %parallel_loop3A_775 = tpu.vector_load %arg6[%parallel_loop3A_774] {strides = array<i32>} : memref<32768xf32, #tpu.memory_space<vmem>>, vector<16xf32>,
      %parallel_loop3A_776 = vector.shape_cast %parallel_loop3A_775 : vector<16xf32> to vector<16xf32>
      %parallel_loop3A_777 = arith.addf %parallel_loop3A_773, %parallel_loop3A_776 : vector<16xf32>
      %parallel_loop3A_778 = arith.constant 0 : i32
      %parallel_loop3A_779 = arith.index_cast %parallel_loop3A_778 : i32 to index
      %parallel_loop3A_780 = arith.index_cast %parallel_loop3A_768 : i32 to index
      %parallel_loop3A_781 = tpu.vector_load %arg5[%parallel_loop3A_779, %parallel_loop3A_780] {strides = array<i32>} : memref<2x32768xf32, #tpu.memory_space<vmem>>, vector<1x16xf32>,
      %parallel_loop3A_782 = vector.shape_cast %parallel_loop3A_781 : vector<1x16xf32> to vector<16xf32>
      %parallel_loop3A_783 = vector.shape_cast %parallel_loop3A_777 : vector<16xf32> to vector<1x16xf32>
      tpu.vector_store %arg5[%parallel_loop3A_779, %parallel_loop3A_780], %parallel_loop3A_783 {strides = array<i32>} : memref<2x32768xf32, #tpu.memory_space<vmem>>, vector<1x16xf32>,
    } {sc.loop_unroll_factor = 8 : i64, sc.parallel_access}
    %add3A_328 = arith.constant 4096 : i32
    %add3A_329 = arith.addi %add3A_328, %add3A_193 : i32
    %mul3A_330 = arith.constant 2048 : i32
    %mul3A_331 = arith.muli %add3A_329, %mul3A_330 : i32
    %dma_start3A_332 = arith.constant 0 : i32
    %dma_start3A_333 = arith.constant 0 : i32
    %dma_start3A_334 = tpu.memref_slice %arg5[%dma_start3A_332, %dma_start3A_333] : memref<2x32768xf32, #tpu.memory_space<vmem>> -> memref<1x32768xf32, #tpu.memory_space<vmem>>
    %dma_start3A_335 = tpu.memref_squeeze %dma_start3A_334 : memref<1x32768xf32, #tpu.memory_space<vmem>> -> memref<32768xf32, #tpu.memory_space<vmem>>
    %dma_start3A_336 = tpu.memref_slice %arg4[%mul3A_331] : memref<16777216xf32, #tpu.memory_space<hbm>> -> memref<32768xf32, #tpu.memory_space<hbm>>
    %dma_start3A_337 = tpu.memref_slice %arg4[%mul3A_331] : memref<16777216xf32, #tpu.memory_space<hbm>> -> memref<32768xf32, #tpu.memory_space<hbm>>
    %dma_start3A_338 = arith.constant 0 : i32
    %dma_start3A_339 = tpu.memref_slice %arg5[%dma_start3A_332, %dma_start3A_338] : memref<2x32768xf32, #tpu.memory_space<vmem>> -> memref<1x32768xf32, #tpu.memory_space<vmem>>
    %dma_start3A_340 = tpu.memref_squeeze %dma_start3A_339 : memref<1x32768xf32, #tpu.memory_space<vmem>> -> memref<32768xf32, #tpu.memory_space<vmem>>
    tpu.enqueue_dma source(%dma_start3A_340 : memref<32768xf32, #tpu.memory_space<vmem>>) target(%dma_start3A_337 : memref<32768xf32, #tpu.memory_space<hbm>>) target_semaphore(%arg9 : memref<!tpu.dma_semaphore, #tpu.memory_space<semaphore_mem>>)
    %dma_wait3A_341 = arith.constant 1 : i32
    %dma_wait3A_342 = arith.constant 0 : i32
    %dma_wait3A_343 = tpu.memref_slice %arg5[%dma_wait3A_341, %dma_wait3A_342] : memref<2x32768xf32, #tpu.memory_space<vmem>> -> memref<1x32768xf32, #tpu.memory_space<vmem>>
    %dma_wait3A_344 = tpu.memref_squeeze %dma_wait3A_343 : memref<1x32768xf32, #tpu.memory_space<vmem>> -> memref<32768xf32, #tpu.memory_space<vmem>>
    %dma_wait3A_345 = tpu.memref_slice %arg2[%mul3A_315] : memref<16777216xf32, #tpu.memory_space<hbm>> -> memref<32768xf32, #tpu.memory_space<hbm>>
    %dma_wait3A_346 = arith.constant 0 : i32
    %dma_wait3A_347 = tpu.memref_slice %arg5[%dma_wait3A_341, %dma_wait3A_346] : memref<2x32768xf32, #tpu.memory_space<vmem>> -> memref<1x32768xf32, #tpu.memory_space<vmem>>
    %dma_wait3A_348 = tpu.memref_squeeze %dma_wait3A_347 : memref<1x32768xf32, #tpu.memory_space<vmem>> -> memref<32768xf32, #tpu.memory_space<vmem>>
    %dma_wait3A_349 = tpu.memref_slice %arg2[%mul3A_315] : memref<16777216xf32, #tpu.memory_space<hbm>> -> memref<32768xf32, #tpu.memory_space<hbm>>
    tpu.wait_dma2 semaphore(%arg8 : memref<!tpu.dma_semaphore, #tpu.memory_space<semaphore_mem>>) src(%dma_wait3A_349 : memref<32768xf32, #tpu.memory_space<hbm>>) dst(%dma_wait3A_348 : memref<32768xf32, #tpu.memory_space<vmem>>)
    %parallel_loop3A_350 = arith.constant 0 : i32
    %parallel_loop3A_351 = arith.constant 32768 : i32
    %parallel_loop3A_352 = arith.constant 16 : i32
    scf.for %parallel_loop3A_768 = %parallel_loop3A_350 to %parallel_loop3A_351 step %parallel_loop3A_352  : i32 {
      %parallel_loop3A_769 = arith.constant 1 : i32
      %parallel_loop3A_770 = arith.index_cast %parallel_loop3A_769 : i32 to index
      %parallel_loop3A_771 = arith.index_cast %parallel_loop3A_768 : i32 to index
      %parallel_loop3A_772 = tpu.vector_load %arg5[%parallel_loop3A_770, %parallel_loop3A_771] {strides = array<i32>} : memref<2x32768xf32, #tpu.memory_space<vmem>>, vector<1x16xf32>,
      %parallel_loop3A_773 = vector.shape_cast %parallel_loop3A_772 : vector<1x16xf32> to vector<16xf32>
      %parallel_loop3A_774 = arith.index_cast %parallel_loop3A_768 : i32 to index
      %parallel_loop3A_775 = tpu.vector_load %arg6[%parallel_loop3A_774] {strides = array<i32>} : memref<32768xf32, #tpu.memory_space<vmem>>, vector<16xf32>,
      %parallel_loop3A_776 = vector.shape_cast %parallel_loop3A_775 : vector<16xf32> to vector<16xf32>
      %parallel_loop3A_777 = arith.addf %parallel_loop3A_773, %parallel_loop3A_776 : vector<16xf32>
      %parallel_loop3A_778 = arith.constant 1 : i32
      %parallel_loop3A_779 = arith.index_cast %parallel_loop3A_778 : i32 to index
      %parallel_loop3A_780 = arith.index_cast %parallel_loop3A_768 : i32 to index
      %parallel_loop3A_781 = tpu.vector_load %arg5[%parallel_loop3A_779, %parallel_loop3A_780] {strides = array<i32>} : memref<2x32768xf32, #tpu.memory_space<vmem>>, vector<1x16xf32>,
      %parallel_loop3A_782 = vector.shape_cast %parallel_loop3A_781 : vector<1x16xf32> to vector<16xf32>
      %parallel_loop3A_783 = vector.shape_cast %parallel_loop3A_777 : vector<16xf32> to vector<1x16xf32>
      tpu.vector_store %arg5[%parallel_loop3A_779, %parallel_loop3A_780], %parallel_loop3A_783 {strides = array<i32>} : memref<2x32768xf32, #tpu.memory_space<vmem>>, vector<1x16xf32>,
    } {sc.loop_unroll_factor = 8 : i64, sc.parallel_access}
    %add3A_353 = arith.constant 6144 : i32
    %add3A_354 = arith.addi %add3A_353, %add3A_193 : i32
    %mul3A_355 = arith.constant 2048 : i32
    %mul3A_356 = arith.muli %add3A_354, %mul3A_355 : i32
    %dma_start3A_357 = arith.constant 1 : i32
    %dma_start3A_358 = arith.constant 0 : i32
    %dma_start3A_359 = tpu.memref_slice %arg5[%dma_start3A_357, %dma_start3A_358] : memref<2x32768xf32, #tpu.memory_space<vmem>> -> memref<1x32768xf32, #tpu.memory_space<vmem>>
    %dma_start3A_360 = tpu.memref_squeeze %dma_start3A_359 : memref<1x32768xf32, #tpu.memory_space<vmem>> -> memref<32768xf32, #tpu.memory_space<vmem>>
    %dma_start3A_361 = tpu.memref_slice %arg4[%mul3A_356] : memref<16777216xf32, #tpu.memory_space<hbm>> -> memref<32768xf32, #tpu.memory_space<hbm>>
    %dma_start3A_362 = tpu.memref_slice %arg4[%mul3A_356] : memref<16777216xf32, #tpu.memory_space<hbm>> -> memref<32768xf32, #tpu.memory_space<hbm>>
    %dma_start3A_363 = arith.constant 0 : i32
    %dma_start3A_364 = tpu.memref_slice %arg5[%dma_start3A_357, %dma_start3A_363] : memref<2x32768xf32, #tpu.memory_space<vmem>> -> memref<1x32768xf32, #tpu.memory_space<vmem>>
    %dma_start3A_365 = tpu.memref_squeeze %dma_start3A_364 : memref<1x32768xf32, #tpu.memory_space<vmem>> -> memref<32768xf32, #tpu.memory_space<vmem>>
    tpu.enqueue_dma source(%dma_start3A_365 : memref<32768xf32, #tpu.memory_space<vmem>>) target(%dma_start3A_362 : memref<32768xf32, #tpu.memory_space<hbm>>) target_semaphore(%arg10 : memref<!tpu.dma_semaphore, #tpu.memory_space<semaphore_mem>>)
    %dma_wait3A_366 = arith.constant 0 : i32
    %dma_wait3A_367 = arith.constant 0 : i32
    %dma_wait3A_368 = tpu.memref_slice %arg5[%dma_wait3A_366, %dma_wait3A_367] : memref<2x32768xf32, #tpu.memory_space<vmem>> -> memref<1x32768xf32, #tpu.memory_space<vmem>>
    %dma_wait3A_369 = tpu.memref_squeeze %dma_wait3A_368 : memref<1x32768xf32, #tpu.memory_space<vmem>> -> memref<32768xf32, #tpu.memory_space<vmem>>
    %dma_wait3A_370 = tpu.memref_slice %arg4[%mul3A_331] : memref<16777216xf32, #tpu.memory_space<hbm>> -> memref<32768xf32, #tpu.memory_space<hbm>>
    %dma_wait3A_371 = tpu.memref_slice %arg4[%mul3A_331] : memref<16777216xf32, #tpu.memory_space<hbm>> -> memref<32768xf32, #tpu.memory_space<hbm>>
    %dma_wait3A_372 = arith.constant 0 : i32
    %dma_wait3A_373 = tpu.memref_slice %arg5[%dma_wait3A_366, %dma_wait3A_372] : memref<2x32768xf32, #tpu.memory_space<vmem>> -> memref<1x32768xf32, #tpu.memory_space<vmem>>
    %dma_wait3A_374 = tpu.memref_squeeze %dma_wait3A_373 : memref<1x32768xf32, #tpu.memory_space<vmem>> -> memref<32768xf32, #tpu.memory_space<vmem>>
    tpu.wait_dma2 semaphore(%arg9 : memref<!tpu.dma_semaphore, #tpu.memory_space<semaphore_mem>>) src(%dma_wait3A_374 : memref<32768xf32, #tpu.memory_space<vmem>>) dst(%dma_wait3A_371 : memref<32768xf32, #tpu.memory_space<hbm>>)
    %dma_wait3A_375 = arith.constant 1 : i32
    %dma_wait3A_376 = arith.constant 0 : i32
    %dma_wait3A_377 = tpu.memref_slice %arg5[%dma_wait3A_375, %dma_wait3A_376] : memref<2x32768xf32, #tpu.memory_space<vmem>> -> memref<1x32768xf32, #tpu.memory_space<vmem>>
    %dma_wait3A_378 = tpu.memref_squeeze %dma_wait3A_377 : memref<1x32768xf32, #tpu.memory_space<vmem>> -> memref<32768xf32, #tpu.memory_space<vmem>>
    %dma_wait3A_379 = tpu.memref_slice %arg4[%mul3A_356] : memref<16777216xf32, #tpu.memory_space<hbm>> -> memref<32768xf32, #tpu.memory_space<hbm>>
    %dma_wait3A_380 = tpu.memref_slice %arg4[%mul3A_356] : memref<16777216xf32, #tpu.memory_space<hbm>> -> memref<32768xf32, #tpu.memory_space<hbm>>
    %dma_wait3A_381 = arith.constant 0 : i32
    %dma_wait3A_382 = tpu.memref_slice %arg5[%dma_wait3A_375, %dma_wait3A_381] : memref<2x32768xf32, #tpu.memory_space<vmem>> -> memref<1x32768xf32, #tpu.memory_space<vmem>>
    %dma_wait3A_383 = tpu.memref_squeeze %dma_wait3A_382 : memref<1x32768xf32, #tpu.memory_space<vmem>> -> memref<32768xf32, #tpu.memory_space<vmem>>
    tpu.wait_dma2 semaphore(%arg10 : memref<!tpu.dma_semaphore, #tpu.memory_space<semaphore_mem>>) src(%dma_wait3A_383 : memref<32768xf32, #tpu.memory_space<vmem>>) dst(%dma_wait3A_380 : memref<32768xf32, #tpu.memory_space<hbm>>)
    %add3A_384 = arith.constant 32 : i32
    %add3A_385 = arith.addi %mul3A_2, %add3A_384 : i32
    %mul3A_386 = arith.constant 2048 : i32
    %mul3A_387 = arith.muli %add3A_385, %mul3A_386 : i32
    "tpu.region"() ({
      %run_scoped3A = tpu.sem_alloc : memref<!tpu.dma_semaphore, #tpu.memory_space<semaphore_mem>>
      %dma_start3A_768 = tpu.memref_slice %arg3[%mul3A_387] : memref<4194304xf32, #tpu.memory_space<hbm>> -> memref<32768xf32, #tpu.memory_space<hbm>>
      %dma_start3A_769 = tpu.memref_slice %arg3[%mul3A_387] : memref<4194304xf32, #tpu.memory_space<hbm>> -> memref<32768xf32, #tpu.memory_space<hbm>>
      tpu.enqueue_dma source(%dma_start3A_769 : memref<32768xf32, #tpu.memory_space<hbm>>) target(%arg6 : memref<32768xf32, #tpu.memory_space<vmem>>) target_semaphore(%run_scoped3A : memref<!tpu.dma_semaphore, #tpu.memory_space<semaphore_mem>>)
      %dma_wait3A_770 = tpu.memref_slice %arg3[%mul3A_387] : memref<4194304xf32, #tpu.memory_space<hbm>> -> memref<32768xf32, #tpu.memory_space<hbm>>
      %dma_wait3A_771 = tpu.memref_slice %arg3[%mul3A_387] : memref<4194304xf32, #tpu.memory_space<hbm>> -> memref<32768xf32, #tpu.memory_space<hbm>>
      tpu.wait_dma2 semaphore(%run_scoped3A : memref<!tpu.dma_semaphore, #tpu.memory_space<semaphore_mem>>) src(%dma_wait3A_771 : memref<32768xf32, #tpu.memory_space<hbm>>) dst(%arg6 : memref<32768xf32, #tpu.memory_space<vmem>>)
      tpu.yield
    }) : () -> ()
    %add3A_388 = arith.constant 0 : i32
    %add3A_389 = arith.addi %add3A_388, %add3A_385 : i32
    %mul3A_390 = arith.constant 2048 : i32
    %mul3A_391 = arith.muli %add3A_389, %mul3A_390 : i32
    %dma_start3A_392 = arith.constant 0 : i32
    %dma_start3A_393 = arith.constant 0 : i32
    %dma_start3A_394 = tpu.memref_slice %arg5[%dma_start3A_392, %dma_start3A_393] : memref<2x32768xf32, #tpu.memory_space<vmem>> -> memref<1x32768xf32, #tpu.memory_space<vmem>>
    %dma_start3A_395 = tpu.memref_squeeze %dma_start3A_394 : memref<1x32768xf32, #tpu.memory_space<vmem>> -> memref<32768xf32, #tpu.memory_space<vmem>>
    %dma_start3A_396 = tpu.memref_slice %arg2[%mul3A_391] : memref<16777216xf32, #tpu.memory_space<hbm>> -> memref<32768xf32, #tpu.memory_space<hbm>>
    %dma_start3A_397 = arith.constant 0 : i32
    %dma_start3A_398 = tpu.memref_slice %arg5[%dma_start3A_392, %dma_start3A_397] : memref<2x32768xf32, #tpu.memory_space<vmem>> -> memref<1x32768xf32, #tpu.memory_space<vmem>>
    %dma_start3A_399 = tpu.memref_squeeze %dma_start3A_398 : memref<1x32768xf32, #tpu.memory_space<vmem>> -> memref<32768xf32, #tpu.memory_space<vmem>>
    %dma_start3A_400 = tpu.memref_slice %arg2[%mul3A_391] : memref<16777216xf32, #tpu.memory_space<hbm>> -> memref<32768xf32, #tpu.memory_space<hbm>>
    tpu.enqueue_dma source(%dma_start3A_400 : memref<32768xf32, #tpu.memory_space<hbm>>) target(%dma_start3A_399 : memref<32768xf32, #tpu.memory_space<vmem>>) target_semaphore(%arg7 : memref<!tpu.dma_semaphore, #tpu.memory_space<semaphore_mem>>)
    %dma_wait3A_401 = arith.constant 0 : i32
    %dma_wait3A_402 = arith.constant 0 : i32
    %dma_wait3A_403 = tpu.memref_slice %arg5[%dma_wait3A_401, %dma_wait3A_402] : memref<2x32768xf32, #tpu.memory_space<vmem>> -> memref<1x32768xf32, #tpu.memory_space<vmem>>
    %dma_wait3A_404 = tpu.memref_squeeze %dma_wait3A_403 : memref<1x32768xf32, #tpu.memory_space<vmem>> -> memref<32768xf32, #tpu.memory_space<vmem>>
    %dma_wait3A_405 = tpu.memref_slice %arg2[%mul3A_391] : memref<16777216xf32, #tpu.memory_space<hbm>> -> memref<32768xf32, #tpu.memory_space<hbm>>
    %dma_wait3A_406 = arith.constant 0 : i32
    %dma_wait3A_407 = tpu.memref_slice %arg5[%dma_wait3A_401, %dma_wait3A_406] : memref<2x32768xf32, #tpu.memory_space<vmem>> -> memref<1x32768xf32, #tpu.memory_space<vmem>>
    %dma_wait3A_408 = tpu.memref_squeeze %dma_wait3A_407 : memref<1x32768xf32, #tpu.memory_space<vmem>> -> memref<32768xf32, #tpu.memory_space<vmem>>
    %dma_wait3A_409 = tpu.memref_slice %arg2[%mul3A_391] : memref<16777216xf32, #tpu.memory_space<hbm>> -> memref<32768xf32, #tpu.memory_space<hbm>>
    tpu.wait_dma2 semaphore(%arg7 : memref<!tpu.dma_semaphore, #tpu.memory_space<semaphore_mem>>) src(%dma_wait3A_409 : memref<32768xf32, #tpu.memory_space<hbm>>) dst(%dma_wait3A_408 : memref<32768xf32, #tpu.memory_space<vmem>>)
    %add3A_410 = arith.constant 2048 : i32
    %add3A_411 = arith.addi %add3A_410, %add3A_385 : i32
    %mul3A_412 = arith.constant 2048 : i32
    %mul3A_413 = arith.muli %add3A_411, %mul3A_412 : i32
    %dma_start3A_414 = arith.constant 1 : i32
    %dma_start3A_415 = arith.constant 0 : i32
    %dma_start3A_416 = tpu.memref_slice %arg5[%dma_start3A_414, %dma_start3A_415] : memref<2x32768xf32, #tpu.memory_space<vmem>> -> memref<1x32768xf32, #tpu.memory_space<vmem>>
    %dma_start3A_417 = tpu.memref_squeeze %dma_start3A_416 : memref<1x32768xf32, #tpu.memory_space<vmem>> -> memref<32768xf32, #tpu.memory_space<vmem>>
    %dma_start3A_418 = tpu.memref_slice %arg2[%mul3A_413] : memref<16777216xf32, #tpu.memory_space<hbm>> -> memref<32768xf32, #tpu.memory_space<hbm>>
    %dma_start3A_419 = arith.constant 0 : i32
    %dma_start3A_420 = tpu.memref_slice %arg5[%dma_start3A_414, %dma_start3A_419] : memref<2x32768xf32, #tpu.memory_space<vmem>> -> memref<1x32768xf32, #tpu.memory_space<vmem>>
    %dma_start3A_421 = tpu.memref_squeeze %dma_start3A_420 : memref<1x32768xf32, #tpu.memory_space<vmem>> -> memref<32768xf32, #tpu.memory_space<vmem>>
    %dma_start3A_422 = tpu.memref_slice %arg2[%mul3A_413] : memref<16777216xf32, #tpu.memory_space<hbm>> -> memref<32768xf32, #tpu.memory_space<hbm>>
    tpu.enqueue_dma source(%dma_start3A_422 : memref<32768xf32, #tpu.memory_space<hbm>>) target(%dma_start3A_421 : memref<32768xf32, #tpu.memory_space<vmem>>) target_semaphore(%arg8 : memref<!tpu.dma_semaphore, #tpu.memory_space<semaphore_mem>>)
    %parallel_loop3A_423 = arith.constant 0 : i32
    %parallel_loop3A_424 = arith.constant 32768 : i32
    %parallel_loop3A_425 = arith.constant 16 : i32
    scf.for %parallel_loop3A_768 = %parallel_loop3A_423 to %parallel_loop3A_424 step %parallel_loop3A_425  : i32 {
      %parallel_loop3A_769 = arith.constant 0 : i32
      %parallel_loop3A_770 = arith.index_cast %parallel_loop3A_769 : i32 to index
      %parallel_loop3A_771 = arith.index_cast %parallel_loop3A_768 : i32 to index
      %parallel_loop3A_772 = tpu.vector_load %arg5[%parallel_loop3A_770, %parallel_loop3A_771] {strides = array<i32>} : memref<2x32768xf32, #tpu.memory_space<vmem>>, vector<1x16xf32>,
      %parallel_loop3A_773 = vector.shape_cast %parallel_loop3A_772 : vector<1x16xf32> to vector<16xf32>
      %parallel_loop3A_774 = arith.index_cast %parallel_loop3A_768 : i32 to index
      %parallel_loop3A_775 = tpu.vector_load %arg6[%parallel_loop3A_774] {strides = array<i32>} : memref<32768xf32, #tpu.memory_space<vmem>>, vector<16xf32>,
      %parallel_loop3A_776 = vector.shape_cast %parallel_loop3A_775 : vector<16xf32> to vector<16xf32>
      %parallel_loop3A_777 = arith.addf %parallel_loop3A_773, %parallel_loop3A_776 : vector<16xf32>
      %parallel_loop3A_778 = arith.constant 0 : i32
      %parallel_loop3A_779 = arith.index_cast %parallel_loop3A_778 : i32 to index
      %parallel_loop3A_780 = arith.index_cast %parallel_loop3A_768 : i32 to index
      %parallel_loop3A_781 = tpu.vector_load %arg5[%parallel_loop3A_779, %parallel_loop3A_780] {strides = array<i32>} : memref<2x32768xf32, #tpu.memory_space<vmem>>, vector<1x16xf32>,
      %parallel_loop3A_782 = vector.shape_cast %parallel_loop3A_781 : vector<1x16xf32> to vector<16xf32>
      %parallel_loop3A_783 = vector.shape_cast %parallel_loop3A_777 : vector<16xf32> to vector<1x16xf32>
      tpu.vector_store %arg5[%parallel_loop3A_779, %parallel_loop3A_780], %parallel_loop3A_783 {strides = array<i32>} : memref<2x32768xf32, #tpu.memory_space<vmem>>, vector<1x16xf32>,
    } {sc.loop_unroll_factor = 8 : i64, sc.parallel_access}
    %add3A_426 = arith.constant 0 : i32
    %add3A_427 = arith.addi %add3A_426, %add3A_385 : i32
    %mul3A_428 = arith.constant 2048 : i32
    %mul3A_429 = arith.muli %add3A_427, %mul3A_428 : i32
    %dma_start3A_430 = arith.constant 0 : i32
    %dma_start3A_431 = arith.constant 0 : i32
    %dma_start3A_432 = tpu.memref_slice %arg5[%dma_start3A_430, %dma_start3A_431] : memref<2x32768xf32, #tpu.memory_space<vmem>> -> memref<1x32768xf32, #tpu.memory_space<vmem>>
    %dma_start3A_433 = tpu.memref_squeeze %dma_start3A_432 : memref<1x32768xf32, #tpu.memory_space<vmem>> -> memref<32768xf32, #tpu.memory_space<vmem>>
    %dma_start3A_434 = tpu.memref_slice %arg4[%mul3A_429] : memref<16777216xf32, #tpu.memory_space<hbm>> -> memref<32768xf32, #tpu.memory_space<hbm>>
    %dma_start3A_435 = tpu.memref_slice %arg4[%mul3A_429] : memref<16777216xf32, #tpu.memory_space<hbm>> -> memref<32768xf32, #tpu.memory_space<hbm>>
    %dma_start3A_436 = arith.constant 0 : i32
    %dma_start3A_437 = tpu.memref_slice %arg5[%dma_start3A_430, %dma_start3A_436] : memref<2x32768xf32, #tpu.memory_space<vmem>> -> memref<1x32768xf32, #tpu.memory_space<vmem>>
    %dma_start3A_438 = tpu.memref_squeeze %dma_start3A_437 : memref<1x32768xf32, #tpu.memory_space<vmem>> -> memref<32768xf32, #tpu.memory_space<vmem>>
    tpu.enqueue_dma source(%dma_start3A_438 : memref<32768xf32, #tpu.memory_space<vmem>>) target(%dma_start3A_435 : memref<32768xf32, #tpu.memory_space<hbm>>) target_semaphore(%arg9 : memref<!tpu.dma_semaphore, #tpu.memory_space<semaphore_mem>>)
    %dma_wait3A_439 = arith.constant 1 : i32
    %dma_wait3A_440 = arith.constant 0 : i32
    %dma_wait3A_441 = tpu.memref_slice %arg5[%dma_wait3A_439, %dma_wait3A_440] : memref<2x32768xf32, #tpu.memory_space<vmem>> -> memref<1x32768xf32, #tpu.memory_space<vmem>>
    %dma_wait3A_442 = tpu.memref_squeeze %dma_wait3A_441 : memref<1x32768xf32, #tpu.memory_space<vmem>> -> memref<32768xf32, #tpu.memory_space<vmem>>
    %dma_wait3A_443 = tpu.memref_slice %arg2[%mul3A_413] : memref<16777216xf32, #tpu.memory_space<hbm>> -> memref<32768xf32, #tpu.memory_space<hbm>>
    %dma_wait3A_444 = arith.constant 0 : i32
    %dma_wait3A_445 = tpu.memref_slice %arg5[%dma_wait3A_439, %dma_wait3A_444] : memref<2x32768xf32, #tpu.memory_space<vmem>> -> memref<1x32768xf32, #tpu.memory_space<vmem>>
    %dma_wait3A_446 = tpu.memref_squeeze %dma_wait3A_445 : memref<1x32768xf32, #tpu.memory_space<vmem>> -> memref<32768xf32, #tpu.memory_space<vmem>>
    %dma_wait3A_447 = tpu.memref_slice %arg2[%mul3A_413] : memref<16777216xf32, #tpu.memory_space<hbm>> -> memref<32768xf32, #tpu.memory_space<hbm>>
    tpu.wait_dma2 semaphore(%arg8 : memref<!tpu.dma_semaphore, #tpu.memory_space<semaphore_mem>>) src(%dma_wait3A_447 : memref<32768xf32, #tpu.memory_space<hbm>>) dst(%dma_wait3A_446 : memref<32768xf32, #tpu.memory_space<vmem>>)
    %dma_wait3A_448 = arith.constant 0 : i32
    %dma_wait3A_449 = arith.constant 0 : i32
    %dma_wait3A_450 = tpu.memref_slice %arg5[%dma_wait3A_448, %dma_wait3A_449] : memref<2x32768xf32, #tpu.memory_space<vmem>> -> memref<1x32768xf32, #tpu.memory_space<vmem>>
    %dma_wait3A_451 = tpu.memref_squeeze %dma_wait3A_450 : memref<1x32768xf32, #tpu.memory_space<vmem>> -> memref<32768xf32, #tpu.memory_space<vmem>>
    %dma_wait3A_452 = tpu.memref_slice %arg4[%mul3A_429] : memref<16777216xf32, #tpu.memory_space<hbm>> -> memref<32768xf32, #tpu.memory_space<hbm>>
    %dma_wait3A_453 = tpu.memref_slice %arg4[%mul3A_429] : memref<16777216xf32, #tpu.memory_space<hbm>> -> memref<32768xf32, #tpu.memory_space<hbm>>
    %dma_wait3A_454 = arith.constant 0 : i32
    %dma_wait3A_455 = tpu.memref_slice %arg5[%dma_wait3A_448, %dma_wait3A_454] : memref<2x32768xf32, #tpu.memory_space<vmem>> -> memref<1x32768xf32, #tpu.memory_space<vmem>>
    %dma_wait3A_456 = tpu.memref_squeeze %dma_wait3A_455 : memref<1x32768xf32, #tpu.memory_space<vmem>> -> memref<32768xf32, #tpu.memory_space<vmem>>
    tpu.wait_dma2 semaphore(%arg9 : memref<!tpu.dma_semaphore, #tpu.memory_space<semaphore_mem>>) src(%dma_wait3A_456 : memref<32768xf32, #tpu.memory_space<vmem>>) dst(%dma_wait3A_453 : memref<32768xf32, #tpu.memory_space<hbm>>)
    %add3A_457 = arith.constant 4096 : i32
    %add3A_458 = arith.addi %add3A_457, %add3A_385 : i32
    %mul3A_459 = arith.constant 2048 : i32
    %mul3A_460 = arith.muli %add3A_458, %mul3A_459 : i32
    %dma_start3A_461 = arith.constant 0 : i32
    %dma_start3A_462 = arith.constant 0 : i32
    %dma_start3A_463 = tpu.memref_slice %arg5[%dma_start3A_461, %dma_start3A_462] : memref<2x32768xf32, #tpu.memory_space<vmem>> -> memref<1x32768xf32, #tpu.memory_space<vmem>>
    %dma_start3A_464 = tpu.memref_squeeze %dma_start3A_463 : memref<1x32768xf32, #tpu.memory_space<vmem>> -> memref<32768xf32, #tpu.memory_space<vmem>>
    %dma_start3A_465 = tpu.memref_slice %arg2[%mul3A_460] : memref<16777216xf32, #tpu.memory_space<hbm>> -> memref<32768xf32, #tpu.memory_space<hbm>>
    %dma_start3A_466 = arith.constant 0 : i32
    %dma_start3A_467 = tpu.memref_slice %arg5[%dma_start3A_461, %dma_start3A_466] : memref<2x32768xf32, #tpu.memory_space<vmem>> -> memref<1x32768xf32, #tpu.memory_space<vmem>>
    %dma_start3A_468 = tpu.memref_squeeze %dma_start3A_467 : memref<1x32768xf32, #tpu.memory_space<vmem>> -> memref<32768xf32, #tpu.memory_space<vmem>>
    %dma_start3A_469 = tpu.memref_slice %arg2[%mul3A_460] : memref<16777216xf32, #tpu.memory_space<hbm>> -> memref<32768xf32, #tpu.memory_space<hbm>>
    tpu.enqueue_dma source(%dma_start3A_469 : memref<32768xf32, #tpu.memory_space<hbm>>) target(%dma_start3A_468 : memref<32768xf32, #tpu.memory_space<vmem>>) target_semaphore(%arg7 : memref<!tpu.dma_semaphore, #tpu.memory_space<semaphore_mem>>)
    %parallel_loop3A_470 = arith.constant 0 : i32
    %parallel_loop3A_471 = arith.constant 32768 : i32
    %parallel_loop3A_472 = arith.constant 16 : i32
    scf.for %parallel_loop3A_768 = %parallel_loop3A_470 to %parallel_loop3A_471 step %parallel_loop3A_472  : i32 {
      %parallel_loop3A_769 = arith.constant 1 : i32
      %parallel_loop3A_770 = arith.index_cast %parallel_loop3A_769 : i32 to index
      %parallel_loop3A_771 = arith.index_cast %parallel_loop3A_768 : i32 to index
      %parallel_loop3A_772 = tpu.vector_load %arg5[%parallel_loop3A_770, %parallel_loop3A_771] {strides = array<i32>} : memref<2x32768xf32, #tpu.memory_space<vmem>>, vector<1x16xf32>,
      %parallel_loop3A_773 = vector.shape_cast %parallel_loop3A_772 : vector<1x16xf32> to vector<16xf32>
      %parallel_loop3A_774 = arith.index_cast %parallel_loop3A_768 : i32 to index
      %parallel_loop3A_775 = tpu.vector_load %arg6[%parallel_loop3A_774] {strides = array<i32>} : memref<32768xf32, #tpu.memory_space<vmem>>, vector<16xf32>,
      %parallel_loop3A_776 = vector.shape_cast %parallel_loop3A_775 : vector<16xf32> to vector<16xf32>
      %parallel_loop3A_777 = arith.addf %parallel_loop3A_773, %parallel_loop3A_776 : vector<16xf32>
      %parallel_loop3A_778 = arith.constant 1 : i32
      %parallel_loop3A_779 = arith.index_cast %parallel_loop3A_778 : i32 to index
      %parallel_loop3A_780 = arith.index_cast %parallel_loop3A_768 : i32 to index
      %parallel_loop3A_781 = tpu.vector_load %arg5[%parallel_loop3A_779, %parallel_loop3A_780] {strides = array<i32>} : memref<2x32768xf32, #tpu.memory_space<vmem>>, vector<1x16xf32>,
      %parallel_loop3A_782 = vector.shape_cast %parallel_loop3A_781 : vector<1x16xf32> to vector<16xf32>
      %parallel_loop3A_783 = vector.shape_cast %parallel_loop3A_777 : vector<16xf32> to vector<1x16xf32>
      tpu.vector_store %arg5[%parallel_loop3A_779, %parallel_loop3A_780], %parallel_loop3A_783 {strides = array<i32>} : memref<2x32768xf32, #tpu.memory_space<vmem>>, vector<1x16xf32>,
    } {sc.loop_unroll_factor = 8 : i64, sc.parallel_access}
    %add3A_473 = arith.constant 2048 : i32
    %add3A_474 = arith.addi %add3A_473, %add3A_385 : i32
    %mul3A_475 = arith.constant 2048 : i32
    %mul3A_476 = arith.muli %add3A_474, %mul3A_475 : i32
    %dma_start3A_477 = arith.constant 1 : i32
    %dma_start3A_478 = arith.constant 0 : i32
    %dma_start3A_479 = tpu.memref_slice %arg5[%dma_start3A_477, %dma_start3A_478] : memref<2x32768xf32, #tpu.memory_space<vmem>> -> memref<1x32768xf32, #tpu.memory_space<vmem>>
    %dma_start3A_480 = tpu.memref_squeeze %dma_start3A_479 : memref<1x32768xf32, #tpu.memory_space<vmem>> -> memref<32768xf32, #tpu.memory_space<vmem>>
    %dma_start3A_481 = tpu.memref_slice %arg4[%mul3A_476] : memref<16777216xf32, #tpu.memory_space<hbm>> -> memref<32768xf32, #tpu.memory_space<hbm>>
    %dma_start3A_482 = tpu.memref_slice %arg4[%mul3A_476] : memref<16777216xf32, #tpu.memory_space<hbm>> -> memref<32768xf32, #tpu.memory_space<hbm>>
    %dma_start3A_483 = arith.constant 0 : i32
    %dma_start3A_484 = tpu.memref_slice %arg5[%dma_start3A_477, %dma_start3A_483] : memref<2x32768xf32, #tpu.memory_space<vmem>> -> memref<1x32768xf32, #tpu.memory_space<vmem>>
    %dma_start3A_485 = tpu.memref_squeeze %dma_start3A_484 : memref<1x32768xf32, #tpu.memory_space<vmem>> -> memref<32768xf32, #tpu.memory_space<vmem>>
    tpu.enqueue_dma source(%dma_start3A_485 : memref<32768xf32, #tpu.memory_space<vmem>>) target(%dma_start3A_482 : memref<32768xf32, #tpu.memory_space<hbm>>) target_semaphore(%arg10 : memref<!tpu.dma_semaphore, #tpu.memory_space<semaphore_mem>>)
    %dma_wait3A_486 = arith.constant 0 : i32
    %dma_wait3A_487 = arith.constant 0 : i32
    %dma_wait3A_488 = tpu.memref_slice %arg5[%dma_wait3A_486, %dma_wait3A_487] : memref<2x32768xf32, #tpu.memory_space<vmem>> -> memref<1x32768xf32, #tpu.memory_space<vmem>>
    %dma_wait3A_489 = tpu.memref_squeeze %dma_wait3A_488 : memref<1x32768xf32, #tpu.memory_space<vmem>> -> memref<32768xf32, #tpu.memory_space<vmem>>
    %dma_wait3A_490 = tpu.memref_slice %arg2[%mul3A_460] : memref<16777216xf32, #tpu.memory_space<hbm>> -> memref<32768xf32, #tpu.memory_space<hbm>>
    %dma_wait3A_491 = arith.constant 0 : i32
    %dma_wait3A_492 = tpu.memref_slice %arg5[%dma_wait3A_486, %dma_wait3A_491] : memref<2x32768xf32, #tpu.memory_space<vmem>> -> memref<1x32768xf32, #tpu.memory_space<vmem>>
    %dma_wait3A_493 = tpu.memref_squeeze %dma_wait3A_492 : memref<1x32768xf32, #tpu.memory_space<vmem>> -> memref<32768xf32, #tpu.memory_space<vmem>>
    %dma_wait3A_494 = tpu.memref_slice %arg2[%mul3A_460] : memref<16777216xf32, #tpu.memory_space<hbm>> -> memref<32768xf32, #tpu.memory_space<hbm>>
    tpu.wait_dma2 semaphore(%arg7 : memref<!tpu.dma_semaphore, #tpu.memory_space<semaphore_mem>>) src(%dma_wait3A_494 : memref<32768xf32, #tpu.memory_space<hbm>>) dst(%dma_wait3A_493 : memref<32768xf32, #tpu.memory_space<vmem>>)
    %dma_wait3A_495 = arith.constant 1 : i32
    %dma_wait3A_496 = arith.constant 0 : i32
    %dma_wait3A_497 = tpu.memref_slice %arg5[%dma_wait3A_495, %dma_wait3A_496] : memref<2x32768xf32, #tpu.memory_space<vmem>> -> memref<1x32768xf32, #tpu.memory_space<vmem>>
    %dma_wait3A_498 = tpu.memref_squeeze %dma_wait3A_497 : memref<1x32768xf32, #tpu.memory_space<vmem>> -> memref<32768xf32, #tpu.memory_space<vmem>>
    %dma_wait3A_499 = tpu.memref_slice %arg4[%mul3A_476] : memref<16777216xf32, #tpu.memory_space<hbm>> -> memref<32768xf32, #tpu.memory_space<hbm>>
    %dma_wait3A_500 = tpu.memref_slice %arg4[%mul3A_476] : memref<16777216xf32, #tpu.memory_space<hbm>> -> memref<32768xf32, #tpu.memory_space<hbm>>
    %dma_wait3A_501 = arith.constant 0 : i32
    %dma_wait3A_502 = tpu.memref_slice %arg5[%dma_wait3A_495, %dma_wait3A_501] : memref<2x32768xf32, #tpu.memory_space<vmem>> -> memref<1x32768xf32, #tpu.memory_space<vmem>>
    %dma_wait3A_503 = tpu.memref_squeeze %dma_wait3A_502 : memref<1x32768xf32, #tpu.memory_space<vmem>> -> memref<32768xf32, #tpu.memory_space<vmem>>
    tpu.wait_dma2 semaphore(%arg10 : memref<!tpu.dma_semaphore, #tpu.memory_space<semaphore_mem>>) src(%dma_wait3A_503 : memref<32768xf32, #tpu.memory_space<vmem>>) dst(%dma_wait3A_500 : memref<32768xf32, #tpu.memory_space<hbm>>)
    %add3A_504 = arith.constant 6144 : i32
    %add3A_505 = arith.addi %add3A_504, %add3A_385 : i32
    %mul3A_506 = arith.constant 2048 : i32
    %mul3A_507 = arith.muli %add3A_505, %mul3A_506 : i32
    %dma_start3A_508 = arith.constant 1 : i32
    %dma_start3A_509 = arith.constant 0 : i32
    %dma_start3A_510 = tpu.memref_slice %arg5[%dma_start3A_508, %dma_start3A_509] : memref<2x32768xf32, #tpu.memory_space<vmem>> -> memref<1x32768xf32, #tpu.memory_space<vmem>>
    %dma_start3A_511 = tpu.memref_squeeze %dma_start3A_510 : memref<1x32768xf32, #tpu.memory_space<vmem>> -> memref<32768xf32, #tpu.memory_space<vmem>>
    %dma_start3A_512 = tpu.memref_slice %arg2[%mul3A_507] : memref<16777216xf32, #tpu.memory_space<hbm>> -> memref<32768xf32, #tpu.memory_space<hbm>>
    %dma_start3A_513 = arith.constant 0 : i32
    %dma_start3A_514 = tpu.memref_slice %arg5[%dma_start3A_508, %dma_start3A_513] : memref<2x32768xf32, #tpu.memory_space<vmem>> -> memref<1x32768xf32, #tpu.memory_space<vmem>>
    %dma_start3A_515 = tpu.memref_squeeze %dma_start3A_514 : memref<1x32768xf32, #tpu.memory_space<vmem>> -> memref<32768xf32, #tpu.memory_space<vmem>>
    %dma_start3A_516 = tpu.memref_slice %arg2[%mul3A_507] : memref<16777216xf32, #tpu.memory_space<hbm>> -> memref<32768xf32, #tpu.memory_space<hbm>>
    tpu.enqueue_dma source(%dma_start3A_516 : memref<32768xf32, #tpu.memory_space<hbm>>) target(%dma_start3A_515 : memref<32768xf32, #tpu.memory_space<vmem>>) target_semaphore(%arg8 : memref<!tpu.dma_semaphore, #tpu.memory_space<semaphore_mem>>)
    %parallel_loop3A_517 = arith.constant 0 : i32
    %parallel_loop3A_518 = arith.constant 32768 : i32
    %parallel_loop3A_519 = arith.constant 16 : i32
    scf.for %parallel_loop3A_768 = %parallel_loop3A_517 to %parallel_loop3A_518 step %parallel_loop3A_519  : i32 {
      %parallel_loop3A_769 = arith.constant 0 : i32
      %parallel_loop3A_770 = arith.index_cast %parallel_loop3A_769 : i32 to index
      %parallel_loop3A_771 = arith.index_cast %parallel_loop3A_768 : i32 to index
      %parallel_loop3A_772 = tpu.vector_load %arg5[%parallel_loop3A_770, %parallel_loop3A_771] {strides = array<i32>} : memref<2x32768xf32, #tpu.memory_space<vmem>>, vector<1x16xf32>,
      %parallel_loop3A_773 = vector.shape_cast %parallel_loop3A_772 : vector<1x16xf32> to vector<16xf32>
      %parallel_loop3A_774 = arith.index_cast %parallel_loop3A_768 : i32 to index
      %parallel_loop3A_775 = tpu.vector_load %arg6[%parallel_loop3A_774] {strides = array<i32>} : memref<32768xf32, #tpu.memory_space<vmem>>, vector<16xf32>,
      %parallel_loop3A_776 = vector.shape_cast %parallel_loop3A_775 : vector<16xf32> to vector<16xf32>
      %parallel_loop3A_777 = arith.addf %parallel_loop3A_773, %parallel_loop3A_776 : vector<16xf32>
      %parallel_loop3A_778 = arith.constant 0 : i32
      %parallel_loop3A_779 = arith.index_cast %parallel_loop3A_778 : i32 to index
      %parallel_loop3A_780 = arith.index_cast %parallel_loop3A_768 : i32 to index
      %parallel_loop3A_781 = tpu.vector_load %arg5[%parallel_loop3A_779, %parallel_loop3A_780] {strides = array<i32>} : memref<2x32768xf32, #tpu.memory_space<vmem>>, vector<1x16xf32>,
      %parallel_loop3A_782 = vector.shape_cast %parallel_loop3A_781 : vector<1x16xf32> to vector<16xf32>
      %parallel_loop3A_783 = vector.shape_cast %parallel_loop3A_777 : vector<16xf32> to vector<1x16xf32>
      tpu.vector_store %arg5[%parallel_loop3A_779, %parallel_loop3A_780], %parallel_loop3A_783 {strides = array<i32>} : memref<2x32768xf32, #tpu.memory_space<vmem>>, vector<1x16xf32>,
    } {sc.loop_unroll_factor = 8 : i64, sc.parallel_access}
    %add3A_520 = arith.constant 4096 : i32
    %add3A_521 = arith.addi %add3A_520, %add3A_385 : i32
    %mul3A_522 = arith.constant 2048 : i32
    %mul3A_523 = arith.muli %add3A_521, %mul3A_522 : i32
    %dma_start3A_524 = arith.constant 0 : i32
    %dma_start3A_525 = arith.constant 0 : i32
    %dma_start3A_526 = tpu.memref_slice %arg5[%dma_start3A_524, %dma_start3A_525] : memref<2x32768xf32, #tpu.memory_space<vmem>> -> memref<1x32768xf32, #tpu.memory_space<vmem>>
    %dma_start3A_527 = tpu.memref_squeeze %dma_start3A_526 : memref<1x32768xf32, #tpu.memory_space<vmem>> -> memref<32768xf32, #tpu.memory_space<vmem>>
    %dma_start3A_528 = tpu.memref_slice %arg4[%mul3A_523] : memref<16777216xf32, #tpu.memory_space<hbm>> -> memref<32768xf32, #tpu.memory_space<hbm>>
    %dma_start3A_529 = tpu.memref_slice %arg4[%mul3A_523] : memref<16777216xf32, #tpu.memory_space<hbm>> -> memref<32768xf32, #tpu.memory_space<hbm>>
    %dma_start3A_530 = arith.constant 0 : i32
    %dma_start3A_531 = tpu.memref_slice %arg5[%dma_start3A_524, %dma_start3A_530] : memref<2x32768xf32, #tpu.memory_space<vmem>> -> memref<1x32768xf32, #tpu.memory_space<vmem>>
    %dma_start3A_532 = tpu.memref_squeeze %dma_start3A_531 : memref<1x32768xf32, #tpu.memory_space<vmem>> -> memref<32768xf32, #tpu.memory_space<vmem>>
    tpu.enqueue_dma source(%dma_start3A_532 : memref<32768xf32, #tpu.memory_space<vmem>>) target(%dma_start3A_529 : memref<32768xf32, #tpu.memory_space<hbm>>) target_semaphore(%arg9 : memref<!tpu.dma_semaphore, #tpu.memory_space<semaphore_mem>>)
    %dma_wait3A_533 = arith.constant 1 : i32
    %dma_wait3A_534 = arith.constant 0 : i32
    %dma_wait3A_535 = tpu.memref_slice %arg5[%dma_wait3A_533, %dma_wait3A_534] : memref<2x32768xf32, #tpu.memory_space<vmem>> -> memref<1x32768xf32, #tpu.memory_space<vmem>>
    %dma_wait3A_536 = tpu.memref_squeeze %dma_wait3A_535 : memref<1x32768xf32, #tpu.memory_space<vmem>> -> memref<32768xf32, #tpu.memory_space<vmem>>
    %dma_wait3A_537 = tpu.memref_slice %arg2[%mul3A_507] : memref<16777216xf32, #tpu.memory_space<hbm>> -> memref<32768xf32, #tpu.memory_space<hbm>>
    %dma_wait3A_538 = arith.constant 0 : i32
    %dma_wait3A_539 = tpu.memref_slice %arg5[%dma_wait3A_533, %dma_wait3A_538] : memref<2x32768xf32, #tpu.memory_space<vmem>> -> memref<1x32768xf32, #tpu.memory_space<vmem>>
    %dma_wait3A_540 = tpu.memref_squeeze %dma_wait3A_539 : memref<1x32768xf32, #tpu.memory_space<vmem>> -> memref<32768xf32, #tpu.memory_space<vmem>>
    %dma_wait3A_541 = tpu.memref_slice %arg2[%mul3A_507] : memref<16777216xf32, #tpu.memory_space<hbm>> -> memref<32768xf32, #tpu.memory_space<hbm>>
    tpu.wait_dma2 semaphore(%arg8 : memref<!tpu.dma_semaphore, #tpu.memory_space<semaphore_mem>>) src(%dma_wait3A_541 : memref<32768xf32, #tpu.memory_space<hbm>>) dst(%dma_wait3A_540 : memref<32768xf32, #tpu.memory_space<vmem>>)
    %parallel_loop3A_542 = arith.constant 0 : i32
    %parallel_loop3A_543 = arith.constant 32768 : i32
    %parallel_loop3A_544 = arith.constant 16 : i32
    scf.for %parallel_loop3A_768 = %parallel_loop3A_542 to %parallel_loop3A_543 step %parallel_loop3A_544  : i32 {
      %parallel_loop3A_769 = arith.constant 1 : i32
      %parallel_loop3A_770 = arith.index_cast %parallel_loop3A_769 : i32 to index
      %parallel_loop3A_771 = arith.index_cast %parallel_loop3A_768 : i32 to index
      %parallel_loop3A_772 = tpu.vector_load %arg5[%parallel_loop3A_770, %parallel_loop3A_771] {strides = array<i32>} : memref<2x32768xf32, #tpu.memory_space<vmem>>, vector<1x16xf32>,
      %parallel_loop3A_773 = vector.shape_cast %parallel_loop3A_772 : vector<1x16xf32> to vector<16xf32>
      %parallel_loop3A_774 = arith.index_cast %parallel_loop3A_768 : i32 to index
      %parallel_loop3A_775 = tpu.vector_load %arg6[%parallel_loop3A_774] {strides = array<i32>} : memref<32768xf32, #tpu.memory_space<vmem>>, vector<16xf32>,
      %parallel_loop3A_776 = vector.shape_cast %parallel_loop3A_775 : vector<16xf32> to vector<16xf32>
      %parallel_loop3A_777 = arith.addf %parallel_loop3A_773, %parallel_loop3A_776 : vector<16xf32>
      %parallel_loop3A_778 = arith.constant 1 : i32
      %parallel_loop3A_779 = arith.index_cast %parallel_loop3A_778 : i32 to index
      %parallel_loop3A_780 = arith.index_cast %parallel_loop3A_768 : i32 to index
      %parallel_loop3A_781 = tpu.vector_load %arg5[%parallel_loop3A_779, %parallel_loop3A_780] {strides = array<i32>} : memref<2x32768xf32, #tpu.memory_space<vmem>>, vector<1x16xf32>,
      %parallel_loop3A_782 = vector.shape_cast %parallel_loop3A_781 : vector<1x16xf32> to vector<16xf32>
      %parallel_loop3A_783 = vector.shape_cast %parallel_loop3A_777 : vector<16xf32> to vector<1x16xf32>
      tpu.vector_store %arg5[%parallel_loop3A_779, %parallel_loop3A_780], %parallel_loop3A_783 {strides = array<i32>} : memref<2x32768xf32, #tpu.memory_space<vmem>>, vector<1x16xf32>,
    } {sc.loop_unroll_factor = 8 : i64, sc.parallel_access}
    %add3A_545 = arith.constant 6144 : i32
    %add3A_546 = arith.addi %add3A_545, %add3A_385 : i32
    %mul3A_547 = arith.constant 2048 : i32
    %mul3A_548 = arith.muli %add3A_546, %mul3A_547 : i32
    %dma_start3A_549 = arith.constant 1 : i32
    %dma_start3A_550 = arith.constant 0 : i32
    %dma_start3A_551 = tpu.memref_slice %arg5[%dma_start3A_549, %dma_start3A_550] : memref<2x32768xf32, #tpu.memory_space<vmem>> -> memref<1x32768xf32, #tpu.memory_space<vmem>>
    %dma_start3A_552 = tpu.memref_squeeze %dma_start3A_551 : memref<1x32768xf32, #tpu.memory_space<vmem>> -> memref<32768xf32, #tpu.memory_space<vmem>>
    %dma_start3A_553 = tpu.memref_slice %arg4[%mul3A_548] : memref<16777216xf32, #tpu.memory_space<hbm>> -> memref<32768xf32, #tpu.memory_space<hbm>>
    %dma_start3A_554 = tpu.memref_slice %arg4[%mul3A_548] : memref<16777216xf32, #tpu.memory_space<hbm>> -> memref<32768xf32, #tpu.memory_space<hbm>>
    %dma_start3A_555 = arith.constant 0 : i32
    %dma_start3A_556 = tpu.memref_slice %arg5[%dma_start3A_549, %dma_start3A_555] : memref<2x32768xf32, #tpu.memory_space<vmem>> -> memref<1x32768xf32, #tpu.memory_space<vmem>>
    %dma_start3A_557 = tpu.memref_squeeze %dma_start3A_556 : memref<1x32768xf32, #tpu.memory_space<vmem>> -> memref<32768xf32, #tpu.memory_space<vmem>>
    tpu.enqueue_dma source(%dma_start3A_557 : memref<32768xf32, #tpu.memory_space<vmem>>) target(%dma_start3A_554 : memref<32768xf32, #tpu.memory_space<hbm>>) target_semaphore(%arg10 : memref<!tpu.dma_semaphore, #tpu.memory_space<semaphore_mem>>)
    %dma_wait3A_558 = arith.constant 0 : i32
    %dma_wait3A_559 = arith.constant 0 : i32
    %dma_wait3A_560 = tpu.memref_slice %arg5[%dma_wait3A_558, %dma_wait3A_559] : memref<2x32768xf32, #tpu.memory_space<vmem>> -> memref<1x32768xf32, #tpu.memory_space<vmem>>
    %dma_wait3A_561 = tpu.memref_squeeze %dma_wait3A_560 : memref<1x32768xf32, #tpu.memory_space<vmem>> -> memref<32768xf32, #tpu.memory_space<vmem>>
    %dma_wait3A_562 = tpu.memref_slice %arg4[%mul3A_523] : memref<16777216xf32, #tpu.memory_space<hbm>> -> memref<32768xf32, #tpu.memory_space<hbm>>
    %dma_wait3A_563 = tpu.memref_slice %arg4[%mul3A_523] : memref<16777216xf32, #tpu.memory_space<hbm>> -> memref<32768xf32, #tpu.memory_space<hbm>>
    %dma_wait3A_564 = arith.constant 0 : i32
    %dma_wait3A_565 = tpu.memref_slice %arg5[%dma_wait3A_558, %dma_wait3A_564] : memref<2x32768xf32, #tpu.memory_space<vmem>> -> memref<1x32768xf32, #tpu.memory_space<vmem>>
    %dma_wait3A_566 = tpu.memref_squeeze %dma_wait3A_565 : memref<1x32768xf32, #tpu.memory_space<vmem>> -> memref<32768xf32, #tpu.memory_space<vmem>>
    tpu.wait_dma2 semaphore(%arg9 : memref<!tpu.dma_semaphore, #tpu.memory_space<semaphore_mem>>) src(%dma_wait3A_566 : memref<32768xf32, #tpu.memory_space<vmem>>) dst(%dma_wait3A_563 : memref<32768xf32, #tpu.memory_space<hbm>>)
    %dma_wait3A_567 = arith.constant 1 : i32
    %dma_wait3A_568 = arith.constant 0 : i32
    %dma_wait3A_569 = tpu.memref_slice %arg5[%dma_wait3A_567, %dma_wait3A_568] : memref<2x32768xf32, #tpu.memory_space<vmem>> -> memref<1x32768xf32, #tpu.memory_space<vmem>>
    %dma_wait3A_570 = tpu.memref_squeeze %dma_wait3A_569 : memref<1x32768xf32, #tpu.memory_space<vmem>> -> memref<32768xf32, #tpu.memory_space<vmem>>
    %dma_wait3A_571 = tpu.memref_slice %arg4[%mul3A_548] : memref<16777216xf32, #tpu.memory_space<hbm>> -> memref<32768xf32, #tpu.memory_space<hbm>>
    %dma_wait3A_572 = tpu.memref_slice %arg4[%mul3A_548] : memref<16777216xf32, #tpu.memory_space<hbm>> -> memref<32768xf32, #tpu.memory_space<hbm>>
    %dma_wait3A_573 = arith.constant 0 : i32
    %dma_wait3A_574 = tpu.memref_slice %arg5[%dma_wait3A_567, %dma_wait3A_573] : memref<2x32768xf32, #tpu.memory_space<vmem>> -> memref<1x32768xf32, #tpu.memory_space<vmem>>
    %dma_wait3A_575 = tpu.memref_squeeze %dma_wait3A_574 : memref<1x32768xf32, #tpu.memory_space<vmem>> -> memref<32768xf32, #tpu.memory_space<vmem>>
    tpu.wait_dma2 semaphore(%arg10 : memref<!tpu.dma_semaphore, #tpu.memory_space<semaphore_mem>>) src(%dma_wait3A_575 : memref<32768xf32, #tpu.memory_space<vmem>>) dst(%dma_wait3A_572 : memref<32768xf32, #tpu.memory_space<hbm>>)
    %add3A_576 = arith.constant 48 : i32
    %add3A_577 = arith.addi %mul3A_2, %add3A_576 : i32
    %mul3A_578 = arith.constant 2048 : i32
    %mul3A_579 = arith.muli %add3A_577, %mul3A_578 : i32
    "tpu.region"() ({
      %run_scoped3A = tpu.sem_alloc : memref<!tpu.dma_semaphore, #tpu.memory_space<semaphore_mem>>
      %dma_start3A_768 = tpu.memref_slice %arg3[%mul3A_579] : memref<4194304xf32, #tpu.memory_space<hbm>> -> memref<32768xf32, #tpu.memory_space<hbm>>
      %dma_start3A_769 = tpu.memref_slice %arg3[%mul3A_579] : memref<4194304xf32, #tpu.memory_space<hbm>> -> memref<32768xf32, #tpu.memory_space<hbm>>
      tpu.enqueue_dma source(%dma_start3A_769 : memref<32768xf32, #tpu.memory_space<hbm>>) target(%arg6 : memref<32768xf32, #tpu.memory_space<vmem>>) target_semaphore(%run_scoped3A : memref<!tpu.dma_semaphore, #tpu.memory_space<semaphore_mem>>)
      %dma_wait3A_770 = tpu.memref_slice %arg3[%mul3A_579] : memref<4194304xf32, #tpu.memory_space<hbm>> -> memref<32768xf32, #tpu.memory_space<hbm>>
      %dma_wait3A_771 = tpu.memref_slice %arg3[%mul3A_579] : memref<4194304xf32, #tpu.memory_space<hbm>> -> memref<32768xf32, #tpu.memory_space<hbm>>
      tpu.wait_dma2 semaphore(%run_scoped3A : memref<!tpu.dma_semaphore, #tpu.memory_space<semaphore_mem>>) src(%dma_wait3A_771 : memref<32768xf32, #tpu.memory_space<hbm>>) dst(%arg6 : memref<32768xf32, #tpu.memory_space<vmem>>)
      tpu.yield
    }) : () -> ()
    %add3A_580 = arith.constant 0 : i32
    %add3A_581 = arith.addi %add3A_580, %add3A_577 : i32
    %mul3A_582 = arith.constant 2048 : i32
    %mul3A_583 = arith.muli %add3A_581, %mul3A_582 : i32
    %dma_start3A_584 = arith.constant 0 : i32
    %dma_start3A_585 = arith.constant 0 : i32
    %dma_start3A_586 = tpu.memref_slice %arg5[%dma_start3A_584, %dma_start3A_585] : memref<2x32768xf32, #tpu.memory_space<vmem>> -> memref<1x32768xf32, #tpu.memory_space<vmem>>
    %dma_start3A_587 = tpu.memref_squeeze %dma_start3A_586 : memref<1x32768xf32, #tpu.memory_space<vmem>> -> memref<32768xf32, #tpu.memory_space<vmem>>
    %dma_start3A_588 = tpu.memref_slice %arg2[%mul3A_583] : memref<16777216xf32, #tpu.memory_space<hbm>> -> memref<32768xf32, #tpu.memory_space<hbm>>
    %dma_start3A_589 = arith.constant 0 : i32
    %dma_start3A_590 = tpu.memref_slice %arg5[%dma_start3A_584, %dma_start3A_589] : memref<2x32768xf32, #tpu.memory_space<vmem>> -> memref<1x32768xf32, #tpu.memory_space<vmem>>
    %dma_start3A_591 = tpu.memref_squeeze %dma_start3A_590 : memref<1x32768xf32, #tpu.memory_space<vmem>> -> memref<32768xf32, #tpu.memory_space<vmem>>
    %dma_start3A_592 = tpu.memref_slice %arg2[%mul3A_583] : memref<16777216xf32, #tpu.memory_space<hbm>> -> memref<32768xf32, #tpu.memory_space<hbm>>
    tpu.enqueue_dma source(%dma_start3A_592 : memref<32768xf32, #tpu.memory_space<hbm>>) target(%dma_start3A_591 : memref<32768xf32, #tpu.memory_space<vmem>>) target_semaphore(%arg7 : memref<!tpu.dma_semaphore, #tpu.memory_space<semaphore_mem>>)
    %dma_wait3A_593 = arith.constant 0 : i32
    %dma_wait3A_594 = arith.constant 0 : i32
    %dma_wait3A_595 = tpu.memref_slice %arg5[%dma_wait3A_593, %dma_wait3A_594] : memref<2x32768xf32, #tpu.memory_space<vmem>> -> memref<1x32768xf32, #tpu.memory_space<vmem>>
    %dma_wait3A_596 = tpu.memref_squeeze %dma_wait3A_595 : memref<1x32768xf32, #tpu.memory_space<vmem>> -> memref<32768xf32, #tpu.memory_space<vmem>>
    %dma_wait3A_597 = tpu.memref_slice %arg2[%mul3A_583] : memref<16777216xf32, #tpu.memory_space<hbm>> -> memref<32768xf32, #tpu.memory_space<hbm>>
    %dma_wait3A_598 = arith.constant 0 : i32
    %dma_wait3A_599 = tpu.memref_slice %arg5[%dma_wait3A_593, %dma_wait3A_598] : memref<2x32768xf32, #tpu.memory_space<vmem>> -> memref<1x32768xf32, #tpu.memory_space<vmem>>
    %dma_wait3A_600 = tpu.memref_squeeze %dma_wait3A_599 : memref<1x32768xf32, #tpu.memory_space<vmem>> -> memref<32768xf32, #tpu.memory_space<vmem>>
    %dma_wait3A_601 = tpu.memref_slice %arg2[%mul3A_583] : memref<16777216xf32, #tpu.memory_space<hbm>> -> memref<32768xf32, #tpu.memory_space<hbm>>
    tpu.wait_dma2 semaphore(%arg7 : memref<!tpu.dma_semaphore, #tpu.memory_space<semaphore_mem>>) src(%dma_wait3A_601 : memref<32768xf32, #tpu.memory_space<hbm>>) dst(%dma_wait3A_600 : memref<32768xf32, #tpu.memory_space<vmem>>)
    %add3A_602 = arith.constant 2048 : i32
    %add3A_603 = arith.addi %add3A_602, %add3A_577 : i32
    %mul3A_604 = arith.constant 2048 : i32
    %mul3A_605 = arith.muli %add3A_603, %mul3A_604 : i32
    %dma_start3A_606 = arith.constant 1 : i32
    %dma_start3A_607 = arith.constant 0 : i32
    %dma_start3A_608 = tpu.memref_slice %arg5[%dma_start3A_606, %dma_start3A_607] : memref<2x32768xf32, #tpu.memory_space<vmem>> -> memref<1x32768xf32, #tpu.memory_space<vmem>>
    %dma_start3A_609 = tpu.memref_squeeze %dma_start3A_608 : memref<1x32768xf32, #tpu.memory_space<vmem>> -> memref<32768xf32, #tpu.memory_space<vmem>>
    %dma_start3A_610 = tpu.memref_slice %arg2[%mul3A_605] : memref<16777216xf32, #tpu.memory_space<hbm>> -> memref<32768xf32, #tpu.memory_space<hbm>>
    %dma_start3A_611 = arith.constant 0 : i32
    %dma_start3A_612 = tpu.memref_slice %arg5[%dma_start3A_606, %dma_start3A_611] : memref<2x32768xf32, #tpu.memory_space<vmem>> -> memref<1x32768xf32, #tpu.memory_space<vmem>>
    %dma_start3A_613 = tpu.memref_squeeze %dma_start3A_612 : memref<1x32768xf32, #tpu.memory_space<vmem>> -> memref<32768xf32, #tpu.memory_space<vmem>>
    %dma_start3A_614 = tpu.memref_slice %arg2[%mul3A_605] : memref<16777216xf32, #tpu.memory_space<hbm>> -> memref<32768xf32, #tpu.memory_space<hbm>>
    tpu.enqueue_dma source(%dma_start3A_614 : memref<32768xf32, #tpu.memory_space<hbm>>) target(%dma_start3A_613 : memref<32768xf32, #tpu.memory_space<vmem>>) target_semaphore(%arg8 : memref<!tpu.dma_semaphore, #tpu.memory_space<semaphore_mem>>)
    %parallel_loop3A_615 = arith.constant 0 : i32
    %parallel_loop3A_616 = arith.constant 32768 : i32
    %parallel_loop3A_617 = arith.constant 16 : i32
    scf.for %parallel_loop3A_768 = %parallel_loop3A_615 to %parallel_loop3A_616 step %parallel_loop3A_617  : i32 {
      %parallel_loop3A_769 = arith.constant 0 : i32
      %parallel_loop3A_770 = arith.index_cast %parallel_loop3A_769 : i32 to index
      %parallel_loop3A_771 = arith.index_cast %parallel_loop3A_768 : i32 to index
      %parallel_loop3A_772 = tpu.vector_load %arg5[%parallel_loop3A_770, %parallel_loop3A_771] {strides = array<i32>} : memref<2x32768xf32, #tpu.memory_space<vmem>>, vector<1x16xf32>,
      %parallel_loop3A_773 = vector.shape_cast %parallel_loop3A_772 : vector<1x16xf32> to vector<16xf32>
      %parallel_loop3A_774 = arith.index_cast %parallel_loop3A_768 : i32 to index
      %parallel_loop3A_775 = tpu.vector_load %arg6[%parallel_loop3A_774] {strides = array<i32>} : memref<32768xf32, #tpu.memory_space<vmem>>, vector<16xf32>,
      %parallel_loop3A_776 = vector.shape_cast %parallel_loop3A_775 : vector<16xf32> to vector<16xf32>
      %parallel_loop3A_777 = arith.addf %parallel_loop3A_773, %parallel_loop3A_776 : vector<16xf32>
      %parallel_loop3A_778 = arith.constant 0 : i32
      %parallel_loop3A_779 = arith.index_cast %parallel_loop3A_778 : i32 to index
      %parallel_loop3A_780 = arith.index_cast %parallel_loop3A_768 : i32 to index
      %parallel_loop3A_781 = tpu.vector_load %arg5[%parallel_loop3A_779, %parallel_loop3A_780] {strides = array<i32>} : memref<2x32768xf32, #tpu.memory_space<vmem>>, vector<1x16xf32>,
      %parallel_loop3A_782 = vector.shape_cast %parallel_loop3A_781 : vector<1x16xf32> to vector<16xf32>
      %parallel_loop3A_783 = vector.shape_cast %parallel_loop3A_777 : vector<16xf32> to vector<1x16xf32>
      tpu.vector_store %arg5[%parallel_loop3A_779, %parallel_loop3A_780], %parallel_loop3A_783 {strides = array<i32>} : memref<2x32768xf32, #tpu.memory_space<vmem>>, vector<1x16xf32>,
    } {sc.loop_unroll_factor = 8 : i64, sc.parallel_access}
    %add3A_618 = arith.constant 0 : i32
    %add3A_619 = arith.addi %add3A_618, %add3A_577 : i32
    %mul3A_620 = arith.constant 2048 : i32
    %mul3A_621 = arith.muli %add3A_619, %mul3A_620 : i32
    %dma_start3A_622 = arith.constant 0 : i32
    %dma_start3A_623 = arith.constant 0 : i32
    %dma_start3A_624 = tpu.memref_slice %arg5[%dma_start3A_622, %dma_start3A_623] : memref<2x32768xf32, #tpu.memory_space<vmem>> -> memref<1x32768xf32, #tpu.memory_space<vmem>>
    %dma_start3A_625 = tpu.memref_squeeze %dma_start3A_624 : memref<1x32768xf32, #tpu.memory_space<vmem>> -> memref<32768xf32, #tpu.memory_space<vmem>>
    %dma_start3A_626 = tpu.memref_slice %arg4[%mul3A_621] : memref<16777216xf32, #tpu.memory_space<hbm>> -> memref<32768xf32, #tpu.memory_space<hbm>>
    %dma_start3A_627 = tpu.memref_slice %arg4[%mul3A_621] : memref<16777216xf32, #tpu.memory_space<hbm>> -> memref<32768xf32, #tpu.memory_space<hbm>>
    %dma_start3A_628 = arith.constant 0 : i32
    %dma_start3A_629 = tpu.memref_slice %arg5[%dma_start3A_622, %dma_start3A_628] : memref<2x32768xf32, #tpu.memory_space<vmem>> -> memref<1x32768xf32, #tpu.memory_space<vmem>>
    %dma_start3A_630 = tpu.memref_squeeze %dma_start3A_629 : memref<1x32768xf32, #tpu.memory_space<vmem>> -> memref<32768xf32, #tpu.memory_space<vmem>>
    tpu.enqueue_dma source(%dma_start3A_630 : memref<32768xf32, #tpu.memory_space<vmem>>) target(%dma_start3A_627 : memref<32768xf32, #tpu.memory_space<hbm>>) target_semaphore(%arg9 : memref<!tpu.dma_semaphore, #tpu.memory_space<semaphore_mem>>)
    %dma_wait3A_631 = arith.constant 1 : i32
    %dma_wait3A_632 = arith.constant 0 : i32
    %dma_wait3A_633 = tpu.memref_slice %arg5[%dma_wait3A_631, %dma_wait3A_632] : memref<2x32768xf32, #tpu.memory_space<vmem>> -> memref<1x32768xf32, #tpu.memory_space<vmem>>
    %dma_wait3A_634 = tpu.memref_squeeze %dma_wait3A_633 : memref<1x32768xf32, #tpu.memory_space<vmem>> -> memref<32768xf32, #tpu.memory_space<vmem>>
    %dma_wait3A_635 = tpu.memref_slice %arg2[%mul3A_605] : memref<16777216xf32, #tpu.memory_space<hbm>> -> memref<32768xf32, #tpu.memory_space<hbm>>
    %dma_wait3A_636 = arith.constant 0 : i32
    %dma_wait3A_637 = tpu.memref_slice %arg5[%dma_wait3A_631, %dma_wait3A_636] : memref<2x32768xf32, #tpu.memory_space<vmem>> -> memref<1x32768xf32, #tpu.memory_space<vmem>>
    %dma_wait3A_638 = tpu.memref_squeeze %dma_wait3A_637 : memref<1x32768xf32, #tpu.memory_space<vmem>> -> memref<32768xf32, #tpu.memory_space<vmem>>
    %dma_wait3A_639 = tpu.memref_slice %arg2[%mul3A_605] : memref<16777216xf32, #tpu.memory_space<hbm>> -> memref<32768xf32, #tpu.memory_space<hbm>>
    tpu.wait_dma2 semaphore(%arg8 : memref<!tpu.dma_semaphore, #tpu.memory_space<semaphore_mem>>) src(%dma_wait3A_639 : memref<32768xf32, #tpu.memory_space<hbm>>) dst(%dma_wait3A_638 : memref<32768xf32, #tpu.memory_space<vmem>>)
    %dma_wait3A_640 = arith.constant 0 : i32
    %dma_wait3A_641 = arith.constant 0 : i32
    %dma_wait3A_642 = tpu.memref_slice %arg5[%dma_wait3A_640, %dma_wait3A_641] : memref<2x32768xf32, #tpu.memory_space<vmem>> -> memref<1x32768xf32, #tpu.memory_space<vmem>>
    %dma_wait3A_643 = tpu.memref_squeeze %dma_wait3A_642 : memref<1x32768xf32, #tpu.memory_space<vmem>> -> memref<32768xf32, #tpu.memory_space<vmem>>
    %dma_wait3A_644 = tpu.memref_slice %arg4[%mul3A_621] : memref<16777216xf32, #tpu.memory_space<hbm>> -> memref<32768xf32, #tpu.memory_space<hbm>>
    %dma_wait3A_645 = tpu.memref_slice %arg4[%mul3A_621] : memref<16777216xf32, #tpu.memory_space<hbm>> -> memref<32768xf32, #tpu.memory_space<hbm>>
    %dma_wait3A_646 = arith.constant 0 : i32
    %dma_wait3A_647 = tpu.memref_slice %arg5[%dma_wait3A_640, %dma_wait3A_646] : memref<2x32768xf32, #tpu.memory_space<vmem>> -> memref<1x32768xf32, #tpu.memory_space<vmem>>
    %dma_wait3A_648 = tpu.memref_squeeze %dma_wait3A_647 : memref<1x32768xf32, #tpu.memory_space<vmem>> -> memref<32768xf32, #tpu.memory_space<vmem>>
    tpu.wait_dma2 semaphore(%arg9 : memref<!tpu.dma_semaphore, #tpu.memory_space<semaphore_mem>>) src(%dma_wait3A_648 : memref<32768xf32, #tpu.memory_space<vmem>>) dst(%dma_wait3A_645 : memref<32768xf32, #tpu.memory_space<hbm>>)
    %add3A_649 = arith.constant 4096 : i32
    %add3A_650 = arith.addi %add3A_649, %add3A_577 : i32
    %mul3A_651 = arith.constant 2048 : i32
    %mul3A_652 = arith.muli %add3A_650, %mul3A_651 : i32
    %dma_start3A_653 = arith.constant 0 : i32
    %dma_start3A_654 = arith.constant 0 : i32
    %dma_start3A_655 = tpu.memref_slice %arg5[%dma_start3A_653, %dma_start3A_654] : memref<2x32768xf32, #tpu.memory_space<vmem>> -> memref<1x32768xf32, #tpu.memory_space<vmem>>
    %dma_start3A_656 = tpu.memref_squeeze %dma_start3A_655 : memref<1x32768xf32, #tpu.memory_space<vmem>> -> memref<32768xf32, #tpu.memory_space<vmem>>
    %dma_start3A_657 = tpu.memref_slice %arg2[%mul3A_652] : memref<16777216xf32, #tpu.memory_space<hbm>> -> memref<32768xf32, #tpu.memory_space<hbm>>
    %dma_start3A_658 = arith.constant 0 : i32
    %dma_start3A_659 = tpu.memref_slice %arg5[%dma_start3A_653, %dma_start3A_658] : memref<2x32768xf32, #tpu.memory_space<vmem>> -> memref<1x32768xf32, #tpu.memory_space<vmem>>
    %dma_start3A_660 = tpu.memref_squeeze %dma_start3A_659 : memref<1x32768xf32, #tpu.memory_space<vmem>> -> memref<32768xf32, #tpu.memory_space<vmem>>
    %dma_start3A_661 = tpu.memref_slice %arg2[%mul3A_652] : memref<16777216xf32, #tpu.memory_space<hbm>> -> memref<32768xf32, #tpu.memory_space<hbm>>
    tpu.enqueue_dma source(%dma_start3A_661 : memref<32768xf32, #tpu.memory_space<hbm>>) target(%dma_start3A_660 : memref<32768xf32, #tpu.memory_space<vmem>>) target_semaphore(%arg7 : memref<!tpu.dma_semaphore, #tpu.memory_space<semaphore_mem>>)
    %parallel_loop3A_662 = arith.constant 0 : i32
    %parallel_loop3A_663 = arith.constant 32768 : i32
    %parallel_loop3A_664 = arith.constant 16 : i32
    scf.for %parallel_loop3A_768 = %parallel_loop3A_662 to %parallel_loop3A_663 step %parallel_loop3A_664  : i32 {
      %parallel_loop3A_769 = arith.constant 1 : i32
      %parallel_loop3A_770 = arith.index_cast %parallel_loop3A_769 : i32 to index
      %parallel_loop3A_771 = arith.index_cast %parallel_loop3A_768 : i32 to index
      %parallel_loop3A_772 = tpu.vector_load %arg5[%parallel_loop3A_770, %parallel_loop3A_771] {strides = array<i32>} : memref<2x32768xf32, #tpu.memory_space<vmem>>, vector<1x16xf32>,
      %parallel_loop3A_773 = vector.shape_cast %parallel_loop3A_772 : vector<1x16xf32> to vector<16xf32>
      %parallel_loop3A_774 = arith.index_cast %parallel_loop3A_768 : i32 to index
      %parallel_loop3A_775 = tpu.vector_load %arg6[%parallel_loop3A_774] {strides = array<i32>} : memref<32768xf32, #tpu.memory_space<vmem>>, vector<16xf32>,
      %parallel_loop3A_776 = vector.shape_cast %parallel_loop3A_775 : vector<16xf32> to vector<16xf32>
      %parallel_loop3A_777 = arith.addf %parallel_loop3A_773, %parallel_loop3A_776 : vector<16xf32>
      %parallel_loop3A_778 = arith.constant 1 : i32
      %parallel_loop3A_779 = arith.index_cast %parallel_loop3A_778 : i32 to index
      %parallel_loop3A_780 = arith.index_cast %parallel_loop3A_768 : i32 to index
      %parallel_loop3A_781 = tpu.vector_load %arg5[%parallel_loop3A_779, %parallel_loop3A_780] {strides = array<i32>} : memref<2x32768xf32, #tpu.memory_space<vmem>>, vector<1x16xf32>,
      %parallel_loop3A_782 = vector.shape_cast %parallel_loop3A_781 : vector<1x16xf32> to vector<16xf32>
      %parallel_loop3A_783 = vector.shape_cast %parallel_loop3A_777 : vector<16xf32> to vector<1x16xf32>
      tpu.vector_store %arg5[%parallel_loop3A_779, %parallel_loop3A_780], %parallel_loop3A_783 {strides = array<i32>} : memref<2x32768xf32, #tpu.memory_space<vmem>>, vector<1x16xf32>,
    } {sc.loop_unroll_factor = 8 : i64, sc.parallel_access}
    %add3A_665 = arith.constant 2048 : i32
    %add3A_666 = arith.addi %add3A_665, %add3A_577 : i32
    %mul3A_667 = arith.constant 2048 : i32
    %mul3A_668 = arith.muli %add3A_666, %mul3A_667 : i32
    %dma_start3A_669 = arith.constant 1 : i32
    %dma_start3A_670 = arith.constant 0 : i32
    %dma_start3A_671 = tpu.memref_slice %arg5[%dma_start3A_669, %dma_start3A_670] : memref<2x32768xf32, #tpu.memory_space<vmem>> -> memref<1x32768xf32, #tpu.memory_space<vmem>>
    %dma_start3A_672 = tpu.memref_squeeze %dma_start3A_671 : memref<1x32768xf32, #tpu.memory_space<vmem>> -> memref<32768xf32, #tpu.memory_space<vmem>>
    %dma_start3A_673 = tpu.memref_slice %arg4[%mul3A_668] : memref<16777216xf32, #tpu.memory_space<hbm>> -> memref<32768xf32, #tpu.memory_space<hbm>>
    %dma_start3A_674 = tpu.memref_slice %arg4[%mul3A_668] : memref<16777216xf32, #tpu.memory_space<hbm>> -> memref<32768xf32, #tpu.memory_space<hbm>>
    %dma_start3A_675 = arith.constant 0 : i32
    %dma_start3A_676 = tpu.memref_slice %arg5[%dma_start3A_669, %dma_start3A_675] : memref<2x32768xf32, #tpu.memory_space<vmem>> -> memref<1x32768xf32, #tpu.memory_space<vmem>>
    %dma_start3A_677 = tpu.memref_squeeze %dma_start3A_676 : memref<1x32768xf32, #tpu.memory_space<vmem>> -> memref<32768xf32, #tpu.memory_space<vmem>>
    tpu.enqueue_dma source(%dma_start3A_677 : memref<32768xf32, #tpu.memory_space<vmem>>) target(%dma_start3A_674 : memref<32768xf32, #tpu.memory_space<hbm>>) target_semaphore(%arg10 : memref<!tpu.dma_semaphore, #tpu.memory_space<semaphore_mem>>)
    %dma_wait3A_678 = arith.constant 0 : i32
    %dma_wait3A_679 = arith.constant 0 : i32
    %dma_wait3A_680 = tpu.memref_slice %arg5[%dma_wait3A_678, %dma_wait3A_679] : memref<2x32768xf32, #tpu.memory_space<vmem>> -> memref<1x32768xf32, #tpu.memory_space<vmem>>
    %dma_wait3A_681 = tpu.memref_squeeze %dma_wait3A_680 : memref<1x32768xf32, #tpu.memory_space<vmem>> -> memref<32768xf32, #tpu.memory_space<vmem>>
    %dma_wait3A_682 = tpu.memref_slice %arg2[%mul3A_652] : memref<16777216xf32, #tpu.memory_space<hbm>> -> memref<32768xf32, #tpu.memory_space<hbm>>
    %dma_wait3A_683 = arith.constant 0 : i32
    %dma_wait3A_684 = tpu.memref_slice %arg5[%dma_wait3A_678, %dma_wait3A_683] : memref<2x32768xf32, #tpu.memory_space<vmem>> -> memref<1x32768xf32, #tpu.memory_space<vmem>>
    %dma_wait3A_685 = tpu.memref_squeeze %dma_wait3A_684 : memref<1x32768xf32, #tpu.memory_space<vmem>> -> memref<32768xf32, #tpu.memory_space<vmem>>
    %dma_wait3A_686 = tpu.memref_slice %arg2[%mul3A_652] : memref<16777216xf32, #tpu.memory_space<hbm>> -> memref<32768xf32, #tpu.memory_space<hbm>>
    tpu.wait_dma2 semaphore(%arg7 : memref<!tpu.dma_semaphore, #tpu.memory_space<semaphore_mem>>) src(%dma_wait3A_686 : memref<32768xf32, #tpu.memory_space<hbm>>) dst(%dma_wait3A_685 : memref<32768xf32, #tpu.memory_space<vmem>>)
    %dma_wait3A_687 = arith.constant 1 : i32
    %dma_wait3A_688 = arith.constant 0 : i32
    %dma_wait3A_689 = tpu.memref_slice %arg5[%dma_wait3A_687, %dma_wait3A_688] : memref<2x32768xf32, #tpu.memory_space<vmem>> -> memref<1x32768xf32, #tpu.memory_space<vmem>>
    %dma_wait3A_690 = tpu.memref_squeeze %dma_wait3A_689 : memref<1x32768xf32, #tpu.memory_space<vmem>> -> memref<32768xf32, #tpu.memory_space<vmem>>
    %dma_wait3A_691 = tpu.memref_slice %arg4[%mul3A_668] : memref<16777216xf32, #tpu.memory_space<hbm>> -> memref<32768xf32, #tpu.memory_space<hbm>>
    %dma_wait3A_692 = tpu.memref_slice %arg4[%mul3A_668] : memref<16777216xf32, #tpu.memory_space<hbm>> -> memref<32768xf32, #tpu.memory_space<hbm>>
    %dma_wait3A_693 = arith.constant 0 : i32
    %dma_wait3A_694 = tpu.memref_slice %arg5[%dma_wait3A_687, %dma_wait3A_693] : memref<2x32768xf32, #tpu.memory_space<vmem>> -> memref<1x32768xf32, #tpu.memory_space<vmem>>
    %dma_wait3A_695 = tpu.memref_squeeze %dma_wait3A_694 : memref<1x32768xf32, #tpu.memory_space<vmem>> -> memref<32768xf32, #tpu.memory_space<vmem>>
    tpu.wait_dma2 semaphore(%arg10 : memref<!tpu.dma_semaphore, #tpu.memory_space<semaphore_mem>>) src(%dma_wait3A_695 : memref<32768xf32, #tpu.memory_space<vmem>>) dst(%dma_wait3A_692 : memref<32768xf32, #tpu.memory_space<hbm>>)
    %add3A_696 = arith.constant 6144 : i32
    %add3A_697 = arith.addi %add3A_696, %add3A_577 : i32
    %mul3A_698 = arith.constant 2048 : i32
    %mul3A_699 = arith.muli %add3A_697, %mul3A_698 : i32
    %dma_start3A_700 = arith.constant 1 : i32
    %dma_start3A_701 = arith.constant 0 : i32
    %dma_start3A_702 = tpu.memref_slice %arg5[%dma_start3A_700, %dma_start3A_701] : memref<2x32768xf32, #tpu.memory_space<vmem>> -> memref<1x32768xf32, #tpu.memory_space<vmem>>
    %dma_start3A_703 = tpu.memref_squeeze %dma_start3A_702 : memref<1x32768xf32, #tpu.memory_space<vmem>> -> memref<32768xf32, #tpu.memory_space<vmem>>
    %dma_start3A_704 = tpu.memref_slice %arg2[%mul3A_699] : memref<16777216xf32, #tpu.memory_space<hbm>> -> memref<32768xf32, #tpu.memory_space<hbm>>
    %dma_start3A_705 = arith.constant 0 : i32
    %dma_start3A_706 = tpu.memref_slice %arg5[%dma_start3A_700, %dma_start3A_705] : memref<2x32768xf32, #tpu.memory_space<vmem>> -> memref<1x32768xf32, #tpu.memory_space<vmem>>
    %dma_start3A_707 = tpu.memref_squeeze %dma_start3A_706 : memref<1x32768xf32, #tpu.memory_space<vmem>> -> memref<32768xf32, #tpu.memory_space<vmem>>
    %dma_start3A_708 = tpu.memref_slice %arg2[%mul3A_699] : memref<16777216xf32, #tpu.memory_space<hbm>> -> memref<32768xf32, #tpu.memory_space<hbm>>
    tpu.enqueue_dma source(%dma_start3A_708 : memref<32768xf32, #tpu.memory_space<hbm>>) target(%dma_start3A_707 : memref<32768xf32, #tpu.memory_space<vmem>>) target_semaphore(%arg8 : memref<!tpu.dma_semaphore, #tpu.memory_space<semaphore_mem>>)
    %parallel_loop3A_709 = arith.constant 0 : i32
    %parallel_loop3A_710 = arith.constant 32768 : i32
    %parallel_loop3A_711 = arith.constant 16 : i32
    scf.for %parallel_loop3A_768 = %parallel_loop3A_709 to %parallel_loop3A_710 step %parallel_loop3A_711  : i32 {
      %parallel_loop3A_769 = arith.constant 0 : i32
      %parallel_loop3A_770 = arith.index_cast %parallel_loop3A_769 : i32 to index
      %parallel_loop3A_771 = arith.index_cast %parallel_loop3A_768 : i32 to index
      %parallel_loop3A_772 = tpu.vector_load %arg5[%parallel_loop3A_770, %parallel_loop3A_771] {strides = array<i32>} : memref<2x32768xf32, #tpu.memory_space<vmem>>, vector<1x16xf32>,
      %parallel_loop3A_773 = vector.shape_cast %parallel_loop3A_772 : vector<1x16xf32> to vector<16xf32>
      %parallel_loop3A_774 = arith.index_cast %parallel_loop3A_768 : i32 to index
      %parallel_loop3A_775 = tpu.vector_load %arg6[%parallel_loop3A_774] {strides = array<i32>} : memref<32768xf32, #tpu.memory_space<vmem>>, vector<16xf32>,
      %parallel_loop3A_776 = vector.shape_cast %parallel_loop3A_775 : vector<16xf32> to vector<16xf32>
      %parallel_loop3A_777 = arith.addf %parallel_loop3A_773, %parallel_loop3A_776 : vector<16xf32>
      %parallel_loop3A_778 = arith.constant 0 : i32
      %parallel_loop3A_779 = arith.index_cast %parallel_loop3A_778 : i32 to index
      %parallel_loop3A_780 = arith.index_cast %parallel_loop3A_768 : i32 to index
      %parallel_loop3A_781 = tpu.vector_load %arg5[%parallel_loop3A_779, %parallel_loop3A_780] {strides = array<i32>} : memref<2x32768xf32, #tpu.memory_space<vmem>>, vector<1x16xf32>,
      %parallel_loop3A_782 = vector.shape_cast %parallel_loop3A_781 : vector<1x16xf32> to vector<16xf32>
      %parallel_loop3A_783 = vector.shape_cast %parallel_loop3A_777 : vector<16xf32> to vector<1x16xf32>
      tpu.vector_store %arg5[%parallel_loop3A_779, %parallel_loop3A_780], %parallel_loop3A_783 {strides = array<i32>} : memref<2x32768xf32, #tpu.memory_space<vmem>>, vector<1x16xf32>,
    } {sc.loop_unroll_factor = 8 : i64, sc.parallel_access}
    %add3A_712 = arith.constant 4096 : i32
    %add3A_713 = arith.addi %add3A_712, %add3A_577 : i32
    %mul3A_714 = arith.constant 2048 : i32
    %mul3A_715 = arith.muli %add3A_713, %mul3A_714 : i32
    %dma_start3A_716 = arith.constant 0 : i32
    %dma_start3A_717 = arith.constant 0 : i32
    %dma_start3A_718 = tpu.memref_slice %arg5[%dma_start3A_716, %dma_start3A_717] : memref<2x32768xf32, #tpu.memory_space<vmem>> -> memref<1x32768xf32, #tpu.memory_space<vmem>>
    %dma_start3A_719 = tpu.memref_squeeze %dma_start3A_718 : memref<1x32768xf32, #tpu.memory_space<vmem>> -> memref<32768xf32, #tpu.memory_space<vmem>>
    %dma_start3A_720 = tpu.memref_slice %arg4[%mul3A_715] : memref<16777216xf32, #tpu.memory_space<hbm>> -> memref<32768xf32, #tpu.memory_space<hbm>>
    %dma_start3A_721 = tpu.memref_slice %arg4[%mul3A_715] : memref<16777216xf32, #tpu.memory_space<hbm>> -> memref<32768xf32, #tpu.memory_space<hbm>>
    %dma_start3A_722 = arith.constant 0 : i32
    %dma_start3A_723 = tpu.memref_slice %arg5[%dma_start3A_716, %dma_start3A_722] : memref<2x32768xf32, #tpu.memory_space<vmem>> -> memref<1x32768xf32, #tpu.memory_space<vmem>>
    %dma_start3A_724 = tpu.memref_squeeze %dma_start3A_723 : memref<1x32768xf32, #tpu.memory_space<vmem>> -> memref<32768xf32, #tpu.memory_space<vmem>>
    tpu.enqueue_dma source(%dma_start3A_724 : memref<32768xf32, #tpu.memory_space<vmem>>) target(%dma_start3A_721 : memref<32768xf32, #tpu.memory_space<hbm>>) target_semaphore(%arg9 : memref<!tpu.dma_semaphore, #tpu.memory_space<semaphore_mem>>)
    %dma_wait3A_725 = arith.constant 1 : i32
    %dma_wait3A_726 = arith.constant 0 : i32
    %dma_wait3A_727 = tpu.memref_slice %arg5[%dma_wait3A_725, %dma_wait3A_726] : memref<2x32768xf32, #tpu.memory_space<vmem>> -> memref<1x32768xf32, #tpu.memory_space<vmem>>
    %dma_wait3A_728 = tpu.memref_squeeze %dma_wait3A_727 : memref<1x32768xf32, #tpu.memory_space<vmem>> -> memref<32768xf32, #tpu.memory_space<vmem>>
    %dma_wait3A_729 = tpu.memref_slice %arg2[%mul3A_699] : memref<16777216xf32, #tpu.memory_space<hbm>> -> memref<32768xf32, #tpu.memory_space<hbm>>
    %dma_wait3A_730 = arith.constant 0 : i32
    %dma_wait3A_731 = tpu.memref_slice %arg5[%dma_wait3A_725, %dma_wait3A_730] : memref<2x32768xf32, #tpu.memory_space<vmem>> -> memref<1x32768xf32, #tpu.memory_space<vmem>>
    %dma_wait3A_732 = tpu.memref_squeeze %dma_wait3A_731 : memref<1x32768xf32, #tpu.memory_space<vmem>> -> memref<32768xf32, #tpu.memory_space<vmem>>
    %dma_wait3A_733 = tpu.memref_slice %arg2[%mul3A_699] : memref<16777216xf32, #tpu.memory_space<hbm>> -> memref<32768xf32, #tpu.memory_space<hbm>>
    tpu.wait_dma2 semaphore(%arg8 : memref<!tpu.dma_semaphore, #tpu.memory_space<semaphore_mem>>) src(%dma_wait3A_733 : memref<32768xf32, #tpu.memory_space<hbm>>) dst(%dma_wait3A_732 : memref<32768xf32, #tpu.memory_space<vmem>>)
    %parallel_loop3A_734 = arith.constant 0 : i32
    %parallel_loop3A_735 = arith.constant 32768 : i32
    %parallel_loop3A_736 = arith.constant 16 : i32
    scf.for %parallel_loop3A_768 = %parallel_loop3A_734 to %parallel_loop3A_735 step %parallel_loop3A_736  : i32 {
      %parallel_loop3A_769 = arith.constant 1 : i32
      %parallel_loop3A_770 = arith.index_cast %parallel_loop3A_769 : i32 to index
      %parallel_loop3A_771 = arith.index_cast %parallel_loop3A_768 : i32 to index
      %parallel_loop3A_772 = tpu.vector_load %arg5[%parallel_loop3A_770, %parallel_loop3A_771] {strides = array<i32>} : memref<2x32768xf32, #tpu.memory_space<vmem>>, vector<1x16xf32>,
      %parallel_loop3A_773 = vector.shape_cast %parallel_loop3A_772 : vector<1x16xf32> to vector<16xf32>
      %parallel_loop3A_774 = arith.index_cast %parallel_loop3A_768 : i32 to index
      %parallel_loop3A_775 = tpu.vector_load %arg6[%parallel_loop3A_774] {strides = array<i32>} : memref<32768xf32, #tpu.memory_space<vmem>>, vector<16xf32>,
      %parallel_loop3A_776 = vector.shape_cast %parallel_loop3A_775 : vector<16xf32> to vector<16xf32>
      %parallel_loop3A_777 = arith.addf %parallel_loop3A_773, %parallel_loop3A_776 : vector<16xf32>
      %parallel_loop3A_778 = arith.constant 1 : i32
      %parallel_loop3A_779 = arith.index_cast %parallel_loop3A_778 : i32 to index
      %parallel_loop3A_780 = arith.index_cast %parallel_loop3A_768 : i32 to index
      %parallel_loop3A_781 = tpu.vector_load %arg5[%parallel_loop3A_779, %parallel_loop3A_780] {strides = array<i32>} : memref<2x32768xf32, #tpu.memory_space<vmem>>, vector<1x16xf32>,
      %parallel_loop3A_782 = vector.shape_cast %parallel_loop3A_781 : vector<1x16xf32> to vector<16xf32>
      %parallel_loop3A_783 = vector.shape_cast %parallel_loop3A_777 : vector<16xf32> to vector<1x16xf32>
      tpu.vector_store %arg5[%parallel_loop3A_779, %parallel_loop3A_780], %parallel_loop3A_783 {strides = array<i32>} : memref<2x32768xf32, #tpu.memory_space<vmem>>, vector<1x16xf32>,
    } {sc.loop_unroll_factor = 8 : i64, sc.parallel_access}
    %add3A_737 = arith.constant 6144 : i32
    %add3A_738 = arith.addi %add3A_737, %add3A_577 : i32
    %mul3A_739 = arith.constant 2048 : i32
    %mul3A_740 = arith.muli %add3A_738, %mul3A_739 : i32
    %dma_start3A_741 = arith.constant 1 : i32
    %dma_start3A_742 = arith.constant 0 : i32
    %dma_start3A_743 = tpu.memref_slice %arg5[%dma_start3A_741, %dma_start3A_742] : memref<2x32768xf32, #tpu.memory_space<vmem>> -> memref<1x32768xf32, #tpu.memory_space<vmem>>
    %dma_start3A_744 = tpu.memref_squeeze %dma_start3A_743 : memref<1x32768xf32, #tpu.memory_space<vmem>> -> memref<32768xf32, #tpu.memory_space<vmem>>
    %dma_start3A_745 = tpu.memref_slice %arg4[%mul3A_740] : memref<16777216xf32, #tpu.memory_space<hbm>> -> memref<32768xf32, #tpu.memory_space<hbm>>
    %dma_start3A_746 = tpu.memref_slice %arg4[%mul3A_740] : memref<16777216xf32, #tpu.memory_space<hbm>> -> memref<32768xf32, #tpu.memory_space<hbm>>
    %dma_start3A_747 = arith.constant 0 : i32
    %dma_start3A_748 = tpu.memref_slice %arg5[%dma_start3A_741, %dma_start3A_747] : memref<2x32768xf32, #tpu.memory_space<vmem>> -> memref<1x32768xf32, #tpu.memory_space<vmem>>
    %dma_start3A_749 = tpu.memref_squeeze %dma_start3A_748 : memref<1x32768xf32, #tpu.memory_space<vmem>> -> memref<32768xf32, #tpu.memory_space<vmem>>
    tpu.enqueue_dma source(%dma_start3A_749 : memref<32768xf32, #tpu.memory_space<vmem>>) target(%dma_start3A_746 : memref<32768xf32, #tpu.memory_space<hbm>>) target_semaphore(%arg10 : memref<!tpu.dma_semaphore, #tpu.memory_space<semaphore_mem>>)
    %dma_wait3A_750 = arith.constant 0 : i32
    %dma_wait3A_751 = arith.constant 0 : i32
    %dma_wait3A_752 = tpu.memref_slice %arg5[%dma_wait3A_750, %dma_wait3A_751] : memref<2x32768xf32, #tpu.memory_space<vmem>> -> memref<1x32768xf32, #tpu.memory_space<vmem>>
    %dma_wait3A_753 = tpu.memref_squeeze %dma_wait3A_752 : memref<1x32768xf32, #tpu.memory_space<vmem>> -> memref<32768xf32, #tpu.memory_space<vmem>>
    %dma_wait3A_754 = tpu.memref_slice %arg4[%mul3A_715] : memref<16777216xf32, #tpu.memory_space<hbm>> -> memref<32768xf32, #tpu.memory_space<hbm>>
    %dma_wait3A_755 = tpu.memref_slice %arg4[%mul3A_715] : memref<16777216xf32, #tpu.memory_space<hbm>> -> memref<32768xf32, #tpu.memory_space<hbm>>
    %dma_wait3A_756 = arith.constant 0 : i32
    %dma_wait3A_757 = tpu.memref_slice %arg5[%dma_wait3A_750, %dma_wait3A_756] : memref<2x32768xf32, #tpu.memory_space<vmem>> -> memref<1x32768xf32, #tpu.memory_space<vmem>>
    %dma_wait3A_758 = tpu.memref_squeeze %dma_wait3A_757 : memref<1x32768xf32, #tpu.memory_space<vmem>> -> memref<32768xf32, #tpu.memory_space<vmem>>
    tpu.wait_dma2 semaphore(%arg9 : memref<!tpu.dma_semaphore, #tpu.memory_space<semaphore_mem>>) src(%dma_wait3A_758 : memref<32768xf32, #tpu.memory_space<vmem>>) dst(%dma_wait3A_755 : memref<32768xf32, #tpu.memory_space<hbm>>)
    %dma_wait3A_759 = arith.constant 1 : i32
    %dma_wait3A_760 = arith.constant 0 : i32
    %dma_wait3A_761 = tpu.memref_slice %arg5[%dma_wait3A_759, %dma_wait3A_760] : memref<2x32768xf32, #tpu.memory_space<vmem>> -> memref<1x32768xf32, #tpu.memory_space<vmem>>
    %dma_wait3A_762 = tpu.memref_squeeze %dma_wait3A_761 : memref<1x32768xf32, #tpu.memory_space<vmem>> -> memref<32768xf32, #tpu.memory_space<vmem>>
    %dma_wait3A_763 = tpu.memref_slice %arg4[%mul3A_740] : memref<16777216xf32, #tpu.memory_space<hbm>> -> memref<32768xf32, #tpu.memory_space<hbm>>
    %dma_wait3A_764 = tpu.memref_slice %arg4[%mul3A_740] : memref<16777216xf32, #tpu.memory_space<hbm>> -> memref<32768xf32, #tpu.memory_space<hbm>>
    %dma_wait3A_765 = arith.constant 0 : i32
    %dma_wait3A_766 = tpu.memref_slice %arg5[%dma_wait3A_759, %dma_wait3A_765] : memref<2x32768xf32, #tpu.memory_space<vmem>> -> memref<1x32768xf32, #tpu.memory_space<vmem>>
    %dma_wait3A_767 = tpu.memref_squeeze %dma_wait3A_766 : memref<1x32768xf32, #tpu.memory_space<vmem>> -> memref<32768xf32, #tpu.memory_space<vmem>>
    tpu.wait_dma2 semaphore(%arg10 : memref<!tpu.dma_semaphore, #tpu.memory_space<semaphore_mem>>) src(%dma_wait3A_767 : memref<32768xf32, #tpu.memory_space<vmem>>) dst(%dma_wait3A_764 : memref<32768xf32, #tpu.memory_space<hbm>>)
    return
  }
}

</mosaic_0001>

<sc_bundles>
// kernel: kernel.3.cloned.1.call-start
scs
__scs_entry_jumppad:
0x0: {  	(pc) =	sbr.rel $0x88, $3  }
0x1: {  	(tag) =	ssettag $0x0;
	lr =	simm.s32 $0x1  }
0x2: {  	[smem:$0x3F9F] =	sst lr;
	_ =	strace $0xD0000000  }
0x3: {  	_ = 	snop  }
0x4: {  	_ = 	snop  }
0x5: {  	_ = 	snop  }
0x6: {  	_ = 	snop  }
0x7: {  	_ = 	snop  }
__scs_overlays_trampoline_lowered:
0x8: {  	[smem:$0x3FAE] =	sst s0  }
0x9: {  	[smem:$0x3FAF] =	sst s1  }
0xa: {  	[smem:$0x3FB0] =	sst s2  }
0xb: {  	[smem:$0x3FB1] =	sst s3  }
0xc: {  	[smem:$0x3FB2] =	sst s4  }
0xd: {  	[smem:$0x3FB3] =	sst s5  }
0xe: {  	[smem:$0x3FB4] =	sst s6  }
0xf: {  	[smem:$0x3FB5] =	sst s7  }
0x10: {  	[smem:$0x3FB6] =	sst s8  }
0x11: {  	[smem:$0x3FB7] =	sst s9;
	s0 =	simm.s32 @!p0 $0x0  }
0x12: {  	s1 =	sld [smem:$0x3F9D];
	s0 =	simm.s32 @p0 $0x1  }
0x13: {  	[smem:$0x3FB8] =	sst s0;
	s0 =	simm.s32 @!p1 $0x0  }
0x14: {  	s2 =	sld [smem:$0x3F9C];
	s0 =	simm.s32 @p1 $0x1  }
0x15: {  	[smem:$0x3FB9] =	sst s0;
	s0 =	simm.s32 @!p2 $0x0  }
0x16: {  	s3 =	sld [smem:$0x3FDB];
	s0 =	simm.s32 @p2 $0x1  }
0x17: {  	s4 =	simm.s32 $0x1BF5;
	[smem:$0x3FBB] =	sst s0  }
0x18: {  	s0 =	sld [smem:$0x3F9E];
	_ =	swait.ge [sflag:s4], $0x0  }
0x19: {  	s7 =	sld [smem:$0x3F9F]  }
0x1a: {  	s8 =	sadd.s32 $0xFFFFE003, lr  }
0x1b: {  	s9 =	sadd.s32 $0xFFFFFEF7, lr;
	s5 =	simm.s32 $0xFFFFFFFF;
	p2 =	slt.u32 s8, $0xFFFFF086  }
0x1c: {  	p1 =	slt.u32 s9, $0xF7A;
	s5 =	simm.s32 @!p2 $0x0  }
0x1d: {  	s5 =	simm.s32 @p1 $0x1;
	p0 =	seq.s32 s7, s2  }
0x1e: {  	s7 =	smul.u32 @!p0 $0xF7A, s2;
	p2 =	seq.s32 @!p0 s5, $0x0  }
0x1f: {  	s9 =	smul.u32 $0xF7A, s1;
	s8 =	simm.s32 @!p0 $0x1BF5;
	p2 =	por !p2, p0  }
0x20: {  	[sflag:s8] =	ssyncset.s32 @!p0 $0xFFFFF086;
	s6 =	sadd.s32 @!p0 s3, s7;
	s7 =	simm.s32 @!p0 $0x108  }
0x21: {  	s3 =	sadd.s32 s3, s9;
	s6 =	sadd.s32 @!p0 $0x88, s6;
	s7 =	simm.s32 @p2 $0x1082  }
0x22: {  	[simem:s7], [sflag:s8] =	dma.local @!p0 [hbm:s6], $0xF7A  }
0x23: {  	s9 =	sor.u32 $0xD0000000, s2;
	s6 =	simm.s32 $0x108;
	_ =	swait.ge @!p0 [sflag:s8], $0x0  }
0x24: {  	s3 =	sadd.s32 $0x88, s3;
	s6 =	simm.s32 @!p1 $0x1082;
	[sflag:s4] =	ssyncset.s32 $0xFFFFF086  }
0x25: {  	[simem:s6], [sflag:s4] =	dma.local [hbm:s3], $0xF7A  }
0x26: {  	[smem:$0x3F9F] =	sst s1;
	(tag) =	ssettag s2;
	_ =	strace s9  }
0x27: {  	s1 =	sld [smem:$0x3FAF]  }
0x28: {  	s2 =	sld [smem:$0x3FB0]  }
0x29: {  	s4 =	sld [smem:$0x3FB2]  }
0x2a: {  	p0 =	seq.s32 s5, $0x0;
	s5 =	sld [smem:$0x3FB3]  }
0x2b: {  	s6 =	sld [smem:$0x3FB4]  }
0x2c: {  	s7 =	sld [smem:$0x3FB5]  }
0x2d: {  	s3 =	simm.s32 $0x108;
	s8 =	sld [smem:$0x3FB6]  }
0x2e: {  	s3 =	simm.s32 @!p0 $0x1082;
	s9 =	sld [smem:$0x3FB7]  }
0x2f: {  	lr =	sadd.s32 s0, s3;
	s0 =	sld [smem:$0x3FAE]  }
0x30: {  	s3 =	sld [smem:$0x3FB1]  }
0x31: {  	[smem:$0x3FBA] =	sst s10  }
0x32: {  	s10 =	sld [smem:$0x3FB8];
	_ =	sdelay $0x3  }
0x33: {  	p0 =	seq.s32 s10, $0x1;
	s10 =	sld [smem:$0x3FBA];
	_ =	sdelay $0x3  }
0x34: {  	[smem:$0x3FBA] =	sst s10  }
0x35: {  	s10 =	sld [smem:$0x3FB9];
	_ =	sdelay $0x3  }
0x36: {  	p1 =	seq.s32 s10, $0x1;
	s10 =	sld [smem:$0x3FBA];
	_ =	sdelay $0x3  }
0x37: {  	[smem:$0x3FBA] =	sst s10  }
0x38: {  	s10 =	sld [smem:$0x3FBB]  }
0x39: {  	_ = 	snop;
	(pc) =	sbr.ind lr, $3  }
0x3a: {  	_ = 	snop  }
0x3b: {  	_ = 	snop  }
0x3c: {  	p2 =	seq.s32 s10, $0x1;
	s10 =	sld [smem:$0x3FBA]  }
0x3d: {  	_ =	shalt  }
0x3e: {  	_ =	shalt  }
0x3f: {  	_ =	shalt  }
0x40: {  	_ =	shalt  }
0x41: {  	_ =	shalt  }
0x42: {  	_ =	shalt  }
0x43: {  	_ =	shalt  }
0x44: {  	_ =	shalt  }
0x45: {  	_ =	shalt  }
0x46: {  	_ =	shalt  }
0x47: {  	_ =	shalt  }
0x48: {  	_ =	shalt  }
0x49: {  	_ =	shalt  }
0x4a: {  	_ =	shalt  }
0x4b: {  	_ =	shalt  }
0x4c: {  	_ =	shalt  }
0x4d: {  	_ =	shalt  }
0x4e: {  	_ =	shalt  }
0x4f: {  	_ =	shalt  }
0x50: {  	_ =	shalt  }
0x51: {  	_ =	shalt  }
0x52: {  	_ =	shalt  }
0x53: {  	_ =	shalt  }
0x54: {  	_ =	shalt  }
0x55: {  	_ =	shalt  }
0x56: {  	_ =	shalt  }
0x57: {  	_ =	shalt  }
0x58: {  	_ =	shalt  }
0x59: {  	_ =	shalt  }
0x5a: {  	_ =	shalt  }
0x5b: {  	_ =	shalt  }
0x5c: {  	_ =	shalt  }
0x5d: {  	_ =	shalt  }
0x5e: {  	_ =	shalt  }
0x5f: {  	_ =	shalt  }
0x60: {  	_ =	shalt  }
0x61: {  	_ =	shalt  }
0x62: {  	_ =	shalt  }
0x63: {  	_ =	shalt  }
0x64: {  	_ =	shalt  }
0x65: {  	_ =	shalt  }
0x66: {  	_ =	shalt  }
0x67: {  	_ =	shalt  }
0x68: {  	_ =	shalt  }
0x69: {  	_ =	shalt  }
0x6a: {  	_ =	shalt  }
0x6b: {  	_ =	shalt  }
0x6c: {  	_ =	shalt  }
0x6d: {  	_ =	shalt  }
0x6e: {  	_ =	shalt  }
0x6f: {  	_ =	shalt  }
0x70: {  	_ =	shalt  }
0x71: {  	_ =	shalt  }
0x72: {  	_ =	shalt  }
0x73: {  	_ =	shalt  }
0x74: {  	_ =	shalt  }
0x75: {  	_ =	shalt  }
0x76: {  	_ =	shalt  }
0x77: {  	_ =	shalt  }
0x78: {  	_ =	shalt  }
0x79: {  	_ =	shalt  }
0x7a: {  	_ =	shalt  }
0x7b: {  	_ =	shalt  }
0x7c: {  	_ =	shalt  }
0x7d: {  	_ =	shalt  }
0x7e: {  	_ =	shalt  }
0x7f: {  	_ =	shalt  }
0x80: {  	_ =	shalt  }
0x81: {  	_ =	shalt  }
0x82: {  	_ =	shalt  }
0x83: {  	_ =	shalt  }
0x84: {  	_ =	shalt  }
0x85: {  	_ =	shalt  }
0x86: {  	_ =	shalt  }
0x87: {  	_ =	shalt  }
.Lfunc_end0:
.L_simem_size_0:
called_computation.1_lowered:
.L_overlay_start_0:
0x88: {  	s2 =	sld [smem:$0x3FD9]  }
0x89: {  	s3 =	sld [smem:$0x3FFE];
	_ =	sdelay $0x1  }
0x8a: {  	s1 =	srdreg.scid  }
0x8b: {  	s0 =	sand.u32 $0x1, s1  }
0x8c: {  	s17 =	sshll.u32 s0, $0xA;
	s2 =	sadd.s32 s3, s2  }
0x8d: {  	s2 =	sadd.s32 s2, s17  }
0x8e: {  	[smem:$0x3FC6] =	sst s2  }
0x8f: {  	_ = 	snop  }
0x90: {  	s2 =	sld [smem:$0x3FD0];
	(tm) =	ssettm $0x1  }
0x91: {  	s18 =	sld [smem:$0x3FFB];
	_ =	sdelay $0x3  }
0x92: {  	_ =	strace s18  }
0x93: {  	s3 =	sld [smem:$0x3FFC];
	_ =	sdelay $0x3  }
0x94: {  	_ =	strace s3  }
0x95: {  	s3 =	sld [smem:$0x3FFD];
	_ =	sdelay $0x3  }
0x96: {  	_ =	strace s3  }
0x97: {  	_ =	strace $0x8FFFFFFF  }
0x98: {  	s19 =	sld [smem:$0x3FDB];
	_ =	sdelay $0x1  }
0x99: {  	s4 =	simm.s32 $_scs_section_size  }
0x9a: {  	s5 =	simm.s32 $_size__tile_overlayer_lowered;
	s6 =	simm.s32 $_tile_overlayer_lowered  }
0x9b: {  	s22 =	simm.s32 $0x1BFF;
	s21 =	sshll.u32 s6, $0x1;
	s3 =	sadd.s32 s4, s19  }
0x9c: {  	s7 =	simm.s32 $0x0;
	s20 =	sshll.u32 s5, $0x1;
	s5 =	sadd.s32 s21, s3  }
0x9d: {  	[timem:s7], [sflag:s22] =	dma.local [hbm:s5], s20  }
0x9e: {  	_ =	swait.ge [sflag:s22], s20  }
0x9f: {  	s4 =	ssub.s32 $0x0, s20;
	[sflag:s22] =	ssyncset.done $0x0  }
0xa0: {  	[sflag:s22] =	ssyncadd.s32 s4;
	_ =	sdelay $0x1  }
0xa1: {  	s23 =	simm.s32 $0x1B8B  }
0xa2: {  	_ =	swait.ge [sflag:s23], $0x1  }
0xa3: {  	[sflag:s23] =	ssyncset.done $0x0  }
0xa4: {  	s25 =	simm.s32 $0x1B8E;
	s24 =	sld [smem:$0x3FFE];
	[sflag:s23] =	ssyncadd.s32 $0xFFFFFFFF  }
0xa5: {  	s26 =	simm.s32 $execute0_lowered;
	[smem:$0x3FD2] =	sst s25  }
0xa6: {  	s5 =	sshll.u32 s26, $0x1;
	_ =	strace $0x80000049;
	[dreg:$0x1] =	wrdreg $0xFFFFFFFF  }
0xa7: {  	s28 =	simm.s32 $_size_execute0_lowered;
	s3 =	sadd.s32 s3, s5;
	[dreg:$0x0] =	wrdreg $0x0  }
0xa8: {  	s5 =	sshll.u32 s28, $0x1;
	[dreg:$0x2] =	wrdreg s3  }
0xa9: {  	[dreg:$0x3] =	wrdreg s5  }
0xaa: {  	[dreg:$0x4] =	wrdreg $0xC0  }
0xab: {  	_ =	task [dreg:s7], $0x5FFFF  }
0xac: {  	[dreg:$0x1] =	wrdreg $0xFFFFFFFF  }
0xad: {  	[dreg:$0x0] =	wrdreg $0x60  }
0xae: {  	[dreg:$0x2] =	wrdreg s2  }
0xaf: {  	[dreg:$0x3] =	wrdreg s24  }
0xb0: {  	[dreg:$0x4] =	wrdreg $0x9  }
0xb1: {  	_ =	task.clear_ibuf [dreg:s7], $0x5FFFF;
	_ =	strace $0x90000049  }
0xb2: {  	s29 =	simm.s32 $0x9;
	_ =	strace $0x8000004B  }
0xb3: {  	_ =	swait.ge [sflag:s29], $0x1  }
0xb4: {  	[sflag:s29] =	ssyncadd.s32 $0xFFFFFFFF  }
0xb5: {  	_ =	strace $0x9000004B  }
0xb6: {  	_ =	sfence  }
0xb7: {  	s30 =	sld [smem:$0x0];
	_ =	sdelay $0x2  }
0xb8: {  	s31 =	sshll.u32 s1, $0xD;
	s1 =	sshrl.u32 s1, $0x2  }
0xb9: {  	s3 =	sand.u32 $0x4000, s31;
	s1 =	sadd.s32 s1, s30  }
0xba: {  	s0 =	sor.u32 s3, s0;
	s1 =	sshll.u32 s1, $0x11  }
0xbb: {  	s0 =	sor.u32 s1, s0  }
0xbc: {  	s0 =	sadd.s32 $0x8F2B, s0  }
0xbd: {  	[sflag:s0] =	ssyncadd.remote.s32 $0x1  }
0xbe: {  	_ =	sfence.sel $0xFFFF  }
0xbf: {  	[dreg:$0x0] =	wrdreg $0xFFFFFFFF;
	(pc) =	sbr.abs _section_cstart, $3  }
0xc0: {  	[dreg:$0x1] =	wrdreg $0xFFFFFFFF  }
0xc1: {  	_ =	task.clear_ibuf [dreg:s7], $0x2FFFF;
	_ =	strace $0x9FFFFFFF  }
0xc2: {  	(tm) =	ssettm $0x7FFFFFFF  }
0xc3: {  	_ =	shalt  }
tec
execute0_lowered:
.L_overlay_start_1:
0x0: {  	(tag) =	ssettag $0x1  }
0x1: {  	s2 =	rddreg [dreg:$0x0]  }
0x2: {  	s0 =	rddreg [dreg:$0x1]  }
0x3: {  	s1 =	simm.s32 $0x0;
	s3 =	srdreg.scid;
	s5 =	stileid.u32  }
0x4: {  	[smem:$0x7FF] =	sst s1;
	s3 =	sand.u32 $0x1, s3;
	s5 =	sshll.u32 s5, $0xF  }
0x5: {  	s8 =	sadd.s32 $0xA00, s0;
	s4 =	ssub.s32 $0x2, s3;
	s3 =	sshll.u32 s3, $0xE  }
0x6: {  	s6 =	sshrl.u32 s4, $0x1;
	s3 =	sor.u32 s3, s5;
	s5 =	sadd.s32 $0x80A00, s0  }
0x7: {  	s10 =	ssub.s32 s4, s6;
	s14 =	sor.u32 $0x80000, s3;
	s16 =	sor.u32 $0x100000, s3  }
0x8: {  	s7 =	sor.u32 $0x180000, s3;
	s19 =	sor.u32 $0x1000, s3;
	s12 =	sor.u32 $0x81000, s3  }
0x9: {  	s20 =	sor.u32 $0x101000, s3;
	s21 =	sor.u32 $0x181000, s3;
	s22 =	sor.u32 $0x2000, s3  }
0xa: {  	s24 =	sor.u32 $0x82000, s3;
	s25 =	sor.u32 $0x102000, s3;
	s26 =	sor.u32 $0x182000, s3  }
0xb: {  	s31 =	sadd.s32 s2, s3;
	s0 =	sadd.s32 s5, s3;
	s15 =	sadd.s32 s2, s14  }
0xc: {  	s17 =	sadd.s32 s2, s16;
	s4 =	sadd.s32 s5, s14;
	[dreg:$0x3] =	wrdreg s15  }
0xd: {  	s18 =	sadd.s32 s2, s7;
	s6 =	sadd.s32 s5, s16;
	[dreg:$0x4] =	wrdreg s17  }
0xe: {  	s7 =	sadd.s32 s5, s7;
	s9 =	sadd.s32 s8, s19;
	[dreg:$0x5] =	wrdreg s18  }
0xf: {  	s11 =	sadd.s32 s2, s12;
	s13 =	sadd.s32 s2, s20;
	[dreg:$0x6] =	wrdreg s9  }
0x10: {  	s14 =	sadd.s32 s2, s21;
	s16 =	sadd.s32 s5, s21;
	[dreg:$0x7] =	wrdreg s11  }
0x11: {  	s23 =	sadd.s32 s8, s22;
	s21 =	sadd.s32 s5, s24;
	[dreg:$0x8] =	wrdreg s13  }
0x12: {  	s9 =	sadd.s32 s2, s19;
	s11 =	sadd.s32 s5, s19;
	[dreg:$0x9] =	wrdreg s14  }
0x13: {  	s13 =	sadd.s32 s5, s12;
	s15 =	sadd.s32 s5, s20;
	[dreg:$0xa] =	wrdreg s23  }
0x14: {  	s18 =	sadd.s32 s2, s22;
	s19 =	sadd.s32 s5, s22;
	s20 =	sadd.s32 s2, s24  }
0x15: {  	s22 =	sadd.s32 s2, s25;
	s23 =	sadd.s32 s5, s25;
	s24 =	sadd.s32 s2, s26  }
0x16: {  	s25 =	sadd.s32 s5, s26;
	s14 =	sadd.s32 s8, s3;
	s17 =	sor.u32 $0x3000, s3  }
0x17: {  	s26 =	sor.u32 $0x83000, s3;
	s12 =	simm.s32 $0x0;
	[dreg:$0xb] =	wrdreg s14  }
0x18: {  	s8 =	sadd.s32 s8, s17;
	s29 =	sadd.s32 s2, s17;
	s30 =	sadd.s32 s5, s17  }
0x19: {  	s14 =	sor.u32 $0x103000, s3;
	s3 =	sor.u32 $0x183000, s3;
	s17 =	sadd.s32 s5, s26  }
0x1a: {  	[dreg:$0xc] =	wrdreg s8;
	s8 =	sadd.s32 s2, s26;
	s26 =	sadd.s32 s2, s14  }
0x1b: {  	s28 =	sadd.s32 s2, s3;
	s2 =	sadd.s32 s5, s14;
	s14 =	smax.u32 s10, $0x1  }
0x1c: {  	s3 =	sadd.s32 s5, s3;
	_ =	strace $0x8000004A;
	[dreg:$0xd] =	wrdreg s14  }
.LBB2_1:
0x1d: {  	[dreg:$0xe] =	wrdreg s12  }
0x1e: {  	s5 =	rddreg [dreg:$0xb];
	s10 =	simm.s32 $0x10000;
	s14 =	simm.s32 $0x5  }
0x1f: {  	[tilespmem:s10], [sflag:$0x5] =	stream.linear.gather [hbm4b:s5+s1], $0x8000, $0x38;
	[tilespmem:$0x18000] =	vst v63  }
0x20: {  	_ =	swait.ge [sflag:s14], $0x8000  }
0x21: {  	s12 =	simm.s32 $0x0;
	s5 =	simm.s32 $0x10;
	[sflag:s14] =	ssyncset.done $0x0  }
0x22: {  	s10 =	simm.s32 $0x100;
	[sflag:s14] =	ssyncadd.s32 $0xFFFF8000;
	s14 =	sadd.s32 $0x0, s31  }
.LBB2_2:
0x23: {  	[tilespmem:s12], [sflag:$0x1] =	stream.linear.gather [hbm4b:s14+s1], $0x80, $0x38;
	[tilespmem:$0x18000] =	vst v63  }
0x24: {  	s14 =	smov.u32 s5;
	s12 =	smov.u32 s10;
	p0 =	sne.s32 s5, $0xFF0  }
.Ltmp0:
0x25: {  	s5 =	sadd.s32 $0x10, s5;
	(pc) =	sbr.rel @p0 .LBB2_2-.Ltmp0, $2  }
0x26: {  	_ =	sdelay $0x2  }
0x27: {  	s10 =	sadd.s32 $0x100, s10;
	s14 =	sadd.s32 s14, s31  }
0x28: {  	[tilespmem:s12], [sflag:$0x1] =	stream.linear.gather [hbm4b:s14+s1], $0x80, $0x38;
	[tilespmem:$0x18000] =	vst v63  }
0x29: {  	s5 =	simm.s32 $0x1  }
0x2a: {  	_ =	swait.ge [sflag:s5], $0x8000  }
0x2b: {  	s10 =	simm.s32 $0x80;
	[sflag:s5] =	ssyncset.done $0x0  }
0x2c: {  	s14 =	rddreg [dreg:$0x3];
	[sflag:s5] =	ssyncadd.s32 $0xFFFF8000;
	s5 =	simm.s32 $0x0  }
.LBB2_4:
0x2d: {  	p0 =	sne.s32 s5, $0xFF0  }
.Ltmp1:
0x2e: {  	_ = 	snop;
	(pc) =	sbr.rel @p0 .LBB2_4-.Ltmp1, $4  }
0x2f: {  	_ = 	snop  }
0x30: {  	s12 =	sadd.s32 s5, s14  }
0x31: {  	[tilespmem:s10], [sflag:$0x2] =	stream.linear.gather [hbm4b:s12+s1], $0x80, $0x38;
	[tilespmem:$0x18000] =	vst v63  }
0x32: {  	s5 =	sadd.s32 $0x10, s5;
	s10 =	sadd.s32 $0x100, s10  }
0x33: {  	s5 =	simm.s32 $0x40  }
0x34: {  	s10 =	simm.s32 $0x10040;
	v1 =	vld [tilespmem:s5+$0x30]  }
0x35: {  	v2 =	vld [tilespmem:s10+$0x30]  }
0x36: {  	v0 =	vld [tilespmem:s10+$0xFFFFFFC0]  }
0x37: {  	v3 =	vld [tilespmem:s5+$0xFFFFFFD0]  }
0x38: {  	v4 =	vld [tilespmem:s10+$0xFFFFFFD0]  }
0x39: {  	v5 =	vld [tilespmem:s5+$0xFFFFFFE0]  }
0x3a: {  	v6 =	vld [tilespmem:s10+$0xFFFFFFE0]  }
0x3b: {  	v7 =	vld [tilespmem:s5+$0xFFFFFFF0]  }
0x3c: {  	v8 =	vld [tilespmem:s10+$0xFFFFFFF0]  }
0x3d: {  	v9 =	vld [tilespmem:s5+$0x0]  }
0x3e: {  	v10 =	vld [tilespmem:s10+$0x0];
	v2 =	vadd.f32 v2, v1  }
0x3f: {  	v4 =	vadd.f32 v4, v3;
	v1 =	vld [tilespmem:s5+$0x10]  }
0x40: {  	v5 =	vadd.f32 v6, v5;
	v3 =	vld [tilespmem:s10+$0x10];
	[tilespmem:s5+$0x30] =	vst v2  }
0x41: {  	v6 =	vadd.f32 v8, v7;
	[tilespmem:s5+$0xFFFFFFD0] =	vst v4;
	v2 =	vld [tilespmem:s5+$0x20]  }
0x42: {  	[tilespmem:s5+$0xFFFFFFE0] =	vst v5;
	v5 =	vld [tilespmem:s10+$0x20]  }
0x43: {  	s12 =	simm.s32 $0x0;
	s14 =	simm.s32 $0x140;
	v4 =	vld [tilespmem:s5+$0xFFFFFFC0];
	[tilespmem:s5+$0xFFFFFFF0] =	vst v6;
	v6 =	vadd.f32 v10, v9  }
.LBB2_6:
0x44: {  	v7 =	vld [tilespmem:s14+$0x30];
	s10 =	sadd.s32 $0x80, s10  }
0x45: {  	s12 =	sadd.s32 $0x80, s12;
	v8 =	vld [tilespmem:s10+$0x30];
	[tilespmem:s5+$0x0] =	vst v6;
	v1 =	vadd.f32 v3, v1  }
0x46: {  	p0 =	slt.u32 s12, $0x7F80;
	v3 =	vld [tilespmem:s10+$0xFFFFFFC0]  }
0x47: {  	v6 =	vld [tilespmem:s14+$0xFFFFFFD0];
	[tilespmem:s5+$0x10] =	vst v1;
	v1 =	vadd.f32 v5, v2  }
0x48: {  	v2 =	vld [tilespmem:s10+$0xFFFFFFD0];
	v9 =	vadd.f32 v0, v4  }
0x49: {  	v4 =	vld [tilespmem:s14+$0xFFFFFFE0];
	[tilespmem:s5+$0x20] =	vst v1  }
0x4a: {  	v1 =	vld [tilespmem:s10+$0xFFFFFFE0];
	v5 =	vadd.f32 v8, v7;
	[tilespmem:s5+$0xFFFFFFC0] =	vst v9;
	s5 =	smov.u32 s14  }
0x4b: {  	v7 =	vld [tilespmem:s14+$0xFFFFFFF0];
	v0 =	vmov v3  }
0x4c: {  	v8 =	vld [tilespmem:s10+$0xFFFFFFF0];
	[tilespmem:s14+$0x30] =	vst v5  }
0x4d: {  	v2 =	vadd.f32 v2, v6;
	v6 =	vld [tilespmem:s14+$0x0]  }
0x4e: {  	v9 =	vld [tilespmem:s10+$0x0]  }
.Ltmp2:
0x4f: {  	[tilespmem:s14+$0xFFFFFFD0] =	vst v2;
	v2 =	vadd.f32 v1, v4;
	v1 =	vld [tilespmem:s14+$0x10];
	(pc) =	sbr.rel @p0 .LBB2_6-.Ltmp2, $4  }
0x50: {  	v3 =	vld [tilespmem:s10+$0x10]  }
0x51: {  	[tilespmem:s14+$0xFFFFFFE0] =	vst v2;
	v7 =	vadd.f32 v8, v7;
	v2 =	vld [tilespmem:s14+$0x20]  }
0x52: {  	v5 =	vld [tilespmem:s10+$0x20]  }
0x53: {  	s14 =	sadd.s32 $0x100, s14;
	v4 =	vld [tilespmem:s5+$0xFFFFFFC0];
	[tilespmem:s5+$0xFFFFFFF0] =	vst v7;
	v6 =	vadd.f32 v9, v6  }
0x54: {  	_ =	sdelay $0x1  }
0x55: {  	v1 =	vadd.f32 v3, v1  }
0x56: {  	[tilespmem:s5+$0x0] =	vst v6;
	v2 =	vadd.f32 v5, v2  }
0x57: {  	[tilespmem:s5+$0x10] =	vst v1;
	v0 =	vadd.f32 v0, v4  }
0x58: {  	s10 =	simm.s32 $0x0;
	[tilespmem:s5+$0x20] =	vst v2  }
0x59: {  	s14 =	sadd.s32 $0x0, s0;
	s12 =	simm.s32 $0x100;
	[tilespmem:s5+$0xFFFFFFC0] =	vst v0;
	s5 =	simm.s32 $0x10  }
.LBB2_8:
0x5a: {  	[hbm4b:s14+s1] =	stream.linear.scatter [tilespmem:s10], [sflag:$0x3], $0x80, $0x38;
	[tilespmem:$0x18000] =	vst v63  }
0x5b: {  	s14 =	smov.u32 s5;
	s10 =	smov.u32 s12;
	p0 =	sne.s32 s5, $0xFF0  }
.Ltmp3:
0x5c: {  	s5 =	sadd.s32 $0x10, s5;
	(pc) =	sbr.rel @p0 .LBB2_8-.Ltmp3, $2  }
0x5d: {  	_ =	sdelay $0x2  }
0x5e: {  	s12 =	sadd.s32 $0x100, s12;
	s14 =	sadd.s32 s14, s0  }
0x5f: {  	[hbm4b:s14+s1] =	stream.linear.scatter [tilespmem:s10], [sflag:$0x3], $0x80, $0x38;
	[tilespmem:$0x18000] =	vst v63  }
0x60: {  	s5 =	simm.s32 $0x2  }
0x61: {  	_ =	swait.ge [sflag:s5], $0x8000  }
0x62: {  	[sflag:s5] =	ssyncset.done $0x0  }
0x63: {  	s14 =	simm.s32 $0x3;
	[sflag:s5] =	ssyncadd.s32 $0xFFFF8000  }
0x64: {  	_ =	swait.ge [sflag:s14], $0x8000  }
0x65: {  	s10 =	simm.s32 $0x0;
	[sflag:s14] =	ssyncset.done $0x0  }
0x66: {  	s5 =	simm.s32 $0x0;
	[sflag:s14] =	ssyncadd.s32 $0xFFFF8000;
	s14 =	rddreg [dreg:$0x4]  }
.LBB2_10:
0x67: {  	p0 =	sne.s32 s10, $0xFF0  }
.Ltmp4:
0x68: {  	_ = 	snop;
	(pc) =	sbr.rel @p0 .LBB2_10-.Ltmp4, $4  }
0x69: {  	_ = 	snop  }
0x6a: {  	s12 =	sadd.s32 s10, s14  }
0x6b: {  	[tilespmem:s5], [sflag:$0x1] =	stream.linear.gather [hbm4b:s12+s1], $0x80, $0x38;
	[tilespmem:$0x18000] =	vst v63  }
0x6c: {  	s10 =	sadd.s32 $0x10, s10;
	s5 =	sadd.s32 $0x100, s5  }
0x6d: {  	s5 =	simm.s32 $0xF0  }
0x6e: {  	s10 =	simm.s32 $0x10040;
	v1 =	vld [tilespmem:s5+$0x0]  }
0x6f: {  	v2 =	vld [tilespmem:s10+$0x30]  }
0x70: {  	v0 =	vld [tilespmem:s10+$0xFFFFFFC0]  }
0x71: {  	v3 =	vld [tilespmem:s5+$0xFFFFFFA0]  }
0x72: {  	v4 =	vld [tilespmem:s10+$0xFFFFFFD0]  }
0x73: {  	v5 =	vld [tilespmem:s5+$0xFFFFFFB0]  }
0x74: {  	v6 =	vld [tilespmem:s10+$0xFFFFFFE0]  }
0x75: {  	v7 =	vld [tilespmem:s5+$0xFFFFFFC0]  }
0x76: {  	v8 =	vld [tilespmem:s10+$0xFFFFFFF0]  }
0x77: {  	v9 =	vld [tilespmem:s5+$0xFFFFFFD0]  }
0x78: {  	v10 =	vld [tilespmem:s10+$0x0];
	v2 =	vadd.f32 v2, v1  }
0x79: {  	v4 =	vadd.f32 v4, v3;
	v1 =	vld [tilespmem:s5+$0xFFFFFFE0]  }
0x7a: {  	v5 =	vadd.f32 v6, v5;
	v3 =	vld [tilespmem:s10+$0x10];
	[tilespmem:s5+$0x0] =	vst v2  }
0x7b: {  	v6 =	vadd.f32 v8, v7;
	[tilespmem:s5+$0xFFFFFFA0] =	vst v4;
	v2 =	vld [tilespmem:s5+$0xFFFFFFF0]  }
0x7c: {  	[tilespmem:s5+$0xFFFFFFB0] =	vst v5;
	v5 =	vld [tilespmem:s10+$0x20]  }
0x7d: {  	s12 =	simm.s32 $0x0;
	s14 =	simm.s32 $0x1F0;
	v4 =	vld [tilespmem:s5+$0xFFFFFF90];
	[tilespmem:s5+$0xFFFFFFC0] =	vst v6;
	v6 =	vadd.f32 v10, v9  }
.LBB2_12:
0x7e: {  	v7 =	vld [tilespmem:s14+$0x0];
	s10 =	sadd.s32 $0x80, s10  }
0x7f: {  	s12 =	sadd.s32 $0x80, s12;
	v8 =	vld [tilespmem:s10+$0x30];
	[tilespmem:s5+$0xFFFFFFD0] =	vst v6;
	v1 =	vadd.f32 v3, v1  }
0x80: {  	p0 =	slt.u32 s12, $0x7F80;
	v3 =	vld [tilespmem:s10+$0xFFFFFFC0]  }
0x81: {  	v6 =	vld [tilespmem:s14+$0xFFFFFFA0];
	[tilespmem:s5+$0xFFFFFFE0] =	vst v1;
	v1 =	vadd.f32 v5, v2  }
0x82: {  	v2 =	vld [tilespmem:s10+$0xFFFFFFD0];
	v9 =	vadd.f32 v0, v4  }
0x83: {  	v4 =	vld [tilespmem:s14+$0xFFFFFFB0];
	[tilespmem:s5+$0xFFFFFFF0] =	vst v1  }
0x84: {  	v1 =	vld [tilespmem:s10+$0xFFFFFFE0];
	v5 =	vadd.f32 v8, v7;
	[tilespmem:s5+$0xFFFFFF90] =	vst v9;
	s5 =	smov.u32 s14  }
0x85: {  	v7 =	vld [tilespmem:s14+$0xFFFFFFC0];
	v0 =	vmov v3  }
0x86: {  	v8 =	vld [tilespmem:s10+$0xFFFFFFF0];
	[tilespmem:s14+$0x0] =	vst v5  }
0x87: {  	v2 =	vadd.f32 v2, v6;
	v6 =	vld [tilespmem:s14+$0xFFFFFFD0]  }
0x88: {  	v9 =	vld [tilespmem:s10+$0x0]  }
.Ltmp5:
0x89: {  	[tilespmem:s14+$0xFFFFFFA0] =	vst v2;
	v2 =	vadd.f32 v1, v4;
	v1 =	vld [tilespmem:s14+$0xFFFFFFE0];
	(pc) =	sbr.rel @p0 .LBB2_12-.Ltmp5, $4  }
0x8a: {  	v3 =	vld [tilespmem:s10+$0x10]  }
0x8b: {  	[tilespmem:s14+$0xFFFFFFB0] =	vst v2;
	v7 =	vadd.f32 v8, v7;
	v2 =	vld [tilespmem:s14+$0xFFFFFFF0]  }
0x8c: {  	v5 =	vld [tilespmem:s10+$0x20]  }
0x8d: {  	s14 =	sadd.s32 $0x100, s14;
	v4 =	vld [tilespmem:s5+$0xFFFFFF90];
	[tilespmem:s5+$0xFFFFFFC0] =	vst v7;
	v6 =	vadd.f32 v9, v6  }
0x8e: {  	_ =	sdelay $0x1  }
0x8f: {  	v1 =	vadd.f32 v3, v1  }
0x90: {  	[tilespmem:s5+$0xFFFFFFD0] =	vst v6;
	v2 =	vadd.f32 v5, v2  }
0x91: {  	[tilespmem:s5+$0xFFFFFFE0] =	vst v1;
	v0 =	vadd.f32 v0, v4  }
0x92: {  	s10 =	simm.s32 $0x80;
	[tilespmem:s5+$0xFFFFFFF0] =	vst v2  }
0x93: {  	s14 =	sadd.s32 $0x0, s4;
	s12 =	simm.s32 $0x180;
	[tilespmem:s5+$0xFFFFFF90] =	vst v0;
	s5 =	simm.s32 $0x10  }
.LBB2_14:
0x94: {  	[hbm4b:s14+s1] =	stream.linear.scatter [tilespmem:s10], [sflag:$0x4], $0x80, $0x38;
	[tilespmem:$0x18000] =	vst v63  }
0x95: {  	s14 =	smov.u32 s5;
	s10 =	smov.u32 s12;
	p0 =	sne.s32 s5, $0xFF0  }
.Ltmp6:
0x96: {  	s5 =	sadd.s32 $0x10, s5;
	(pc) =	sbr.rel @p0 .LBB2_14-.Ltmp6, $2  }
0x97: {  	_ =	sdelay $0x2  }
0x98: {  	s12 =	sadd.s32 $0x100, s12;
	s14 =	sadd.s32 s14, s4  }
0x99: {  	[hbm4b:s14+s1] =	stream.linear.scatter [tilespmem:s10], [sflag:$0x4], $0x80, $0x38;
	[tilespmem:$0x18000] =	vst v63  }
0x9a: {  	s5 =	simm.s32 $0x1  }
0x9b: {  	_ =	swait.ge [sflag:s5], $0x8000  }
0x9c: {  	[sflag:s5] =	ssyncset.done $0x0  }
0x9d: {  	s14 =	simm.s32 $0x4;
	[sflag:s5] =	ssyncadd.s32 $0xFFFF8000  }
0x9e: {  	_ =	swait.ge [sflag:s14], $0x8000  }
0x9f: {  	s10 =	simm.s32 $0x80;
	[sflag:s14] =	ssyncset.done $0x0  }
0xa0: {  	s5 =	simm.s32 $0x0;
	[sflag:s14] =	ssyncadd.s32 $0xFFFF8000;
	s14 =	rddreg [dreg:$0x5]  }
.LBB2_16:
0xa1: {  	p0 =	sne.s32 s5, $0xFF0  }
.Ltmp7:
0xa2: {  	_ = 	snop;
	(pc) =	sbr.rel @p0 .LBB2_16-.Ltmp7, $4  }
0xa3: {  	_ = 	snop  }
0xa4: {  	s12 =	sadd.s32 s5, s14  }
0xa5: {  	[tilespmem:s10], [sflag:$0x2] =	stream.linear.gather [hbm4b:s12+s1], $0x80, $0x38;
	[tilespmem:$0x18000] =	vst v63  }
0xa6: {  	s5 =	sadd.s32 $0x10, s5;
	s10 =	sadd.s32 $0x100, s10  }
0xa7: {  	s5 =	simm.s32 $0x40  }
0xa8: {  	s10 =	simm.s32 $0x10040;
	v1 =	vld [tilespmem:s5+$0x30]  }
0xa9: {  	v2 =	vld [tilespmem:s10+$0x30]  }
0xaa: {  	v0 =	vld [tilespmem:s10+$0xFFFFFFC0]  }
0xab: {  	v3 =	vld [tilespmem:s5+$0xFFFFFFD0]  }
0xac: {  	v4 =	vld [tilespmem:s10+$0xFFFFFFD0]  }
0xad: {  	v5 =	vld [tilespmem:s5+$0xFFFFFFE0]  }
0xae: {  	v6 =	vld [tilespmem:s10+$0xFFFFFFE0]  }
0xaf: {  	v7 =	vld [tilespmem:s5+$0xFFFFFFF0]  }
0xb0: {  	v8 =	vld [tilespmem:s10+$0xFFFFFFF0]  }
0xb1: {  	v9 =	vld [tilespmem:s5+$0x0]  }
0xb2: {  	v10 =	vld [tilespmem:s10+$0x0];
	v2 =	vadd.f32 v2, v1  }
0xb3: {  	v4 =	vadd.f32 v4, v3;
	v1 =	vld [tilespmem:s5+$0x10]  }
0xb4: {  	v5 =	vadd.f32 v6, v5;
	v3 =	vld [tilespmem:s10+$0x10];
	[tilespmem:s5+$0x30] =	vst v2  }
0xb5: {  	v6 =	vadd.f32 v8, v7;
	[tilespmem:s5+$0xFFFFFFD0] =	vst v4;
	v2 =	vld [tilespmem:s5+$0x20]  }
0xb6: {  	[tilespmem:s5+$0xFFFFFFE0] =	vst v5;
	v5 =	vld [tilespmem:s10+$0x20]  }
0xb7: {  	s12 =	simm.s32 $0x0;
	s14 =	simm.s32 $0x140;
	v4 =	vld [tilespmem:s5+$0xFFFFFFC0];
	[tilespmem:s5+$0xFFFFFFF0] =	vst v6;
	v6 =	vadd.f32 v10, v9  }
.LBB2_18:
0xb8: {  	v7 =	vld [tilespmem:s14+$0x30];
	s10 =	sadd.s32 $0x80, s10  }
0xb9: {  	s12 =	sadd.s32 $0x80, s12;
	v8 =	vld [tilespmem:s10+$0x30];
	[tilespmem:s5+$0x0] =	vst v6;
	v1 =	vadd.f32 v3, v1  }
0xba: {  	p0 =	slt.u32 s12, $0x7F80;
	v3 =	vld [tilespmem:s10+$0xFFFFFFC0]  }
0xbb: {  	v6 =	vld [tilespmem:s14+$0xFFFFFFD0];
	[tilespmem:s5+$0x10] =	vst v1;
	v1 =	vadd.f32 v5, v2  }
0xbc: {  	v2 =	vld [tilespmem:s10+$0xFFFFFFD0];
	v9 =	vadd.f32 v0, v4  }
0xbd: {  	v4 =	vld [tilespmem:s14+$0xFFFFFFE0];
	[tilespmem:s5+$0x20] =	vst v1  }
0xbe: {  	v1 =	vld [tilespmem:s10+$0xFFFFFFE0];
	v5 =	vadd.f32 v8, v7;
	[tilespmem:s5+$0xFFFFFFC0] =	vst v9;
	s5 =	smov.u32 s14  }
0xbf: {  	v7 =	vld [tilespmem:s14+$0xFFFFFFF0];
	v0 =	vmov v3  }
0xc0: {  	v8 =	vld [tilespmem:s10+$0xFFFFFFF0];
	[tilespmem:s14+$0x30] =	vst v5  }
0xc1: {  	v2 =	vadd.f32 v2, v6;
	v6 =	vld [tilespmem:s14+$0x0]  }
0xc2: {  	v9 =	vld [tilespmem:s10+$0x0]  }
.Ltmp8:
0xc3: {  	[tilespmem:s14+$0xFFFFFFD0] =	vst v2;
	v2 =	vadd.f32 v1, v4;
	v1 =	vld [tilespmem:s14+$0x10];
	(pc) =	sbr.rel @p0 .LBB2_18-.Ltmp8, $4  }
0xc4: {  	v3 =	vld [tilespmem:s10+$0x10]  }
0xc5: {  	[tilespmem:s14+$0xFFFFFFE0] =	vst v2;
	v7 =	vadd.f32 v8, v7;
	v2 =	vld [tilespmem:s14+$0x20]  }
0xc6: {  	v5 =	vld [tilespmem:s10+$0x20]  }
0xc7: {  	s14 =	sadd.s32 $0x100, s14;
	v4 =	vld [tilespmem:s5+$0xFFFFFFC0];
	[tilespmem:s5+$0xFFFFFFF0] =	vst v7;
	v6 =	vadd.f32 v9, v6  }
0xc8: {  	_ =	sdelay $0x1  }
0xc9: {  	v1 =	vadd.f32 v3, v1  }
0xca: {  	[tilespmem:s5+$0x0] =	vst v6;
	v2 =	vadd.f32 v5, v2  }
0xcb: {  	[tilespmem:s5+$0x10] =	vst v1;
	v0 =	vadd.f32 v0, v4  }
0xcc: {  	s10 =	simm.s32 $0x0;
	[tilespmem:s5+$0x20] =	vst v2  }
0xcd: {  	s14 =	sadd.s32 $0x0, s6;
	s12 =	simm.s32 $0x100;
	[tilespmem:s5+$0xFFFFFFC0] =	vst v0;
	s5 =	simm.s32 $0x10  }
.LBB2_20:
0xce: {  	[hbm4b:s14+s1] =	stream.linear.scatter [tilespmem:s10], [sflag:$0x3], $0x80, $0x38;
	[tilespmem:$0x18000] =	vst v63  }
0xcf: {  	s14 =	smov.u32 s5;
	s10 =	smov.u32 s12;
	p0 =	sne.s32 s5, $0xFF0  }
.Ltmp9:
0xd0: {  	s5 =	sadd.s32 $0x10, s5;
	(pc) =	sbr.rel @p0 .LBB2_20-.Ltmp9, $2  }
0xd1: {  	_ =	sdelay $0x2  }
0xd2: {  	s12 =	sadd.s32 $0x100, s12;
	s14 =	sadd.s32 s14, s6  }
0xd3: {  	[hbm4b:s14+s1] =	stream.linear.scatter [tilespmem:s10], [sflag:$0x3], $0x80, $0x38;
	[tilespmem:$0x18000] =	vst v63  }
0xd4: {  	s5 =	simm.s32 $0x2  }
0xd5: {  	_ =	swait.ge [sflag:s5], $0x8000  }
0xd6: {  	[sflag:s5] =	ssyncset.done $0x0  }
0xd7: {  	[sflag:s5] =	ssyncadd.s32 $0xFFFF8000;
	s5 =	simm.s32 $0xF0  }
0xd8: {  	s10 =	simm.s32 $0x10040;
	v1 =	vld [tilespmem:s5+$0x0]  }
0xd9: {  	v2 =	vld [tilespmem:s10+$0x30]  }
0xda: {  	v0 =	vld [tilespmem:s10+$0xFFFFFFC0]  }
0xdb: {  	v3 =	vld [tilespmem:s5+$0xFFFFFFA0]  }
0xdc: {  	v4 =	vld [tilespmem:s10+$0xFFFFFFD0]  }
0xdd: {  	v5 =	vld [tilespmem:s5+$0xFFFFFFB0]  }
0xde: {  	v6 =	vld [tilespmem:s10+$0xFFFFFFE0]  }
0xdf: {  	v7 =	vld [tilespmem:s5+$0xFFFFFFC0]  }
0xe0: {  	v8 =	vld [tilespmem:s10+$0xFFFFFFF0]  }
0xe1: {  	v9 =	vld [tilespmem:s5+$0xFFFFFFD0]  }
0xe2: {  	v10 =	vld [tilespmem:s10+$0x0];
	v2 =	vadd.f32 v2, v1  }
0xe3: {  	v4 =	vadd.f32 v4, v3;
	v1 =	vld [tilespmem:s5+$0xFFFFFFE0]  }
0xe4: {  	v5 =	vadd.f32 v6, v5;
	v3 =	vld [tilespmem:s10+$0x10];
	[tilespmem:s5+$0x0] =	vst v2  }
0xe5: {  	v6 =	vadd.f32 v8, v7;
	[tilespmem:s5+$0xFFFFFFA0] =	vst v4;
	v2 =	vld [tilespmem:s5+$0xFFFFFFF0]  }
0xe6: {  	[tilespmem:s5+$0xFFFFFFB0] =	vst v5;
	v5 =	vld [tilespmem:s10+$0x20]  }
0xe7: {  	s12 =	simm.s32 $0x0;
	s14 =	simm.s32 $0x1F0;
	v4 =	vld [tilespmem:s5+$0xFFFFFF90];
	[tilespmem:s5+$0xFFFFFFC0] =	vst v6;
	v6 =	vadd.f32 v10, v9  }
.LBB2_22:
0xe8: {  	v7 =	vld [tilespmem:s14+$0x0];
	s10 =	sadd.s32 $0x80, s10  }
0xe9: {  	s12 =	sadd.s32 $0x80, s12;
	v8 =	vld [tilespmem:s10+$0x30];
	[tilespmem:s5+$0xFFFFFFD0] =	vst v6;
	v1 =	vadd.f32 v3, v1  }
0xea: {  	p0 =	slt.u32 s12, $0x7F80;
	v3 =	vld [tilespmem:s10+$0xFFFFFFC0]  }
0xeb: {  	v6 =	vld [tilespmem:s14+$0xFFFFFFA0];
	[tilespmem:s5+$0xFFFFFFE0] =	vst v1;
	v1 =	vadd.f32 v5, v2  }
0xec: {  	v2 =	vld [tilespmem:s10+$0xFFFFFFD0];
	v9 =	vadd.f32 v0, v4  }
0xed: {  	v4 =	vld [tilespmem:s14+$0xFFFFFFB0];
	[tilespmem:s5+$0xFFFFFFF0] =	vst v1  }
0xee: {  	v1 =	vld [tilespmem:s10+$0xFFFFFFE0];
	v5 =	vadd.f32 v8, v7;
	[tilespmem:s5+$0xFFFFFF90] =	vst v9;
	s5 =	smov.u32 s14  }
0xef: {  	v7 =	vld [tilespmem:s14+$0xFFFFFFC0];
	v0 =	vmov v3  }
0xf0: {  	v8 =	vld [tilespmem:s10+$0xFFFFFFF0];
	[tilespmem:s14+$0x0] =	vst v5  }
0xf1: {  	v2 =	vadd.f32 v2, v6;
	v6 =	vld [tilespmem:s14+$0xFFFFFFD0]  }
0xf2: {  	v9 =	vld [tilespmem:s10+$0x0]  }
.Ltmp10:
0xf3: {  	[tilespmem:s14+$0xFFFFFFA0] =	vst v2;
	v2 =	vadd.f32 v1, v4;
	v1 =	vld [tilespmem:s14+$0xFFFFFFE0];
	(pc) =	sbr.rel @p0 .LBB2_22-.Ltmp10, $4  }
0xf4: {  	v3 =	vld [tilespmem:s10+$0x10]  }
0xf5: {  	[tilespmem:s14+$0xFFFFFFB0] =	vst v2;
	v7 =	vadd.f32 v8, v7;
	v2 =	vld [tilespmem:s14+$0xFFFFFFF0]  }
0xf6: {  	v5 =	vld [tilespmem:s10+$0x20]  }
0xf7: {  	s14 =	sadd.s32 $0x100, s14;
	v4 =	vld [tilespmem:s5+$0xFFFFFF90];
	[tilespmem:s5+$0xFFFFFFC0] =	vst v7;
	v6 =	vadd.f32 v9, v6  }
0xf8: {  	_ =	sdelay $0x1  }
0xf9: {  	v1 =	vadd.f32 v3, v1  }
0xfa: {  	[tilespmem:s5+$0xFFFFFFD0] =	vst v6;
	v2 =	vadd.f32 v5, v2  }
0xfb: {  	[tilespmem:s5+$0xFFFFFFE0] =	vst v1;
	v0 =	vadd.f32 v0, v4  }
0xfc: {  	s10 =	simm.s32 $0x80;
	[tilespmem:s5+$0xFFFFFFF0] =	vst v2  }
0xfd: {  	s14 =	sadd.s32 $0x0, s7;
	s12 =	simm.s32 $0x180;
	[tilespmem:s5+$0xFFFFFF90] =	vst v0;
	s5 =	simm.s32 $0x10  }
.LBB2_24:
0xfe: {  	[hbm4b:s14+s1] =	stream.linear.scatter [tilespmem:s10], [sflag:$0x4], $0x80, $0x38;
	[tilespmem:$0x18000] =	vst v63  }
0xff: {  	s14 =	smov.u32 s5;
	s10 =	smov.u32 s12;
	p0 =	sne.s32 s5, $0xFF0  }
.Ltmp11:
0x100: {  	s5 =	sadd.s32 $0x10, s5;
	(pc) =	sbr.rel @p0 .LBB2_24-.Ltmp11, $2  }
0x101: {  	_ =	sdelay $0x2  }
0x102: {  	s12 =	sadd.s32 $0x100, s12;
	s14 =	sadd.s32 s14, s7  }
0x103: {  	[hbm4b:s14+s1] =	stream.linear.scatter [tilespmem:s10], [sflag:$0x4], $0x80, $0x38;
	[tilespmem:$0x18000] =	vst v63  }
0x104: {  	s5 =	simm.s32 $0x3  }
0x105: {  	_ =	swait.ge [sflag:s5], $0x8000  }
0x106: {  	[sflag:s5] =	ssyncset.done $0x0  }
0x107: {  	s12 =	simm.s32 $0x4;
	[sflag:s5] =	ssyncadd.s32 $0xFFFF8000  }
0x108: {  	_ =	swait.ge [sflag:s12], $0x8000  }
0x109: {  	s5 =	simm.s32 $0x0;
	[sflag:s12] =	ssyncset.done $0x0  }
0x10a: {  	s14 =	rddreg [dreg:$0x6];
	[sflag:s12] =	ssyncadd.s32 $0xFFFF8000;
	s12 =	simm.s32 $0x10000  }
0x10b: {  	[tilespmem:s12], [sflag:$0x5] =	stream.linear.gather [hbm4b:s14+s5], $0x8000, $0x38;
	[tilespmem:$0x18000] =	vst v63  }
0x10c: {  	s14 =	simm.s32 $0x5  }
0x10d: {  	_ =	swait.ge [sflag:s14], $0x8000  }
0x10e: {  	s10 =	simm.s32 $0x10;
	[sflag:s14] =	ssyncset.done $0x0  }
0x10f: {  	s12 =	simm.s32 $0x100;
	[sflag:s14] =	ssyncadd.s32 $0xFFFF8000;
	s14 =	sadd.s32 $0x0, s9  }
.LBB2_26:
0x110: {  	[tilespmem:s5], [sflag:$0x1] =	stream.linear.gather [hbm4b:s14+s1], $0x80, $0x38;
	[tilespmem:$0x18000] =	vst v63  }
0x111: {  	s14 =	smov.u32 s10;
	s5 =	smov.u32 s12;
	p0 =	sne.s32 s10, $0xFF0  }
.Ltmp12:
0x112: {  	s10 =	sadd.s32 $0x10, s10;
	(pc) =	sbr.rel @p0 .LBB2_26-.Ltmp12, $2  }
0x113: {  	_ =	sdelay $0x2  }
0x114: {  	s12 =	sadd.s32 $0x100, s12;
	s14 =	sadd.s32 s14, s9  }
0x115: {  	[tilespmem:s5], [sflag:$0x1] =	stream.linear.gather [hbm4b:s14+s1], $0x80, $0x38;
	[tilespmem:$0x18000] =	vst v63  }
0x116: {  	s14 =	simm.s32 $0x1  }
0x117: {  	_ =	swait.ge [sflag:s14], $0x8000  }
0x118: {  	s5 =	simm.s32 $0x0;
	[sflag:s14] =	ssyncset.done $0x0  }
0x119: {  	s10 =	simm.s32 $0x80;
	[sflag:s14] =	ssyncadd.s32 $0xFFFF8000;
	s14 =	rddreg [dreg:$0x7]  }
.LBB2_28:
0x11a: {  	p0 =	sne.s32 s5, $0xFF0  }
.Ltmp13:
0x11b: {  	_ = 	snop;
	(pc) =	sbr.rel @p0 .LBB2_28-.Ltmp13, $4  }
0x11c: {  	_ = 	snop  }
0x11d: {  	s12 =	sadd.s32 s5, s14  }
0x11e: {  	[tilespmem:s10], [sflag:$0x2] =	stream.linear.gather [hbm4b:s12+s1], $0x80, $0x38;
	[tilespmem:$0x18000] =	vst v63  }
0x11f: {  	s5 =	sadd.s32 $0x10, s5;
	s10 =	sadd.s32 $0x100, s10  }
0x120: {  	s5 =	simm.s32 $0x40  }
0x121: {  	s10 =	simm.s32 $0x10040;
	v1 =	vld [tilespmem:s5+$0x30]  }
0x122: {  	v2 =	vld [tilespmem:s10+$0x30]  }
0x123: {  	v0 =	vld [tilespmem:s10+$0xFFFFFFC0]  }
0x124: {  	v3 =	vld [tilespmem:s5+$0xFFFFFFD0]  }
0x125: {  	v4 =	vld [tilespmem:s10+$0xFFFFFFD0]  }
0x126: {  	v5 =	vld [tilespmem:s5+$0xFFFFFFE0]  }
0x127: {  	v6 =	vld [tilespmem:s10+$0xFFFFFFE0]  }
0x128: {  	v7 =	vld [tilespmem:s5+$0xFFFFFFF0]  }
0x129: {  	v8 =	vld [tilespmem:s10+$0xFFFFFFF0]  }
0x12a: {  	v9 =	vld [tilespmem:s5+$0x0]  }
0x12b: {  	v10 =	vld [tilespmem:s10+$0x0];
	v2 =	vadd.f32 v2, v1  }
0x12c: {  	v4 =	vadd.f32 v4, v3;
	v1 =	vld [tilespmem:s5+$0x10]  }
0x12d: {  	v5 =	vadd.f32 v6, v5;
	v3 =	vld [tilespmem:s10+$0x10];
	[tilespmem:s5+$0x30] =	vst v2  }
0x12e: {  	v6 =	vadd.f32 v8, v7;
	[tilespmem:s5+$0xFFFFFFD0] =	vst v4;
	v2 =	vld [tilespmem:s5+$0x20]  }
0x12f: {  	[tilespmem:s5+$0xFFFFFFE0] =	vst v5;
	v5 =	vld [tilespmem:s10+$0x20]  }
0x130: {  	s12 =	simm.s32 $0x0;
	s14 =	simm.s32 $0x140;
	v4 =	vld [tilespmem:s5+$0xFFFFFFC0];
	[tilespmem:s5+$0xFFFFFFF0] =	vst v6;
	v6 =	vadd.f32 v10, v9  }
.LBB2_30:
0x131: {  	v7 =	vld [tilespmem:s14+$0x30];
	s10 =	sadd.s32 $0x80, s10  }
0x132: {  	s12 =	sadd.s32 $0x80, s12;
	v8 =	vld [tilespmem:s10+$0x30];
	[tilespmem:s5+$0x0] =	vst v6;
	v1 =	vadd.f32 v3, v1  }
0x133: {  	p0 =	slt.u32 s12, $0x7F80;
	v3 =	vld [tilespmem:s10+$0xFFFFFFC0]  }
0x134: {  	v6 =	vld [tilespmem:s14+$0xFFFFFFD0];
	[tilespmem:s5+$0x10] =	vst v1;
	v1 =	vadd.f32 v5, v2  }
0x135: {  	v2 =	vld [tilespmem:s10+$0xFFFFFFD0];
	v9 =	vadd.f32 v0, v4  }
0x136: {  	v4 =	vld [tilespmem:s14+$0xFFFFFFE0];
	[tilespmem:s5+$0x20] =	vst v1  }
0x137: {  	v1 =	vld [tilespmem:s10+$0xFFFFFFE0];
	v5 =	vadd.f32 v8, v7;
	[tilespmem:s5+$0xFFFFFFC0] =	vst v9;
	s5 =	smov.u32 s14  }
0x138: {  	v7 =	vld [tilespmem:s14+$0xFFFFFFF0];
	v0 =	vmov v3  }
0x139: {  	v8 =	vld [tilespmem:s10+$0xFFFFFFF0];
	[tilespmem:s14+$0x30] =	vst v5  }
0x13a: {  	v2 =	vadd.f32 v2, v6;
	v6 =	vld [tilespmem:s14+$0x0]  }
0x13b: {  	v9 =	vld [tilespmem:s10+$0x0]  }
.Ltmp14:
0x13c: {  	[tilespmem:s14+$0xFFFFFFD0] =	vst v2;
	v2 =	vadd.f32 v1, v4;
	v1 =	vld [tilespmem:s14+$0x10];
	(pc) =	sbr.rel @p0 .LBB2_30-.Ltmp14, $4  }
0x13d: {  	v3 =	vld [tilespmem:s10+$0x10]  }
0x13e: {  	[tilespmem:s14+$0xFFFFFFE0] =	vst v2;
	v7 =	vadd.f32 v8, v7;
	v2 =	vld [tilespmem:s14+$0x20]  }
0x13f: {  	v5 =	vld [tilespmem:s10+$0x20]  }
0x140: {  	s14 =	sadd.s32 $0x100, s14;
	v4 =	vld [tilespmem:s5+$0xFFFFFFC0];
	[tilespmem:s5+$0xFFFFFFF0] =	vst v7;
	v6 =	vadd.f32 v9, v6  }
0x141: {  	_ =	sdelay $0x1  }
0x142: {  	v1 =	vadd.f32 v3, v1  }
0x143: {  	[tilespmem:s5+$0x0] =	vst v6;
	v2 =	vadd.f32 v5, v2  }
0x144: {  	[tilespmem:s5+$0x10] =	vst v1;
	v0 =	vadd.f32 v0, v4  }
0x145: {  	s10 =	simm.s32 $0x0;
	[tilespmem:s5+$0x20] =	vst v2  }
0x146: {  	s14 =	sadd.s32 $0x0, s11;
	s12 =	simm.s32 $0x100;
	[tilespmem:s5+$0xFFFFFFC0] =	vst v0;
	s5 =	simm.s32 $0x10  }
.LBB2_32:
0x147: {  	[hbm4b:s14+s1] =	stream.linear.scatter [tilespmem:s10], [sflag:$0x3], $0x80, $0x38;
	[tilespmem:$0x18000] =	vst v63  }
0x148: {  	s14 =	smov.u32 s5;
	s10 =	smov.u32 s12;
	p0 =	sne.s32 s5, $0xFF0  }
.Ltmp15:
0x149: {  	s5 =	sadd.s32 $0x10, s5;
	(pc) =	sbr.rel @p0 .LBB2_32-.Ltmp15, $2  }
0x14a: {  	_ =	sdelay $0x2  }
0x14b: {  	s12 =	sadd.s32 $0x100, s12;
	s14 =	sadd.s32 s14, s11  }
0x14c: {  	[hbm4b:s14+s1] =	stream.linear.scatter [tilespmem:s10], [sflag:$0x3], $0x80, $0x38;
	[tilespmem:$0x18000] =	vst v63  }
0x14d: {  	s5 =	simm.s32 $0x2  }
0x14e: {  	_ =	swait.ge [sflag:s5], $0x8000  }
0x14f: {  	[sflag:s5] =	ssyncset.done $0x0  }
0x150: {  	s14 =	simm.s32 $0x3;
	[sflag:s5] =	ssyncadd.s32 $0xFFFF8000  }
0x151: {  	_ =	swait.ge [sflag:s14], $0x8000  }
0x152: {  	s10 =	simm.s32 $0x0;
	[sflag:s14] =	ssyncset.done $0x0  }
0x153: {  	s5 =	simm.s32 $0x0;
	[sflag:s14] =	ssyncadd.s32 $0xFFFF8000;
	s14 =	rddreg [dreg:$0x8]  }
.LBB2_34:
0x154: {  	p0 =	sne.s32 s10, $0xFF0  }
.Ltmp16:
0x155: {  	_ = 	snop;
	(pc) =	sbr.rel @p0 .LBB2_34-.Ltmp16, $4  }
0x156: {  	_ = 	snop  }
0x157: {  	s12 =	sadd.s32 s10, s14  }
0x158: {  	[tilespmem:s5], [sflag:$0x1] =	stream.linear.gather [hbm4b:s12+s1], $0x80, $0x38;
	[tilespmem:$0x18000] =	vst v63  }
0x159: {  	s10 =	sadd.s32 $0x10, s10;
	s5 =	sadd.s32 $0x100, s5  }
0x15a: {  	s5 =	simm.s32 $0xF0  }
0x15b: {  	s10 =	simm.s32 $0x10040;
	v1 =	vld [tilespmem:s5+$0x0]  }
0x15c: {  	v2 =	vld [tilespmem:s10+$0x30]  }
0x15d: {  	v0 =	vld [tilespmem:s10+$0xFFFFFFC0]  }
0x15e: {  	v3 =	vld [tilespmem:s5+$0xFFFFFFA0]  }
0x15f: {  	v4 =	vld [tilespmem:s10+$0xFFFFFFD0]  }
0x160: {  	v5 =	vld [tilespmem:s5+$0xFFFFFFB0]  }
0x161: {  	v6 =	vld [tilespmem:s10+$0xFFFFFFE0]  }
0x162: {  	v7 =	vld [tilespmem:s5+$0xFFFFFFC0]  }
0x163: {  	v8 =	vld [tilespmem:s10+$0xFFFFFFF0]  }
0x164: {  	v9 =	vld [tilespmem:s5+$0xFFFFFFD0]  }
0x165: {  	v10 =	vld [tilespmem:s10+$0x0];
	v2 =	vadd.f32 v2, v1  }
0x166: {  	v4 =	vadd.f32 v4, v3;
	v1 =	vld [tilespmem:s5+$0xFFFFFFE0]  }
0x167: {  	v5 =	vadd.f32 v6, v5;
	v3 =	vld [tilespmem:s10+$0x10];
	[tilespmem:s5+$0x0] =	vst v2  }
0x168: {  	v6 =	vadd.f32 v8, v7;
	[tilespmem:s5+$0xFFFFFFA0] =	vst v4;
	v2 =	vld [tilespmem:s5+$0xFFFFFFF0]  }
0x169: {  	[tilespmem:s5+$0xFFFFFFB0] =	vst v5;
	v5 =	vld [tilespmem:s10+$0x20]  }
0x16a: {  	s12 =	simm.s32 $0x0;
	s14 =	simm.s32 $0x1F0;
	v4 =	vld [tilespmem:s5+$0xFFFFFF90];
	[tilespmem:s5+$0xFFFFFFC0] =	vst v6;
	v6 =	vadd.f32 v10, v9  }
.LBB2_36:
0x16b: {  	v7 =	vld [tilespmem:s14+$0x0];
	s10 =	sadd.s32 $0x80, s10  }
0x16c: {  	s12 =	sadd.s32 $0x80, s12;
	v8 =	vld [tilespmem:s10+$0x30];
	[tilespmem:s5+$0xFFFFFFD0] =	vst v6;
	v1 =	vadd.f32 v3, v1  }
0x16d: {  	p0 =	slt.u32 s12, $0x7F80;
	v3 =	vld [tilespmem:s10+$0xFFFFFFC0]  }
0x16e: {  	v6 =	vld [tilespmem:s14+$0xFFFFFFA0];
	[tilespmem:s5+$0xFFFFFFE0] =	vst v1;
	v1 =	vadd.f32 v5, v2  }
0x16f: {  	v2 =	vld [tilespmem:s10+$0xFFFFFFD0];
	v9 =	vadd.f32 v0, v4  }
0x170: {  	v4 =	vld [tilespmem:s14+$0xFFFFFFB0];
	[tilespmem:s5+$0xFFFFFFF0] =	vst v1  }
0x171: {  	v1 =	vld [tilespmem:s10+$0xFFFFFFE0];
	v5 =	vadd.f32 v8, v7;
	[tilespmem:s5+$0xFFFFFF90] =	vst v9;
	s5 =	smov.u32 s14  }
0x172: {  	v7 =	vld [tilespmem:s14+$0xFFFFFFC0];
	v0 =	vmov v3  }
0x173: {  	v8 =	vld [tilespmem:s10+$0xFFFFFFF0];
	[tilespmem:s14+$0x0] =	vst v5  }
0x174: {  	v2 =	vadd.f32 v2, v6;
	v6 =	vld [tilespmem:s14+$0xFFFFFFD0]  }
0x175: {  	v9 =	vld [tilespmem:s10+$0x0]  }
.Ltmp17:
0x176: {  	[tilespmem:s14+$0xFFFFFFA0] =	vst v2;
	v2 =	vadd.f32 v1, v4;
	v1 =	vld [tilespmem:s14+$0xFFFFFFE0];
	(pc) =	sbr.rel @p0 .LBB2_36-.Ltmp17, $4  }
0x177: {  	v3 =	vld [tilespmem:s10+$0x10]  }
0x178: {  	[tilespmem:s14+$0xFFFFFFB0] =	vst v2;
	v7 =	vadd.f32 v8, v7;
	v2 =	vld [tilespmem:s14+$0xFFFFFFF0]  }
0x179: {  	v5 =	vld [tilespmem:s10+$0x20]  }
0x17a: {  	s14 =	sadd.s32 $0x100, s14;
	v4 =	vld [tilespmem:s5+$0xFFFFFF90];
	[tilespmem:s5+$0xFFFFFFC0] =	vst v7;
	v6 =	vadd.f32 v9, v6  }
0x17b: {  	_ =	sdelay $0x1  }
0x17c: {  	v1 =	vadd.f32 v3, v1  }
0x17d: {  	[tilespmem:s5+$0xFFFFFFD0] =	vst v6;
	v2 =	vadd.f32 v5, v2  }
0x17e: {  	[tilespmem:s5+$0xFFFFFFE0] =	vst v1;
	v0 =	vadd.f32 v0, v4  }
0x17f: {  	s10 =	simm.s32 $0x80;
	[tilespmem:s5+$0xFFFFFFF0] =	vst v2  }
0x180: {  	s14 =	sadd.s32 $0x0, s13;
	s12 =	simm.s32 $0x180;
	[tilespmem:s5+$0xFFFFFF90] =	vst v0;
	s5 =	simm.s32 $0x10  }
.LBB2_38:
0x181: {  	[hbm4b:s14+s1] =	stream.linear.scatter [tilespmem:s10], [sflag:$0x4], $0x80, $0x38;
	[tilespmem:$0x18000] =	vst v63  }
0x182: {  	s14 =	smov.u32 s5;
	s10 =	smov.u32 s12;
	p0 =	sne.s32 s5, $0xFF0  }
.Ltmp18:
0x183: {  	s5 =	sadd.s32 $0x10, s5;
	(pc) =	sbr.rel @p0 .LBB2_38-.Ltmp18, $2  }
0x184: {  	_ =	sdelay $0x2  }
0x185: {  	s12 =	sadd.s32 $0x100, s12;
	s14 =	sadd.s32 s14, s13  }
0x186: {  	[hbm4b:s14+s1] =	stream.linear.scatter [tilespmem:s10], [sflag:$0x4], $0x80, $0x38;
	[tilespmem:$0x18000] =	vst v63  }
0x187: {  	s5 =	simm.s32 $0x1  }
0x188: {  	_ =	swait.ge [sflag:s5], $0x8000  }
0x189: {  	[sflag:s5] =	ssyncset.done $0x0  }
0x18a: {  	s14 =	simm.s32 $0x4;
	[sflag:s5] =	ssyncadd.s32 $0xFFFF8000  }
0x18b: {  	_ =	swait.ge [sflag:s14], $0x8000  }
0x18c: {  	s10 =	simm.s32 $0x80;
	[sflag:s14] =	ssyncset.done $0x0  }
0x18d: {  	s5 =	simm.s32 $0x0;
	[sflag:s14] =	ssyncadd.s32 $0xFFFF8000;
	s14 =	rddreg [dreg:$0x9]  }
.LBB2_40:
0x18e: {  	p0 =	sne.s32 s5, $0xFF0  }
.Ltmp19:
0x18f: {  	_ = 	snop;
	(pc) =	sbr.rel @p0 .LBB2_40-.Ltmp19, $4  }
0x190: {  	_ = 	snop  }
0x191: {  	s12 =	sadd.s32 s5, s14  }
0x192: {  	[tilespmem:s10], [sflag:$0x2] =	stream.linear.gather [hbm4b:s12+s1], $0x80, $0x38;
	[tilespmem:$0x18000] =	vst v63  }
0x193: {  	s5 =	sadd.s32 $0x10, s5;
	s10 =	sadd.s32 $0x100, s10  }
0x194: {  	s5 =	simm.s32 $0x40  }
0x195: {  	s10 =	simm.s32 $0x10040;
	v1 =	vld [tilespmem:s5+$0x30]  }
0x196: {  	v2 =	vld [tilespmem:s10+$0x30]  }
0x197: {  	v0 =	vld [tilespmem:s10+$0xFFFFFFC0]  }
0x198: {  	v3 =	vld [tilespmem:s5+$0xFFFFFFD0]  }
0x199: {  	v4 =	vld [tilespmem:s10+$0xFFFFFFD0]  }
0x19a: {  	v5 =	vld [tilespmem:s5+$0xFFFFFFE0]  }
0x19b: {  	v6 =	vld [tilespmem:s10+$0xFFFFFFE0]  }
0x19c: {  	v7 =	vld [tilespmem:s5+$0xFFFFFFF0]  }
0x19d: {  	v8 =	vld [tilespmem:s10+$0xFFFFFFF0]  }
0x19e: {  	v9 =	vld [tilespmem:s5+$0x0]  }
0x19f: {  	v10 =	vld [tilespmem:s10+$0x0];
	v2 =	vadd.f32 v2, v1  }
0x1a0: {  	v4 =	vadd.f32 v4, v3;
	v1 =	vld [tilespmem:s5+$0x10]  }
0x1a1: {  	v5 =	vadd.f32 v6, v5;
	v3 =	vld [tilespmem:s10+$0x10];
	[tilespmem:s5+$0x30] =	vst v2  }
0x1a2: {  	v6 =	vadd.f32 v8, v7;
	[tilespmem:s5+$0xFFFFFFD0] =	vst v4;
	v2 =	vld [tilespmem:s5+$0x20]  }
0x1a3: {  	[tilespmem:s5+$0xFFFFFFE0] =	vst v5;
	v5 =	vld [tilespmem:s10+$0x20]  }
0x1a4: {  	s12 =	simm.s32 $0x0;
	s14 =	simm.s32 $0x140;
	v4 =	vld [tilespmem:s5+$0xFFFFFFC0];
	[tilespmem:s5+$0xFFFFFFF0] =	vst v6;
	v6 =	vadd.f32 v10, v9  }
.LBB2_42:
0x1a5: {  	v7 =	vld [tilespmem:s14+$0x30];
	s10 =	sadd.s32 $0x80, s10  }
0x1a6: {  	s12 =	sadd.s32 $0x80, s12;
	v8 =	vld [tilespmem:s10+$0x30];
	[tilespmem:s5+$0x0] =	vst v6;
	v1 =	vadd.f32 v3, v1  }
0x1a7: {  	p0 =	slt.u32 s12, $0x7F80;
	v3 =	vld [tilespmem:s10+$0xFFFFFFC0]  }
0x1a8: {  	v6 =	vld [tilespmem:s14+$0xFFFFFFD0];
	[tilespmem:s5+$0x10] =	vst v1;
	v1 =	vadd.f32 v5, v2  }
0x1a9: {  	v2 =	vld [tilespmem:s10+$0xFFFFFFD0];
	v9 =	vadd.f32 v0, v4  }
0x1aa: {  	v4 =	vld [tilespmem:s14+$0xFFFFFFE0];
	[tilespmem:s5+$0x20] =	vst v1  }
0x1ab: {  	v1 =	vld [tilespmem:s10+$0xFFFFFFE0];
	v5 =	vadd.f32 v8, v7;
	[tilespmem:s5+$0xFFFFFFC0] =	vst v9;
	s5 =	smov.u32 s14  }
0x1ac: {  	v7 =	vld [tilespmem:s14+$0xFFFFFFF0];
	v0 =	vmov v3  }
0x1ad: {  	v8 =	vld [tilespmem:s10+$0xFFFFFFF0];
	[tilespmem:s14+$0x30] =	vst v5  }
0x1ae: {  	v2 =	vadd.f32 v2, v6;
	v6 =	vld [tilespmem:s14+$0x0]  }
0x1af: {  	v9 =	vld [tilespmem:s10+$0x0]  }
.Ltmp20:
0x1b0: {  	[tilespmem:s14+$0xFFFFFFD0] =	vst v2;
	v2 =	vadd.f32 v1, v4;
	v1 =	vld [tilespmem:s14+$0x10];
	(pc) =	sbr.rel @p0 .LBB2_42-.Ltmp20, $4  }
0x1b1: {  	v3 =	vld [tilespmem:s10+$0x10]  }
0x1b2: {  	[tilespmem:s14+$0xFFFFFFE0] =	vst v2;
	v7 =	vadd.f32 v8, v7;
	v2 =	vld [tilespmem:s14+$0x20]  }
0x1b3: {  	v5 =	vld [tilespmem:s10+$0x20]  }
0x1b4: {  	s14 =	sadd.s32 $0x100, s14;
	v4 =	vld [tilespmem:s5+$0xFFFFFFC0];
	[tilespmem:s5+$0xFFFFFFF0] =	vst v7;
	v6 =	vadd.f32 v9, v6  }
0x1b5: {  	_ =	sdelay $0x1  }
0x1b6: {  	v1 =	vadd.f32 v3, v1  }
0x1b7: {  	[tilespmem:s5+$0x0] =	vst v6;
	v2 =	vadd.f32 v5, v2  }
0x1b8: {  	[tilespmem:s5+$0x10] =	vst v1;
	v0 =	vadd.f32 v0, v4  }
0x1b9: {  	s10 =	simm.s32 $0x0;
	[tilespmem:s5+$0x20] =	vst v2  }
0x1ba: {  	s14 =	sadd.s32 $0x0, s15;
	s12 =	simm.s32 $0x100;
	[tilespmem:s5+$0xFFFFFFC0] =	vst v0;
	s5 =	simm.s32 $0x10  }
.LBB2_44:
0x1bb: {  	[hbm4b:s14+s1] =	stream.linear.scatter [tilespmem:s10], [sflag:$0x3], $0x80, $0x38;
	[tilespmem:$0x18000] =	vst v63  }
0x1bc: {  	s14 =	smov.u32 s5;
	s10 =	smov.u32 s12;
	p0 =	sne.s32 s5, $0xFF0  }
.Ltmp21:
0x1bd: {  	s5 =	sadd.s32 $0x10, s5;
	(pc) =	sbr.rel @p0 .LBB2_44-.Ltmp21, $2  }
0x1be: {  	_ =	sdelay $0x2  }
0x1bf: {  	s12 =	sadd.s32 $0x100, s12;
	s14 =	sadd.s32 s14, s15  }
0x1c0: {  	[hbm4b:s14+s1] =	stream.linear.scatter [tilespmem:s10], [sflag:$0x3], $0x80, $0x38;
	[tilespmem:$0x18000] =	vst v63  }
0x1c1: {  	s5 =	simm.s32 $0x2  }
0x1c2: {  	_ =	swait.ge [sflag:s5], $0x8000  }
0x1c3: {  	[sflag:s5] =	ssyncset.done $0x0  }
0x1c4: {  	[sflag:s5] =	ssyncadd.s32 $0xFFFF8000;
	s5 =	simm.s32 $0xF0  }
0x1c5: {  	s10 =	simm.s32 $0x10040;
	v1 =	vld [tilespmem:s5+$0x0]  }
0x1c6: {  	v2 =	vld [tilespmem:s10+$0x30]  }
0x1c7: {  	v0 =	vld [tilespmem:s10+$0xFFFFFFC0]  }
0x1c8: {  	v3 =	vld [tilespmem:s5+$0xFFFFFFA0]  }
0x1c9: {  	v4 =	vld [tilespmem:s10+$0xFFFFFFD0]  }
0x1ca: {  	v5 =	vld [tilespmem:s5+$0xFFFFFFB0]  }
0x1cb: {  	v6 =	vld [tilespmem:s10+$0xFFFFFFE0]  }
0x1cc: {  	v7 =	vld [tilespmem:s5+$0xFFFFFFC0]  }
0x1cd: {  	v8 =	vld [tilespmem:s10+$0xFFFFFFF0]  }
0x1ce: {  	v9 =	vld [tilespmem:s5+$0xFFFFFFD0]  }
0x1cf: {  	v10 =	vld [tilespmem:s10+$0x0];
	v2 =	vadd.f32 v2, v1  }
0x1d0: {  	v4 =	vadd.f32 v4, v3;
	v1 =	vld [tilespmem:s5+$0xFFFFFFE0]  }
0x1d1: {  	v5 =	vadd.f32 v6, v5;
	v3 =	vld [tilespmem:s10+$0x10];
	[tilespmem:s5+$0x0] =	vst v2  }
0x1d2: {  	v6 =	vadd.f32 v8, v7;
	[tilespmem:s5+$0xFFFFFFA0] =	vst v4;
	v2 =	vld [tilespmem:s5+$0xFFFFFFF0]  }
0x1d3: {  	[tilespmem:s5+$0xFFFFFFB0] =	vst v5;
	v5 =	vld [tilespmem:s10+$0x20]  }
0x1d4: {  	s12 =	simm.s32 $0x0;
	s14 =	simm.s32 $0x1F0;
	v4 =	vld [tilespmem:s5+$0xFFFFFF90];
	[tilespmem:s5+$0xFFFFFFC0] =	vst v6;
	v6 =	vadd.f32 v10, v9  }
.LBB2_46:
0x1d5: {  	v7 =	vld [tilespmem:s14+$0x0];
	s10 =	sadd.s32 $0x80, s10  }
0x1d6: {  	s12 =	sadd.s32 $0x80, s12;
	v8 =	vld [tilespmem:s10+$0x30];
	[tilespmem:s5+$0xFFFFFFD0] =	vst v6;
	v1 =	vadd.f32 v3, v1  }
0x1d7: {  	p0 =	slt.u32 s12, $0x7F80;
	v3 =	vld [tilespmem:s10+$0xFFFFFFC0]  }
0x1d8: {  	v6 =	vld [tilespmem:s14+$0xFFFFFFA0];
	[tilespmem:s5+$0xFFFFFFE0] =	vst v1;
	v1 =	vadd.f32 v5, v2  }
0x1d9: {  	v2 =	vld [tilespmem:s10+$0xFFFFFFD0];
	v9 =	vadd.f32 v0, v4  }
0x1da: {  	v4 =	vld [tilespmem:s14+$0xFFFFFFB0];
	[tilespmem:s5+$0xFFFFFFF0] =	vst v1  }
0x1db: {  	v1 =	vld [tilespmem:s10+$0xFFFFFFE0];
	v5 =	vadd.f32 v8, v7;
	[tilespmem:s5+$0xFFFFFF90] =	vst v9;
	s5 =	smov.u32 s14  }
0x1dc: {  	v7 =	vld [tilespmem:s14+$0xFFFFFFC0];
	v0 =	vmov v3  }
0x1dd: {  	v8 =	vld [tilespmem:s10+$0xFFFFFFF0];
	[tilespmem:s14+$0x0] =	vst v5  }
0x1de: {  	v2 =	vadd.f32 v2, v6;
	v6 =	vld [tilespmem:s14+$0xFFFFFFD0]  }
0x1df: {  	v9 =	vld [tilespmem:s10+$0x0]  }
.Ltmp22:
0x1e0: {  	[tilespmem:s14+$0xFFFFFFA0] =	vst v2;
	v2 =	vadd.f32 v1, v4;
	v1 =	vld [tilespmem:s14+$0xFFFFFFE0];
	(pc) =	sbr.rel @p0 .LBB2_46-.Ltmp22, $4  }
0x1e1: {  	v3 =	vld [tilespmem:s10+$0x10]  }
0x1e2: {  	[tilespmem:s14+$0xFFFFFFB0] =	vst v2;
	v7 =	vadd.f32 v8, v7;
	v2 =	vld [tilespmem:s14+$0xFFFFFFF0]  }
0x1e3: {  	v5 =	vld [tilespmem:s10+$0x20]  }
0x1e4: {  	s14 =	sadd.s32 $0x100, s14;
	v4 =	vld [tilespmem:s5+$0xFFFFFF90];
	[tilespmem:s5+$0xFFFFFFC0] =	vst v7;
	v6 =	vadd.f32 v9, v6  }
0x1e5: {  	_ =	sdelay $0x1  }
0x1e6: {  	v1 =	vadd.f32 v3, v1  }
0x1e7: {  	[tilespmem:s5+$0xFFFFFFD0] =	vst v6;
	v2 =	vadd.f32 v5, v2  }
0x1e8: {  	[tilespmem:s5+$0xFFFFFFE0] =	vst v1;
	v0 =	vadd.f32 v0, v4  }
0x1e9: {  	s10 =	simm.s32 $0x80;
	[tilespmem:s5+$0xFFFFFFF0] =	vst v2  }
0x1ea: {  	s14 =	sadd.s32 $0x0, s16;
	s12 =	simm.s32 $0x180;
	[tilespmem:s5+$0xFFFFFF90] =	vst v0;
	s5 =	simm.s32 $0x10  }
.LBB2_48:
0x1eb: {  	[hbm4b:s14+s1] =	stream.linear.scatter [tilespmem:s10], [sflag:$0x4], $0x80, $0x38;
	[tilespmem:$0x18000] =	vst v63  }
0x1ec: {  	s14 =	smov.u32 s5;
	s10 =	smov.u32 s12;
	p0 =	sne.s32 s5, $0xFF0  }
.Ltmp23:
0x1ed: {  	s5 =	sadd.s32 $0x10, s5;
	(pc) =	sbr.rel @p0 .LBB2_48-.Ltmp23, $2  }
0x1ee: {  	_ =	sdelay $0x2  }
0x1ef: {  	s12 =	sadd.s32 $0x100, s12;
	s14 =	sadd.s32 s14, s16  }
0x1f0: {  	[hbm4b:s14+s1] =	stream.linear.scatter [tilespmem:s10], [sflag:$0x4], $0x80, $0x38;
	[tilespmem:$0x18000] =	vst v63  }
0x1f1: {  	s5 =	simm.s32 $0x3  }
0x1f2: {  	_ =	swait.ge [sflag:s5], $0x8000  }
0x1f3: {  	[sflag:s5] =	ssyncset.done $0x0  }
0x1f4: {  	s12 =	simm.s32 $0x4;
	[sflag:s5] =	ssyncadd.s32 $0xFFFF8000  }
0x1f5: {  	_ =	swait.ge [sflag:s12], $0x8000  }
0x1f6: {  	s5 =	simm.s32 $0x0;
	[sflag:s12] =	ssyncset.done $0x0  }
0x1f7: {  	s14 =	rddreg [dreg:$0xa];
	[sflag:s12] =	ssyncadd.s32 $0xFFFF8000;
	s12 =	simm.s32 $0x10000  }
0x1f8: {  	[tilespmem:s12], [sflag:$0x5] =	stream.linear.gather [hbm4b:s14+s5], $0x8000, $0x38;
	[tilespmem:$0x18000] =	vst v63  }
0x1f9: {  	s14 =	simm.s32 $0x5  }
0x1fa: {  	_ =	swait.ge [sflag:s14], $0x8000  }
0x1fb: {  	s10 =	simm.s32 $0x10;
	[sflag:s14] =	ssyncset.done $0x0  }
0x1fc: {  	s12 =	simm.s32 $0x100;
	[sflag:s14] =	ssyncadd.s32 $0xFFFF8000;
	s14 =	sadd.s32 $0x0, s18  }
.LBB2_50:
0x1fd: {  	[tilespmem:s5], [sflag:$0x1] =	stream.linear.gather [hbm4b:s14+s1], $0x80, $0x38;
	[tilespmem:$0x18000] =	vst v63  }
0x1fe: {  	s14 =	smov.u32 s10;
	s5 =	smov.u32 s12;
	p0 =	sne.s32 s10, $0xFF0  }
.Ltmp24:
0x1ff: {  	s10 =	sadd.s32 $0x10, s10;
	(pc) =	sbr.rel @p0 .LBB2_50-.Ltmp24, $2  }
0x200: {  	_ =	sdelay $0x2  }
0x201: {  	s12 =	sadd.s32 $0x100, s12;
	s14 =	sadd.s32 s14, s18  }
0x202: {  	[tilespmem:s5], [sflag:$0x1] =	stream.linear.gather [hbm4b:s14+s1], $0x80, $0x38;
	[tilespmem:$0x18000] =	vst v63  }
0x203: {  	s14 =	simm.s32 $0x1  }
0x204: {  	_ =	swait.ge [sflag:s14], $0x8000  }
0x205: {  	[sflag:s14] =	ssyncset.done $0x0  }
0x206: {  	s5 =	simm.s32 $0x0;
	s10 =	simm.s32 $0x80;
	[sflag:s14] =	ssyncadd.s32 $0xFFFF8000  }
.LBB2_52:
0x207: {  	p0 =	sne.s32 s5, $0xFF0  }
.Ltmp25:
0x208: {  	_ = 	snop;
	(pc) =	sbr.rel @p0 .LBB2_52-.Ltmp25, $4  }
0x209: {  	_ = 	snop  }
0x20a: {  	s12 =	sadd.s32 s5, s20  }
0x20b: {  	[tilespmem:s10], [sflag:$0x2] =	stream.linear.gather [hbm4b:s12+s1], $0x80, $0x38;
	[tilespmem:$0x18000] =	vst v63  }
0x20c: {  	s5 =	sadd.s32 $0x10, s5;
	s10 =	sadd.s32 $0x100, s10  }
0x20d: {  	s5 =	simm.s32 $0x40  }
0x20e: {  	s10 =	simm.s32 $0x10040;
	v1 =	vld [tilespmem:s5+$0x30]  }
0x20f: {  	v2 =	vld [tilespmem:s10+$0x30]  }
0x210: {  	v0 =	vld [tilespmem:s10+$0xFFFFFFC0]  }
0x211: {  	v3 =	vld [tilespmem:s5+$0xFFFFFFD0]  }
0x212: {  	v4 =	vld [tilespmem:s10+$0xFFFFFFD0]  }
0x213: {  	v5 =	vld [tilespmem:s5+$0xFFFFFFE0]  }
0x214: {  	v6 =	vld [tilespmem:s10+$0xFFFFFFE0]  }
0x215: {  	v7 =	vld [tilespmem:s5+$0xFFFFFFF0]  }
0x216: {  	v8 =	vld [tilespmem:s10+$0xFFFFFFF0]  }
0x217: {  	v9 =	vld [tilespmem:s5+$0x0]  }
0x218: {  	v10 =	vld [tilespmem:s10+$0x0];
	v2 =	vadd.f32 v2, v1  }
0x219: {  	v4 =	vadd.f32 v4, v3;
	v1 =	vld [tilespmem:s5+$0x10]  }
0x21a: {  	v5 =	vadd.f32 v6, v5;
	v3 =	vld [tilespmem:s10+$0x10];
	[tilespmem:s5+$0x30] =	vst v2  }
0x21b: {  	v6 =	vadd.f32 v8, v7;
	[tilespmem:s5+$0xFFFFFFD0] =	vst v4;
	v2 =	vld [tilespmem:s5+$0x20]  }
0x21c: {  	[tilespmem:s5+$0xFFFFFFE0] =	vst v5;
	v5 =	vld [tilespmem:s10+$0x20]  }
0x21d: {  	s12 =	simm.s32 $0x0;
	s14 =	simm.s32 $0x140;
	v4 =	vld [tilespmem:s5+$0xFFFFFFC0];
	[tilespmem:s5+$0xFFFFFFF0] =	vst v6;
	v6 =	vadd.f32 v10, v9  }
.LBB2_54:
0x21e: {  	v7 =	vld [tilespmem:s14+$0x30];
	s10 =	sadd.s32 $0x80, s10  }
0x21f: {  	s12 =	sadd.s32 $0x80, s12;
	v8 =	vld [tilespmem:s10+$0x30];
	[tilespmem:s5+$0x0] =	vst v6;
	v1 =	vadd.f32 v3, v1  }
0x220: {  	p0 =	slt.u32 s12, $0x7F80;
	v3 =	vld [tilespmem:s10+$0xFFFFFFC0]  }
0x221: {  	v6 =	vld [tilespmem:s14+$0xFFFFFFD0];
	[tilespmem:s5+$0x10] =	vst v1;
	v1 =	vadd.f32 v5, v2  }
0x222: {  	v2 =	vld [tilespmem:s10+$0xFFFFFFD0];
	v9 =	vadd.f32 v0, v4  }
0x223: {  	v4 =	vld [tilespmem:s14+$0xFFFFFFE0];
	[tilespmem:s5+$0x20] =	vst v1  }
0x224: {  	v1 =	vld [tilespmem:s10+$0xFFFFFFE0];
	v5 =	vadd.f32 v8, v7;
	[tilespmem:s5+$0xFFFFFFC0] =	vst v9;
	s5 =	smov.u32 s14  }
0x225: {  	v7 =	vld [tilespmem:s14+$0xFFFFFFF0];
	v0 =	vmov v3  }
0x226: {  	v8 =	vld [tilespmem:s10+$0xFFFFFFF0];
	[tilespmem:s14+$0x30] =	vst v5  }
0x227: {  	v2 =	vadd.f32 v2, v6;
	v6 =	vld [tilespmem:s14+$0x0]  }
0x228: {  	v9 =	vld [tilespmem:s10+$0x0]  }
.Ltmp26:
0x229: {  	[tilespmem:s14+$0xFFFFFFD0] =	vst v2;
	v2 =	vadd.f32 v1, v4;
	v1 =	vld [tilespmem:s14+$0x10];
	(pc) =	sbr.rel @p0 .LBB2_54-.Ltmp26, $4  }
0x22a: {  	v3 =	vld [tilespmem:s10+$0x10]  }
0x22b: {  	[tilespmem:s14+$0xFFFFFFE0] =	vst v2;
	v7 =	vadd.f32 v8, v7;
	v2 =	vld [tilespmem:s14+$0x20]  }
0x22c: {  	v5 =	vld [tilespmem:s10+$0x20]  }
0x22d: {  	s14 =	sadd.s32 $0x100, s14;
	v4 =	vld [tilespmem:s5+$0xFFFFFFC0];
	[tilespmem:s5+$0xFFFFFFF0] =	vst v7;
	v6 =	vadd.f32 v9, v6  }
0x22e: {  	_ =	sdelay $0x1  }
0x22f: {  	v1 =	vadd.f32 v3, v1  }
0x230: {  	[tilespmem:s5+$0x0] =	vst v6;
	v2 =	vadd.f32 v5, v2  }
0x231: {  	[tilespmem:s5+$0x10] =	vst v1;
	v0 =	vadd.f32 v0, v4  }
0x232: {  	s10 =	simm.s32 $0x0;
	[tilespmem:s5+$0x20] =	vst v2  }
0x233: {  	s14 =	sadd.s32 $0x0, s19;
	s12 =	simm.s32 $0x100;
	[tilespmem:s5+$0xFFFFFFC0] =	vst v0;
	s5 =	simm.s32 $0x10  }
.LBB2_56:
0x234: {  	[hbm4b:s14+s1] =	stream.linear.scatter [tilespmem:s10], [sflag:$0x3], $0x80, $0x38;
	[tilespmem:$0x18000] =	vst v63  }
0x235: {  	s14 =	smov.u32 s5;
	s10 =	smov.u32 s12;
	p0 =	sne.s32 s5, $0xFF0  }
.Ltmp27:
0x236: {  	s5 =	sadd.s32 $0x10, s5;
	(pc) =	sbr.rel @p0 .LBB2_56-.Ltmp27, $2  }
0x237: {  	_ =	sdelay $0x2  }
0x238: {  	s12 =	sadd.s32 $0x100, s12;
	s14 =	sadd.s32 s14, s19  }
0x239: {  	[hbm4b:s14+s1] =	stream.linear.scatter [tilespmem:s10], [sflag:$0x3], $0x80, $0x38;
	[tilespmem:$0x18000] =	vst v63  }
0x23a: {  	s5 =	simm.s32 $0x2  }
0x23b: {  	_ =	swait.ge [sflag:s5], $0x8000  }
0x23c: {  	[sflag:s5] =	ssyncset.done $0x0  }
0x23d: {  	s14 =	simm.s32 $0x3;
	[sflag:s5] =	ssyncadd.s32 $0xFFFF8000  }
0x23e: {  	_ =	swait.ge [sflag:s14], $0x8000  }
0x23f: {  	[sflag:s14] =	ssyncset.done $0x0  }
0x240: {  	s10 =	simm.s32 $0x0;
	s5 =	simm.s32 $0x0;
	[sflag:s14] =	ssyncadd.s32 $0xFFFF8000  }
.LBB2_58:
0x241: {  	p0 =	sne.s32 s10, $0xFF0  }
.Ltmp28:
0x242: {  	_ = 	snop;
	(pc) =	sbr.rel @p0 .LBB2_58-.Ltmp28, $4  }
0x243: {  	_ = 	snop  }
0x244: {  	s12 =	sadd.s32 s10, s22  }
0x245: {  	[tilespmem:s5], [sflag:$0x1] =	stream.linear.gather [hbm4b:s12+s1], $0x80, $0x38;
	[tilespmem:$0x18000] =	vst v63  }
0x246: {  	s10 =	sadd.s32 $0x10, s10;
	s5 =	sadd.s32 $0x100, s5  }
0x247: {  	s5 =	simm.s32 $0xF0  }
0x248: {  	s10 =	simm.s32 $0x10040;
	v1 =	vld [tilespmem:s5+$0x0]  }
0x249: {  	v2 =	vld [tilespmem:s10+$0x30]  }
0x24a: {  	v0 =	vld [tilespmem:s10+$0xFFFFFFC0]  }
0x24b: {  	v3 =	vld [tilespmem:s5+$0xFFFFFFA0]  }
0x24c: {  	v4 =	vld [tilespmem:s10+$0xFFFFFFD0]  }
0x24d: {  	v5 =	vld [tilespmem:s5+$0xFFFFFFB0]  }
0x24e: {  	v6 =	vld [tilespmem:s10+$0xFFFFFFE0]  }
0x24f: {  	v7 =	vld [tilespmem:s5+$0xFFFFFFC0]  }
0x250: {  	v8 =	vld [tilespmem:s10+$0xFFFFFFF0]  }
0x251: {  	v9 =	vld [tilespmem:s5+$0xFFFFFFD0]  }
0x252: {  	v10 =	vld [tilespmem:s10+$0x0];
	v2 =	vadd.f32 v2, v1  }
0x253: {  	v4 =	vadd.f32 v4, v3;
	v1 =	vld [tilespmem:s5+$0xFFFFFFE0]  }
0x254: {  	v5 =	vadd.f32 v6, v5;
	v3 =	vld [tilespmem:s10+$0x10];
	[tilespmem:s5+$0x0] =	vst v2  }
0x255: {  	v6 =	vadd.f32 v8, v7;
	[tilespmem:s5+$0xFFFFFFA0] =	vst v4;
	v2 =	vld [tilespmem:s5+$0xFFFFFFF0]  }
0x256: {  	[tilespmem:s5+$0xFFFFFFB0] =	vst v5;
	v5 =	vld [tilespmem:s10+$0x20]  }
0x257: {  	s12 =	simm.s32 $0x0;
	s14 =	simm.s32 $0x1F0;
	v4 =	vld [tilespmem:s5+$0xFFFFFF90];
	[tilespmem:s5+$0xFFFFFFC0] =	vst v6;
	v6 =	vadd.f32 v10, v9  }
.LBB2_60:
0x258: {  	v7 =	vld [tilespmem:s14+$0x0];
	s10 =	sadd.s32 $0x80, s10  }
0x259: {  	s12 =	sadd.s32 $0x80, s12;
	v8 =	vld [tilespmem:s10+$0x30];
	[tilespmem:s5+$0xFFFFFFD0] =	vst v6;
	v1 =	vadd.f32 v3, v1  }
0x25a: {  	p0 =	slt.u32 s12, $0x7F80;
	v3 =	vld [tilespmem:s10+$0xFFFFFFC0]  }
0x25b: {  	v6 =	vld [tilespmem:s14+$0xFFFFFFA0];
	[tilespmem:s5+$0xFFFFFFE0] =	vst v1;
	v1 =	vadd.f32 v5, v2  }
0x25c: {  	v2 =	vld [tilespmem:s10+$0xFFFFFFD0];
	v9 =	vadd.f32 v0, v4  }
0x25d: {  	v4 =	vld [tilespmem:s14+$0xFFFFFFB0];
	[tilespmem:s5+$0xFFFFFFF0] =	vst v1  }
0x25e: {  	v1 =	vld [tilespmem:s10+$0xFFFFFFE0];
	v5 =	vadd.f32 v8, v7;
	[tilespmem:s5+$0xFFFFFF90] =	vst v9;
	s5 =	smov.u32 s14  }
0x25f: {  	v7 =	vld [tilespmem:s14+$0xFFFFFFC0];
	v0 =	vmov v3  }
0x260: {  	v8 =	vld [tilespmem:s10+$0xFFFFFFF0];
	[tilespmem:s14+$0x0] =	vst v5  }
0x261: {  	v2 =	vadd.f32 v2, v6;
	v6 =	vld [tilespmem:s14+$0xFFFFFFD0]  }
0x262: {  	v9 =	vld [tilespmem:s10+$0x0]  }
.Ltmp29:
0x263: {  	[tilespmem:s14+$0xFFFFFFA0] =	vst v2;
	v2 =	vadd.f32 v1, v4;
	v1 =	vld [tilespmem:s14+$0xFFFFFFE0];
	(pc) =	sbr.rel @p0 .LBB2_60-.Ltmp29, $4  }
0x264: {  	v3 =	vld [tilespmem:s10+$0x10]  }
0x265: {  	[tilespmem:s14+$0xFFFFFFB0] =	vst v2;
	v7 =	vadd.f32 v8, v7;
	v2 =	vld [tilespmem:s14+$0xFFFFFFF0]  }
0x266: {  	v5 =	vld [tilespmem:s10+$0x20]  }
0x267: {  	s14 =	sadd.s32 $0x100, s14;
	v4 =	vld [tilespmem:s5+$0xFFFFFF90];
	[tilespmem:s5+$0xFFFFFFC0] =	vst v7;
	v6 =	vadd.f32 v9, v6  }
0x268: {  	_ =	sdelay $0x1  }
0x269: {  	v1 =	vadd.f32 v3, v1  }
0x26a: {  	[tilespmem:s5+$0xFFFFFFD0] =	vst v6;
	v2 =	vadd.f32 v5, v2  }
0x26b: {  	[tilespmem:s5+$0xFFFFFFE0] =	vst v1;
	v0 =	vadd.f32 v0, v4  }
0x26c: {  	s10 =	simm.s32 $0x80;
	[tilespmem:s5+$0xFFFFFFF0] =	vst v2  }
0x26d: {  	s14 =	sadd.s32 $0x0, s21;
	s12 =	simm.s32 $0x180;
	[tilespmem:s5+$0xFFFFFF90] =	vst v0;
	s5 =	simm.s32 $0x10  }
.LBB2_62:
0x26e: {  	[hbm4b:s14+s1] =	stream.linear.scatter [tilespmem:s10], [sflag:$0x4], $0x80, $0x38;
	[tilespmem:$0x18000] =	vst v63  }
0x26f: {  	s14 =	smov.u32 s5;
	s10 =	smov.u32 s12;
	p0 =	sne.s32 s5, $0xFF0  }
.Ltmp30:
0x270: {  	s5 =	sadd.s32 $0x10, s5;
	(pc) =	sbr.rel @p0 .LBB2_62-.Ltmp30, $2  }
0x271: {  	_ =	sdelay $0x2  }
0x272: {  	s12 =	sadd.s32 $0x100, s12;
	s14 =	sadd.s32 s14, s21  }
0x273: {  	[hbm4b:s14+s1] =	stream.linear.scatter [tilespmem:s10], [sflag:$0x4], $0x80, $0x38;
	[tilespmem:$0x18000] =	vst v63  }
0x274: {  	s5 =	simm.s32 $0x1  }
0x275: {  	_ =	swait.ge [sflag:s5], $0x8000  }
0x276: {  	[sflag:s5] =	ssyncset.done $0x0  }
0x277: {  	s14 =	simm.s32 $0x4;
	[sflag:s5] =	ssyncadd.s32 $0xFFFF8000  }
0x278: {  	_ =	swait.ge [sflag:s14], $0x8000  }
0x279: {  	[sflag:s14] =	ssyncset.done $0x0  }
0x27a: {  	s10 =	simm.s32 $0x80;
	s5 =	simm.s32 $0x0;
	[sflag:s14] =	ssyncadd.s32 $0xFFFF8000  }
.LBB2_64:
0x27b: {  	p0 =	sne.s32 s5, $0xFF0  }
.Ltmp31:
0x27c: {  	_ = 	snop;
	(pc) =	sbr.rel @p0 .LBB2_64-.Ltmp31, $4  }
0x27d: {  	_ = 	snop  }
0x27e: {  	s12 =	sadd.s32 s5, s24  }
0x27f: {  	[tilespmem:s10], [sflag:$0x2] =	stream.linear.gather [hbm4b:s12+s1], $0x80, $0x38;
	[tilespmem:$0x18000] =	vst v63  }
0x280: {  	s5 =	sadd.s32 $0x10, s5;
	s10 =	sadd.s32 $0x100, s10  }
0x281: {  	s5 =	simm.s32 $0x40  }
0x282: {  	s10 =	simm.s32 $0x10040;
	v1 =	vld [tilespmem:s5+$0x30]  }
0x283: {  	v2 =	vld [tilespmem:s10+$0x30]  }
0x284: {  	v0 =	vld [tilespmem:s10+$0xFFFFFFC0]  }
0x285: {  	v3 =	vld [tilespmem:s5+$0xFFFFFFD0]  }
0x286: {  	v4 =	vld [tilespmem:s10+$0xFFFFFFD0]  }
0x287: {  	v5 =	vld [tilespmem:s5+$0xFFFFFFE0]  }
0x288: {  	v6 =	vld [tilespmem:s10+$0xFFFFFFE0]  }
0x289: {  	v7 =	vld [tilespmem:s5+$0xFFFFFFF0]  }
0x28a: {  	v8 =	vld [tilespmem:s10+$0xFFFFFFF0]  }
0x28b: {  	v9 =	vld [tilespmem:s5+$0x0]  }
0x28c: {  	v10 =	vld [tilespmem:s10+$0x0];
	v2 =	vadd.f32 v2, v1  }
0x28d: {  	v4 =	vadd.f32 v4, v3;
	v1 =	vld [tilespmem:s5+$0x10]  }
0x28e: {  	v5 =	vadd.f32 v6, v5;
	v3 =	vld [tilespmem:s10+$0x10];
	[tilespmem:s5+$0x30] =	vst v2  }
0x28f: {  	v6 =	vadd.f32 v8, v7;
	[tilespmem:s5+$0xFFFFFFD0] =	vst v4;
	v2 =	vld [tilespmem:s5+$0x20]  }
0x290: {  	[tilespmem:s5+$0xFFFFFFE0] =	vst v5;
	v5 =	vld [tilespmem:s10+$0x20]  }
0x291: {  	s12 =	simm.s32 $0x0;
	s14 =	simm.s32 $0x140;
	v4 =	vld [tilespmem:s5+$0xFFFFFFC0];
	[tilespmem:s5+$0xFFFFFFF0] =	vst v6;
	v6 =	vadd.f32 v10, v9  }
.LBB2_66:
0x292: {  	v7 =	vld [tilespmem:s14+$0x30];
	s10 =	sadd.s32 $0x80, s10  }
0x293: {  	s12 =	sadd.s32 $0x80, s12;
	v8 =	vld [tilespmem:s10+$0x30];
	[tilespmem:s5+$0x0] =	vst v6;
	v1 =	vadd.f32 v3, v1  }
0x294: {  	p0 =	slt.u32 s12, $0x7F80;
	v3 =	vld [tilespmem:s10+$0xFFFFFFC0]  }
0x295: {  	v6 =	vld [tilespmem:s14+$0xFFFFFFD0];
	[tilespmem:s5+$0x10] =	vst v1;
	v1 =	vadd.f32 v5, v2  }
0x296: {  	v2 =	vld [tilespmem:s10+$0xFFFFFFD0];
	v9 =	vadd.f32 v0, v4  }
0x297: {  	v4 =	vld [tilespmem:s14+$0xFFFFFFE0];
	[tilespmem:s5+$0x20] =	vst v1  }
0x298: {  	v1 =	vld [tilespmem:s10+$0xFFFFFFE0];
	v5 =	vadd.f32 v8, v7;
	[tilespmem:s5+$0xFFFFFFC0] =	vst v9;
	s5 =	smov.u32 s14  }
0x299: {  	v7 =	vld [tilespmem:s14+$0xFFFFFFF0];
	v0 =	vmov v3  }
0x29a: {  	v8 =	vld [tilespmem:s10+$0xFFFFFFF0];
	[tilespmem:s14+$0x30] =	vst v5  }
0x29b: {  	v2 =	vadd.f32 v2, v6;
	v6 =	vld [tilespmem:s14+$0x0]  }
0x29c: {  	v9 =	vld [tilespmem:s10+$0x0]  }
.Ltmp32:
0x29d: {  	[tilespmem:s14+$0xFFFFFFD0] =	vst v2;
	v2 =	vadd.f32 v1, v4;
	v1 =	vld [tilespmem:s14+$0x10];
	(pc) =	sbr.rel @p0 .LBB2_66-.Ltmp32, $4  }
0x29e: {  	v3 =	vld [tilespmem:s10+$0x10]  }
0x29f: {  	[tilespmem:s14+$0xFFFFFFE0] =	vst v2;
	v7 =	vadd.f32 v8, v7;
	v2 =	vld [tilespmem:s14+$0x20]  }
0x2a0: {  	v5 =	vld [tilespmem:s10+$0x20]  }
0x2a1: {  	s14 =	sadd.s32 $0x100, s14;
	v4 =	vld [tilespmem:s5+$0xFFFFFFC0];
	[tilespmem:s5+$0xFFFFFFF0] =	vst v7;
	v6 =	vadd.f32 v9, v6  }
0x2a2: {  	_ =	sdelay $0x1  }
0x2a3: {  	v1 =	vadd.f32 v3, v1  }
0x2a4: {  	[tilespmem:s5+$0x0] =	vst v6;
	v2 =	vadd.f32 v5, v2  }
0x2a5: {  	[tilespmem:s5+$0x10] =	vst v1;
	v0 =	vadd.f32 v0, v4  }
0x2a6: {  	s10 =	simm.s32 $0x0;
	[tilespmem:s5+$0x20] =	vst v2  }
0x2a7: {  	s14 =	sadd.s32 $0x0, s23;
	s12 =	simm.s32 $0x100;
	[tilespmem:s5+$0xFFFFFFC0] =	vst v0;
	s5 =	simm.s32 $0x10  }
.LBB2_68:
0x2a8: {  	[hbm4b:s14+s1] =	stream.linear.scatter [tilespmem:s10], [sflag:$0x3], $0x80, $0x38;
	[tilespmem:$0x18000] =	vst v63  }
0x2a9: {  	s14 =	smov.u32 s5;
	s10 =	smov.u32 s12;
	p0 =	sne.s32 s5, $0xFF0  }
.Ltmp33:
0x2aa: {  	s5 =	sadd.s32 $0x10, s5;
	(pc) =	sbr.rel @p0 .LBB2_68-.Ltmp33, $2  }
0x2ab: {  	_ =	sdelay $0x2  }
0x2ac: {  	s12 =	sadd.s32 $0x100, s12;
	s14 =	sadd.s32 s14, s23  }
0x2ad: {  	[hbm4b:s14+s1] =	stream.linear.scatter [tilespmem:s10], [sflag:$0x3], $0x80, $0x38;
	[tilespmem:$0x18000] =	vst v63  }
0x2ae: {  	s5 =	simm.s32 $0x2  }
0x2af: {  	_ =	swait.ge [sflag:s5], $0x8000  }
0x2b0: {  	[sflag:s5] =	ssyncset.done $0x0  }
0x2b1: {  	[sflag:s5] =	ssyncadd.s32 $0xFFFF8000;
	s5 =	simm.s32 $0xF0  }
0x2b2: {  	s10 =	simm.s32 $0x10040;
	v1 =	vld [tilespmem:s5+$0x0]  }
0x2b3: {  	v2 =	vld [tilespmem:s10+$0x30]  }
0x2b4: {  	v0 =	vld [tilespmem:s10+$0xFFFFFFC0]  }
0x2b5: {  	v3 =	vld [tilespmem:s5+$0xFFFFFFA0]  }
0x2b6: {  	v4 =	vld [tilespmem:s10+$0xFFFFFFD0]  }
0x2b7: {  	v5 =	vld [tilespmem:s5+$0xFFFFFFB0]  }
0x2b8: {  	v6 =	vld [tilespmem:s10+$0xFFFFFFE0]  }
0x2b9: {  	v7 =	vld [tilespmem:s5+$0xFFFFFFC0]  }
0x2ba: {  	v8 =	vld [tilespmem:s10+$0xFFFFFFF0]  }
0x2bb: {  	v9 =	vld [tilespmem:s5+$0xFFFFFFD0]  }
0x2bc: {  	v10 =	vld [tilespmem:s10+$0x0];
	v2 =	vadd.f32 v2, v1  }
0x2bd: {  	v4 =	vadd.f32 v4, v3;
	v1 =	vld [tilespmem:s5+$0xFFFFFFE0]  }
0x2be: {  	v5 =	vadd.f32 v6, v5;
	v3 =	vld [tilespmem:s10+$0x10];
	[tilespmem:s5+$0x0] =	vst v2  }
0x2bf: {  	v6 =	vadd.f32 v8, v7;
	[tilespmem:s5+$0xFFFFFFA0] =	vst v4;
	v2 =	vld [tilespmem:s5+$0xFFFFFFF0]  }
0x2c0: {  	[tilespmem:s5+$0xFFFFFFB0] =	vst v5;
	v5 =	vld [tilespmem:s10+$0x20]  }
0x2c1: {  	s12 =	simm.s32 $0x0;
	s14 =	simm.s32 $0x1F0;
	v4 =	vld [tilespmem:s5+$0xFFFFFF90];
	[tilespmem:s5+$0xFFFFFFC0] =	vst v6;
	v6 =	vadd.f32 v10, v9  }
.LBB2_70:
0x2c2: {  	v7 =	vld [tilespmem:s14+$0x0];
	s10 =	sadd.s32 $0x80, s10  }
0x2c3: {  	s12 =	sadd.s32 $0x80, s12;
	v8 =	vld [tilespmem:s10+$0x30];
	[tilespmem:s5+$0xFFFFFFD0] =	vst v6;
	v1 =	vadd.f32 v3, v1  }
0x2c4: {  	p0 =	slt.u32 s12, $0x7F80;
	v3 =	vld [tilespmem:s10+$0xFFFFFFC0]  }
0x2c5: {  	v6 =	vld [tilespmem:s14+$0xFFFFFFA0];
	[tilespmem:s5+$0xFFFFFFE0] =	vst v1;
	v1 =	vadd.f32 v5, v2  }
0x2c6: {  	v2 =	vld [tilespmem:s10+$0xFFFFFFD0];
	v9 =	vadd.f32 v0, v4  }
0x2c7: {  	v4 =	vld [tilespmem:s14+$0xFFFFFFB0];
	[tilespmem:s5+$0xFFFFFFF0] =	vst v1  }
0x2c8: {  	v1 =	vld [tilespmem:s10+$0xFFFFFFE0];
	v5 =	vadd.f32 v8, v7;
	[tilespmem:s5+$0xFFFFFF90] =	vst v9;
	s5 =	smov.u32 s14  }
0x2c9: {  	v7 =	vld [tilespmem:s14+$0xFFFFFFC0];
	v0 =	vmov v3  }
0x2ca: {  	v8 =	vld [tilespmem:s10+$0xFFFFFFF0];
	[tilespmem:s14+$0x0] =	vst v5  }
0x2cb: {  	v2 =	vadd.f32 v2, v6;
	v6 =	vld [tilespmem:s14+$0xFFFFFFD0]  }
0x2cc: {  	v9 =	vld [tilespmem:s10+$0x0]  }
.Ltmp34:
0x2cd: {  	[tilespmem:s14+$0xFFFFFFA0] =	vst v2;
	v2 =	vadd.f32 v1, v4;
	v1 =	vld [tilespmem:s14+$0xFFFFFFE0];
	(pc) =	sbr.rel @p0 .LBB2_70-.Ltmp34, $4  }
0x2ce: {  	v3 =	vld [tilespmem:s10+$0x10]  }
0x2cf: {  	[tilespmem:s14+$0xFFFFFFB0] =	vst v2;
	v7 =	vadd.f32 v8, v7;
	v2 =	vld [tilespmem:s14+$0xFFFFFFF0]  }
0x2d0: {  	v5 =	vld [tilespmem:s10+$0x20]  }
0x2d1: {  	s14 =	sadd.s32 $0x100, s14;
	v4 =	vld [tilespmem:s5+$0xFFFFFF90];
	[tilespmem:s5+$0xFFFFFFC0] =	vst v7;
	v6 =	vadd.f32 v9, v6  }
0x2d2: {  	_ =	sdelay $0x1  }
0x2d3: {  	v1 =	vadd.f32 v3, v1  }
0x2d4: {  	[tilespmem:s5+$0xFFFFFFD0] =	vst v6;
	v2 =	vadd.f32 v5, v2  }
0x2d5: {  	[tilespmem:s5+$0xFFFFFFE0] =	vst v1;
	v0 =	vadd.f32 v0, v4  }
0x2d6: {  	s10 =	simm.s32 $0x80;
	[tilespmem:s5+$0xFFFFFFF0] =	vst v2  }
0x2d7: {  	s14 =	sadd.s32 $0x0, s25;
	s12 =	simm.s32 $0x180;
	[tilespmem:s5+$0xFFFFFF90] =	vst v0;
	s5 =	simm.s32 $0x10  }
.LBB2_72:
0x2d8: {  	[hbm4b:s14+s1] =	stream.linear.scatter [tilespmem:s10], [sflag:$0x4], $0x80, $0x38;
	[tilespmem:$0x18000] =	vst v63  }
0x2d9: {  	s14 =	smov.u32 s5;
	s10 =	smov.u32 s12;
	p0 =	sne.s32 s5, $0xFF0  }
.Ltmp35:
0x2da: {  	s5 =	sadd.s32 $0x10, s5;
	(pc) =	sbr.rel @p0 .LBB2_72-.Ltmp35, $2  }
0x2db: {  	_ =	sdelay $0x2  }
0x2dc: {  	s12 =	sadd.s32 $0x100, s12;
	s14 =	sadd.s32 s14, s25  }
0x2dd: {  	[hbm4b:s14+s1] =	stream.linear.scatter [tilespmem:s10], [sflag:$0x4], $0x80, $0x38;
	[tilespmem:$0x18000] =	vst v63  }
0x2de: {  	s5 =	simm.s32 $0x3  }
0x2df: {  	_ =	swait.ge [sflag:s5], $0x8000  }
0x2e0: {  	[sflag:s5] =	ssyncset.done $0x0  }
0x2e1: {  	s12 =	simm.s32 $0x4;
	[sflag:s5] =	ssyncadd.s32 $0xFFFF8000  }
0x2e2: {  	_ =	swait.ge [sflag:s12], $0x8000  }
0x2e3: {  	s5 =	simm.s32 $0x0;
	[sflag:s12] =	ssyncset.done $0x0  }
0x2e4: {  	s14 =	rddreg [dreg:$0xc];
	[sflag:s12] =	ssyncadd.s32 $0xFFFF8000;
	s12 =	simm.s32 $0x10000  }
0x2e5: {  	[tilespmem:s12], [sflag:$0x5] =	stream.linear.gather [hbm4b:s14+s5], $0x8000, $0x38;
	[tilespmem:$0x18000] =	vst v63  }
0x2e6: {  	s14 =	simm.s32 $0x5  }
0x2e7: {  	_ =	swait.ge [sflag:s14], $0x8000  }
0x2e8: {  	s10 =	simm.s32 $0x10;
	[sflag:s14] =	ssyncset.done $0x0  }
0x2e9: {  	s12 =	simm.s32 $0x100;
	[sflag:s14] =	ssyncadd.s32 $0xFFFF8000;
	s14 =	sadd.s32 $0x0, s29  }
.LBB2_74:
0x2ea: {  	[tilespmem:s5], [sflag:$0x1] =	stream.linear.gather [hbm4b:s14+s1], $0x80, $0x38;
	[tilespmem:$0x18000] =	vst v63  }
0x2eb: {  	s14 =	smov.u32 s10;
	s5 =	smov.u32 s12;
	p0 =	sne.s32 s10, $0xFF0  }
.Ltmp36:
0x2ec: {  	s10 =	sadd.s32 $0x10, s10;
	(pc) =	sbr.rel @p0 .LBB2_74-.Ltmp36, $2  }
0x2ed: {  	_ =	sdelay $0x2  }
0x2ee: {  	s12 =	sadd.s32 $0x100, s12;
	s14 =	sadd.s32 s14, s29  }
0x2ef: {  	[tilespmem:s5], [sflag:$0x1] =	stream.linear.gather [hbm4b:s14+s1], $0x80, $0x38;
	[tilespmem:$0x18000] =	vst v63  }
0x2f0: {  	s14 =	simm.s32 $0x1  }
0x2f1: {  	_ =	swait.ge [sflag:s14], $0x8000  }
0x2f2: {  	[sflag:s14] =	ssyncset.done $0x0  }
0x2f3: {  	s5 =	simm.s32 $0x0;
	s10 =	simm.s32 $0x80;
	[sflag:s14] =	ssyncadd.s32 $0xFFFF8000  }
.LBB2_76:
0x2f4: {  	p0 =	sne.s32 s5, $0xFF0  }
.Ltmp37:
0x2f5: {  	_ = 	snop;
	(pc) =	sbr.rel @p0 .LBB2_76-.Ltmp37, $4  }
0x2f6: {  	_ = 	snop  }
0x2f7: {  	s12 =	sadd.s32 s5, s8  }
0x2f8: {  	[tilespmem:s10], [sflag:$0x2] =	stream.linear.gather [hbm4b:s12+s1], $0x80, $0x38;
	[tilespmem:$0x18000] =	vst v63  }
0x2f9: {  	s5 =	sadd.s32 $0x10, s5;
	s10 =	sadd.s32 $0x100, s10  }
0x2fa: {  	s5 =	simm.s32 $0x40  }
0x2fb: {  	s10 =	simm.s32 $0x10040;
	v1 =	vld [tilespmem:s5+$0x30]  }
0x2fc: {  	v2 =	vld [tilespmem:s10+$0x30]  }
0x2fd: {  	v0 =	vld [tilespmem:s10+$0xFFFFFFC0]  }
0x2fe: {  	v3 =	vld [tilespmem:s5+$0xFFFFFFD0]  }
0x2ff: {  	v4 =	vld [tilespmem:s10+$0xFFFFFFD0]  }
0x300: {  	v5 =	vld [tilespmem:s5+$0xFFFFFFE0]  }
0x301: {  	v6 =	vld [tilespmem:s10+$0xFFFFFFE0]  }
0x302: {  	v7 =	vld [tilespmem:s5+$0xFFFFFFF0]  }
0x303: {  	v8 =	vld [tilespmem:s10+$0xFFFFFFF0]  }
0x304: {  	v9 =	vld [tilespmem:s5+$0x0]  }
0x305: {  	v10 =	vld [tilespmem:s10+$0x0];
	v2 =	vadd.f32 v2, v1  }
0x306: {  	v4 =	vadd.f32 v4, v3;
	v1 =	vld [tilespmem:s5+$0x10]  }
0x307: {  	v5 =	vadd.f32 v6, v5;
	v3 =	vld [tilespmem:s10+$0x10];
	[tilespmem:s5+$0x30] =	vst v2  }
0x308: {  	v6 =	vadd.f32 v8, v7;
	[tilespmem:s5+$0xFFFFFFD0] =	vst v4;
	v2 =	vld [tilespmem:s5+$0x20]  }
0x309: {  	[tilespmem:s5+$0xFFFFFFE0] =	vst v5;
	v5 =	vld [tilespmem:s10+$0x20]  }
0x30a: {  	s12 =	simm.s32 $0x0;
	s14 =	simm.s32 $0x140;
	v4 =	vld [tilespmem:s5+$0xFFFFFFC0];
	[tilespmem:s5+$0xFFFFFFF0] =	vst v6;
	v6 =	vadd.f32 v10, v9  }
.LBB2_78:
0x30b: {  	v7 =	vld [tilespmem:s14+$0x30];
	s10 =	sadd.s32 $0x80, s10  }
0x30c: {  	s12 =	sadd.s32 $0x80, s12;
	v8 =	vld [tilespmem:s10+$0x30];
	[tilespmem:s5+$0x0] =	vst v6;
	v1 =	vadd.f32 v3, v1  }
0x30d: {  	p0 =	slt.u32 s12, $0x7F80;
	v3 =	vld [tilespmem:s10+$0xFFFFFFC0]  }
0x30e: {  	v6 =	vld [tilespmem:s14+$0xFFFFFFD0];
	[tilespmem:s5+$0x10] =	vst v1;
	v1 =	vadd.f32 v5, v2  }
0x30f: {  	v2 =	vld [tilespmem:s10+$0xFFFFFFD0];
	v9 =	vadd.f32 v0, v4  }
0x310: {  	v4 =	vld [tilespmem:s14+$0xFFFFFFE0];
	[tilespmem:s5+$0x20] =	vst v1  }
0x311: {  	v1 =	vld [tilespmem:s10+$0xFFFFFFE0];
	v5 =	vadd.f32 v8, v7;
	[tilespmem:s5+$0xFFFFFFC0] =	vst v9;
	s5 =	smov.u32 s14  }
0x312: {  	v7 =	vld [tilespmem:s14+$0xFFFFFFF0];
	v0 =	vmov v3  }
0x313: {  	v8 =	vld [tilespmem:s10+$0xFFFFFFF0];
	[tilespmem:s14+$0x30] =	vst v5  }
0x314: {  	v2 =	vadd.f32 v2, v6;
	v6 =	vld [tilespmem:s14+$0x0]  }
0x315: {  	v9 =	vld [tilespmem:s10+$0x0]  }
.Ltmp38:
0x316: {  	[tilespmem:s14+$0xFFFFFFD0] =	vst v2;
	v2 =	vadd.f32 v1, v4;
	v1 =	vld [tilespmem:s14+$0x10];
	(pc) =	sbr.rel @p0 .LBB2_78-.Ltmp38, $4  }
0x317: {  	v3 =	vld [tilespmem:s10+$0x10]  }
0x318: {  	[tilespmem:s14+$0xFFFFFFE0] =	vst v2;
	v7 =	vadd.f32 v8, v7;
	v2 =	vld [tilespmem:s14+$0x20]  }
0x319: {  	v5 =	vld [tilespmem:s10+$0x20]  }
0x31a: {  	s14 =	sadd.s32 $0x100, s14;
	v4 =	vld [tilespmem:s5+$0xFFFFFFC0];
	[tilespmem:s5+$0xFFFFFFF0] =	vst v7;
	v6 =	vadd.f32 v9, v6  }
0x31b: {  	_ =	sdelay $0x1  }
0x31c: {  	v1 =	vadd.f32 v3, v1  }
0x31d: {  	[tilespmem:s5+$0x0] =	vst v6;
	v2 =	vadd.f32 v5, v2  }
0x31e: {  	[tilespmem:s5+$0x10] =	vst v1;
	v0 =	vadd.f32 v0, v4  }
0x31f: {  	s10 =	simm.s32 $0x0;
	[tilespmem:s5+$0x20] =	vst v2  }
0x320: {  	s14 =	sadd.s32 $0x0, s30;
	s12 =	simm.s32 $0x100;
	[tilespmem:s5+$0xFFFFFFC0] =	vst v0;
	s5 =	simm.s32 $0x10  }
.LBB2_80:
0x321: {  	[hbm4b:s14+s1] =	stream.linear.scatter [tilespmem:s10], [sflag:$0x3], $0x80, $0x38;
	[tilespmem:$0x18000] =	vst v63  }
0x322: {  	s14 =	smov.u32 s5;
	s10 =	smov.u32 s12;
	p0 =	sne.s32 s5, $0xFF0  }
.Ltmp39:
0x323: {  	s5 =	sadd.s32 $0x10, s5;
	(pc) =	sbr.rel @p0 .LBB2_80-.Ltmp39, $2  }
0x324: {  	_ =	sdelay $0x2  }
0x325: {  	s12 =	sadd.s32 $0x100, s12;
	s14 =	sadd.s32 s14, s30  }
0x326: {  	[hbm4b:s14+s1] =	stream.linear.scatter [tilespmem:s10], [sflag:$0x3], $0x80, $0x38;
	[tilespmem:$0x18000] =	vst v63  }
0x327: {  	s5 =	simm.s32 $0x2  }
0x328: {  	_ =	swait.ge [sflag:s5], $0x8000  }
0x329: {  	[sflag:s5] =	ssyncset.done $0x0  }
0x32a: {  	s14 =	simm.s32 $0x3;
	[sflag:s5] =	ssyncadd.s32 $0xFFFF8000  }
0x32b: {  	_ =	swait.ge [sflag:s14], $0x8000  }
0x32c: {  	[sflag:s14] =	ssyncset.done $0x0  }
0x32d: {  	s10 =	simm.s32 $0x0;
	s5 =	simm.s32 $0x0;
	[sflag:s14] =	ssyncadd.s32 $0xFFFF8000  }
.LBB2_82:
0x32e: {  	p0 =	sne.s32 s10, $0xFF0  }
.Ltmp40:
0x32f: {  	_ = 	snop;
	(pc) =	sbr.rel @p0 .LBB2_82-.Ltmp40, $4  }
0x330: {  	_ = 	snop  }
0x331: {  	s12 =	sadd.s32 s10, s26  }
0x332: {  	[tilespmem:s5], [sflag:$0x1] =	stream.linear.gather [hbm4b:s12+s1], $0x80, $0x38;
	[tilespmem:$0x18000] =	vst v63  }
0x333: {  	s10 =	sadd.s32 $0x10, s10;
	s5 =	sadd.s32 $0x100, s5  }
0x334: {  	s5 =	simm.s32 $0xF0  }
0x335: {  	s10 =	simm.s32 $0x10040;
	v1 =	vld [tilespmem:s5+$0x0]  }
0x336: {  	v2 =	vld [tilespmem:s10+$0x30]  }
0x337: {  	v0 =	vld [tilespmem:s10+$0xFFFFFFC0]  }
0x338: {  	v3 =	vld [tilespmem:s5+$0xFFFFFFA0]  }
0x339: {  	v4 =	vld [tilespmem:s10+$0xFFFFFFD0]  }
0x33a: {  	v5 =	vld [tilespmem:s5+$0xFFFFFFB0]  }
0x33b: {  	v6 =	vld [tilespmem:s10+$0xFFFFFFE0]  }
0x33c: {  	v7 =	vld [tilespmem:s5+$0xFFFFFFC0]  }
0x33d: {  	v8 =	vld [tilespmem:s10+$0xFFFFFFF0]  }
0x33e: {  	v9 =	vld [tilespmem:s5+$0xFFFFFFD0]  }
0x33f: {  	v10 =	vld [tilespmem:s10+$0x0];
	v2 =	vadd.f32 v2, v1  }
0x340: {  	v4 =	vadd.f32 v4, v3;
	v1 =	vld [tilespmem:s5+$0xFFFFFFE0]  }
0x341: {  	v5 =	vadd.f32 v6, v5;
	v3 =	vld [tilespmem:s10+$0x10];
	[tilespmem:s5+$0x0] =	vst v2  }
0x342: {  	v6 =	vadd.f32 v8, v7;
	[tilespmem:s5+$0xFFFFFFA0] =	vst v4;
	v2 =	vld [tilespmem:s5+$0xFFFFFFF0]  }
0x343: {  	[tilespmem:s5+$0xFFFFFFB0] =	vst v5;
	v5 =	vld [tilespmem:s10+$0x20]  }
0x344: {  	s12 =	simm.s32 $0x0;
	s14 =	simm.s32 $0x1F0;
	v4 =	vld [tilespmem:s5+$0xFFFFFF90];
	[tilespmem:s5+$0xFFFFFFC0] =	vst v6;
	v6 =	vadd.f32 v10, v9  }
.LBB2_84:
0x345: {  	v7 =	vld [tilespmem:s14+$0x0];
	s10 =	sadd.s32 $0x80, s10  }
0x346: {  	s12 =	sadd.s32 $0x80, s12;
	v8 =	vld [tilespmem:s10+$0x30];
	[tilespmem:s5+$0xFFFFFFD0] =	vst v6;
	v1 =	vadd.f32 v3, v1  }
0x347: {  	p0 =	slt.u32 s12, $0x7F80;
	v3 =	vld [tilespmem:s10+$0xFFFFFFC0]  }
0x348: {  	v6 =	vld [tilespmem:s14+$0xFFFFFFA0];
	[tilespmem:s5+$0xFFFFFFE0] =	vst v1;
	v1 =	vadd.f32 v5, v2  }
0x349: {  	v2 =	vld [tilespmem:s10+$0xFFFFFFD0];
	v9 =	vadd.f32 v0, v4  }
0x34a: {  	v4 =	vld [tilespmem:s14+$0xFFFFFFB0];
	[tilespmem:s5+$0xFFFFFFF0] =	vst v1  }
0x34b: {  	v1 =	vld [tilespmem:s10+$0xFFFFFFE0];
	v5 =	vadd.f32 v8, v7;
	[tilespmem:s5+$0xFFFFFF90] =	vst v9;
	s5 =	smov.u32 s14  }
0x34c: {  	v7 =	vld [tilespmem:s14+$0xFFFFFFC0];
	v0 =	vmov v3  }
0x34d: {  	v8 =	vld [tilespmem:s10+$0xFFFFFFF0];
	[tilespmem:s14+$0x0] =	vst v5  }
0x34e: {  	v2 =	vadd.f32 v2, v6;
	v6 =	vld [tilespmem:s14+$0xFFFFFFD0]  }
0x34f: {  	v9 =	vld [tilespmem:s10+$0x0]  }
.Ltmp41:
0x350: {  	[tilespmem:s14+$0xFFFFFFA0] =	vst v2;
	v2 =	vadd.f32 v1, v4;
	v1 =	vld [tilespmem:s14+$0xFFFFFFE0];
	(pc) =	sbr.rel @p0 .LBB2_84-.Ltmp41, $4  }
0x351: {  	v3 =	vld [tilespmem:s10+$0x10]  }
0x352: {  	[tilespmem:s14+$0xFFFFFFB0] =	vst v2;
	v7 =	vadd.f32 v8, v7;
	v2 =	vld [tilespmem:s14+$0xFFFFFFF0]  }
0x353: {  	v5 =	vld [tilespmem:s10+$0x20]  }
0x354: {  	s14 =	sadd.s32 $0x100, s14;
	v4 =	vld [tilespmem:s5+$0xFFFFFF90];
	[tilespmem:s5+$0xFFFFFFC0] =	vst v7;
	v6 =	vadd.f32 v9, v6  }
0x355: {  	_ =	sdelay $0x1  }
0x356: {  	v1 =	vadd.f32 v3, v1  }
0x357: {  	[tilespmem:s5+$0xFFFFFFD0] =	vst v6;
	v2 =	vadd.f32 v5, v2  }
0x358: {  	[tilespmem:s5+$0xFFFFFFE0] =	vst v1;
	v0 =	vadd.f32 v0, v4  }
0x359: {  	s10 =	simm.s32 $0x80;
	[tilespmem:s5+$0xFFFFFFF0] =	vst v2  }
0x35a: {  	s14 =	sadd.s32 $0x0, s17;
	s12 =	simm.s32 $0x180;
	[tilespmem:s5+$0xFFFFFF90] =	vst v0;
	s5 =	simm.s32 $0x10  }
.LBB2_86:
0x35b: {  	[hbm4b:s14+s1] =	stream.linear.scatter [tilespmem:s10], [sflag:$0x4], $0x80, $0x38;
	[tilespmem:$0x18000] =	vst v63  }
0x35c: {  	s14 =	smov.u32 s5;
	s10 =	smov.u32 s12;
	p0 =	sne.s32 s5, $0xFF0  }
.Ltmp42:
0x35d: {  	s5 =	sadd.s32 $0x10, s5;
	(pc) =	sbr.rel @p0 .LBB2_86-.Ltmp42, $2  }
0x35e: {  	_ =	sdelay $0x2  }
0x35f: {  	s12 =	sadd.s32 $0x100, s12;
	s14 =	sadd.s32 s14, s17  }
0x360: {  	[hbm4b:s14+s1] =	stream.linear.scatter [tilespmem:s10], [sflag:$0x4], $0x80, $0x38;
	[tilespmem:$0x18000] =	vst v63  }
0x361: {  	s5 =	simm.s32 $0x1  }
0x362: {  	_ =	swait.ge [sflag:s5], $0x8000  }
0x363: {  	[sflag:s5] =	ssyncset.done $0x0  }
0x364: {  	s14 =	simm.s32 $0x4;
	[sflag:s5] =	ssyncadd.s32 $0xFFFF8000  }
0x365: {  	_ =	swait.ge [sflag:s14], $0x8000  }
0x366: {  	[sflag:s14] =	ssyncset.done $0x0  }
0x367: {  	s10 =	simm.s32 $0x80;
	s5 =	simm.s32 $0x0;
	[sflag:s14] =	ssyncadd.s32 $0xFFFF8000  }
.LBB2_88:
0x368: {  	p0 =	sne.s32 s5, $0xFF0  }
.Ltmp43:
0x369: {  	_ = 	snop;
	(pc) =	sbr.rel @p0 .LBB2_88-.Ltmp43, $4  }
0x36a: {  	_ = 	snop  }
0x36b: {  	s12 =	sadd.s32 s5, s28  }
0x36c: {  	[tilespmem:s10], [sflag:$0x2] =	stream.linear.gather [hbm4b:s12+s1], $0x80, $0x38;
	[tilespmem:$0x18000] =	vst v63  }
0x36d: {  	s5 =	sadd.s32 $0x10, s5;
	s10 =	sadd.s32 $0x100, s10  }
0x36e: {  	s5 =	simm.s32 $0x40  }
0x36f: {  	s10 =	simm.s32 $0x10040;
	v1 =	vld [tilespmem:s5+$0x30]  }
0x370: {  	v2 =	vld [tilespmem:s10+$0x30]  }
0x371: {  	v0 =	vld [tilespmem:s10+$0xFFFFFFC0]  }
0x372: {  	v3 =	vld [tilespmem:s5+$0xFFFFFFD0]  }
0x373: {  	v4 =	vld [tilespmem:s10+$0xFFFFFFD0]  }
0x374: {  	v5 =	vld [tilespmem:s5+$0xFFFFFFE0]  }
0x375: {  	v6 =	vld [tilespmem:s10+$0xFFFFFFE0]  }
0x376: {  	v7 =	vld [tilespmem:s5+$0xFFFFFFF0]  }
0x377: {  	v8 =	vld [tilespmem:s10+$0xFFFFFFF0]  }
0x378: {  	v9 =	vld [tilespmem:s5+$0x0]  }
0x379: {  	v10 =	vld [tilespmem:s10+$0x0];
	v2 =	vadd.f32 v2, v1  }
0x37a: {  	v4 =	vadd.f32 v4, v3;
	v1 =	vld [tilespmem:s5+$0x10]  }
0x37b: {  	v5 =	vadd.f32 v6, v5;
	v3 =	vld [tilespmem:s10+$0x10];
	[tilespmem:s5+$0x30] =	vst v2  }
0x37c: {  	v6 =	vadd.f32 v8, v7;
	[tilespmem:s5+$0xFFFFFFD0] =	vst v4;
	v2 =	vld [tilespmem:s5+$0x20]  }
0x37d: {  	[tilespmem:s5+$0xFFFFFFE0] =	vst v5;
	v5 =	vld [tilespmem:s10+$0x20]  }
0x37e: {  	s12 =	simm.s32 $0x0;
	s14 =	simm.s32 $0x140;
	v4 =	vld [tilespmem:s5+$0xFFFFFFC0];
	[tilespmem:s5+$0xFFFFFFF0] =	vst v6;
	v6 =	vadd.f32 v10, v9  }
.LBB2_90:
0x37f: {  	v7 =	vld [tilespmem:s14+$0x30];
	s10 =	sadd.s32 $0x80, s10  }
0x380: {  	s12 =	sadd.s32 $0x80, s12;
	v8 =	vld [tilespmem:s10+$0x30];
	[tilespmem:s5+$0x0] =	vst v6;
	v1 =	vadd.f32 v3, v1  }
0x381: {  	p0 =	slt.u32 s12, $0x7F80;
	v3 =	vld [tilespmem:s10+$0xFFFFFFC0]  }
0x382: {  	v6 =	vld [tilespmem:s14+$0xFFFFFFD0];
	[tilespmem:s5+$0x10] =	vst v1;
	v1 =	vadd.f32 v5, v2  }
0x383: {  	v2 =	vld [tilespmem:s10+$0xFFFFFFD0];
	v9 =	vadd.f32 v0, v4  }
0x384: {  	v4 =	vld [tilespmem:s14+$0xFFFFFFE0];
	[tilespmem:s5+$0x20] =	vst v1  }
0x385: {  	v1 =	vld [tilespmem:s10+$0xFFFFFFE0];
	v5 =	vadd.f32 v8, v7;
	[tilespmem:s5+$0xFFFFFFC0] =	vst v9;
	s5 =	smov.u32 s14  }
0x386: {  	v7 =	vld [tilespmem:s14+$0xFFFFFFF0];
	v0 =	vmov v3  }
0x387: {  	v8 =	vld [tilespmem:s10+$0xFFFFFFF0];
	[tilespmem:s14+$0x30] =	vst v5  }
0x388: {  	v2 =	vadd.f32 v2, v6;
	v6 =	vld [tilespmem:s14+$0x0]  }
0x389: {  	v9 =	vld [tilespmem:s10+$0x0]  }
.Ltmp44:
0x38a: {  	[tilespmem:s14+$0xFFFFFFD0] =	vst v2;
	v2 =	vadd.f32 v1, v4;
	v1 =	vld [tilespmem:s14+$0x10];
	(pc) =	sbr.rel @p0 .LBB2_90-.Ltmp44, $4  }
0x38b: {  	v3 =	vld [tilespmem:s10+$0x10]  }
0x38c: {  	[tilespmem:s14+$0xFFFFFFE0] =	vst v2;
	v7 =	vadd.f32 v8, v7;
	v2 =	vld [tilespmem:s14+$0x20]  }
0x38d: {  	v5 =	vld [tilespmem:s10+$0x20]  }
0x38e: {  	s14 =	sadd.s32 $0x100, s14;
	v4 =	vld [tilespmem:s5+$0xFFFFFFC0];
	[tilespmem:s5+$0xFFFFFFF0] =	vst v7;
	v6 =	vadd.f32 v9, v6  }
0x38f: {  	_ =	sdelay $0x1  }
0x390: {  	v1 =	vadd.f32 v3, v1  }
0x391: {  	[tilespmem:s5+$0x0] =	vst v6;
	v2 =	vadd.f32 v5, v2  }
0x392: {  	[tilespmem:s5+$0x10] =	vst v1;
	v0 =	vadd.f32 v0, v4  }
0x393: {  	s10 =	simm.s32 $0x0;
	[tilespmem:s5+$0x20] =	vst v2  }
0x394: {  	s14 =	sadd.s32 $0x0, s2;
	s12 =	simm.s32 $0x100;
	[tilespmem:s5+$0xFFFFFFC0] =	vst v0;
	s5 =	simm.s32 $0x10  }
.LBB2_92:
0x395: {  	[hbm4b:s14+s1] =	stream.linear.scatter [tilespmem:s10], [sflag:$0x3], $0x80, $0x38;
	[tilespmem:$0x18000] =	vst v63  }
0x396: {  	s14 =	smov.u32 s5;
	s10 =	smov.u32 s12;
	p0 =	sne.s32 s5, $0xFF0  }
.Ltmp45:
0x397: {  	s5 =	sadd.s32 $0x10, s5;
	(pc) =	sbr.rel @p0 .LBB2_92-.Ltmp45, $2  }
0x398: {  	_ =	sdelay $0x2  }
0x399: {  	s12 =	sadd.s32 $0x100, s12;
	s14 =	sadd.s32 s14, s2  }
0x39a: {  	[hbm4b:s14+s1] =	stream.linear.scatter [tilespmem:s10], [sflag:$0x3], $0x80, $0x38;
	[tilespmem:$0x18000] =	vst v63  }
0x39b: {  	s5 =	simm.s32 $0x2  }
0x39c: {  	_ =	swait.ge [sflag:s5], $0x8000  }
0x39d: {  	[sflag:s5] =	ssyncset.done $0x0  }
0x39e: {  	[sflag:s5] =	ssyncadd.s32 $0xFFFF8000;
	s5 =	simm.s32 $0xF0  }
0x39f: {  	s10 =	simm.s32 $0x10040;
	v1 =	vld [tilespmem:s5+$0x0]  }
0x3a0: {  	v2 =	vld [tilespmem:s10+$0x30]  }
0x3a1: {  	v0 =	vld [tilespmem:s10+$0xFFFFFFC0]  }
0x3a2: {  	v3 =	vld [tilespmem:s5+$0xFFFFFFA0]  }
0x3a3: {  	v4 =	vld [tilespmem:s10+$0xFFFFFFD0]  }
0x3a4: {  	v5 =	vld [tilespmem:s5+$0xFFFFFFB0]  }
0x3a5: {  	v6 =	vld [tilespmem:s10+$0xFFFFFFE0]  }
0x3a6: {  	v7 =	vld [tilespmem:s5+$0xFFFFFFC0]  }
0x3a7: {  	v8 =	vld [tilespmem:s10+$0xFFFFFFF0]  }
0x3a8: {  	v9 =	vld [tilespmem:s5+$0xFFFFFFD0]  }
0x3a9: {  	v10 =	vld [tilespmem:s10+$0x0];
	v2 =	vadd.f32 v2, v1  }
0x3aa: {  	v4 =	vadd.f32 v4, v3;
	v1 =	vld [tilespmem:s5+$0xFFFFFFE0]  }
0x3ab: {  	v5 =	vadd.f32 v6, v5;
	v3 =	vld [tilespmem:s10+$0x10];
	[tilespmem:s5+$0x0] =	vst v2  }
0x3ac: {  	v6 =	vadd.f32 v8, v7;
	[tilespmem:s5+$0xFFFFFFA0] =	vst v4;
	v2 =	vld [tilespmem:s5+$0xFFFFFFF0]  }
0x3ad: {  	[tilespmem:s5+$0xFFFFFFB0] =	vst v5;
	v5 =	vld [tilespmem:s10+$0x20]  }
0x3ae: {  	s12 =	simm.s32 $0x0;
	s14 =	simm.s32 $0x1F0;
	v4 =	vld [tilespmem:s5+$0xFFFFFF90];
	[tilespmem:s5+$0xFFFFFFC0] =	vst v6;
	v6 =	vadd.f32 v10, v9  }
.LBB2_94:
0x3af: {  	v7 =	vld [tilespmem:s14+$0x0];
	s10 =	sadd.s32 $0x80, s10  }
0x3b0: {  	s12 =	sadd.s32 $0x80, s12;
	v8 =	vld [tilespmem:s10+$0x30];
	[tilespmem:s5+$0xFFFFFFD0] =	vst v6;
	v1 =	vadd.f32 v3, v1  }
0x3b1: {  	p0 =	slt.u32 s12, $0x7F80;
	v3 =	vld [tilespmem:s10+$0xFFFFFFC0]  }
0x3b2: {  	v6 =	vld [tilespmem:s14+$0xFFFFFFA0];
	[tilespmem:s5+$0xFFFFFFE0] =	vst v1;
	v1 =	vadd.f32 v5, v2  }
0x3b3: {  	v2 =	vld [tilespmem:s10+$0xFFFFFFD0];
	v9 =	vadd.f32 v0, v4  }
0x3b4: {  	v4 =	vld [tilespmem:s14+$0xFFFFFFB0];
	[tilespmem:s5+$0xFFFFFFF0] =	vst v1  }
0x3b5: {  	v1 =	vld [tilespmem:s10+$0xFFFFFFE0];
	v5 =	vadd.f32 v8, v7;
	[tilespmem:s5+$0xFFFFFF90] =	vst v9;
	s5 =	smov.u32 s14  }
0x3b6: {  	v7 =	vld [tilespmem:s14+$0xFFFFFFC0];
	v0 =	vmov v3  }
0x3b7: {  	v8 =	vld [tilespmem:s10+$0xFFFFFFF0];
	[tilespmem:s14+$0x0] =	vst v5  }
0x3b8: {  	v2 =	vadd.f32 v2, v6;
	v6 =	vld [tilespmem:s14+$0xFFFFFFD0]  }
0x3b9: {  	v9 =	vld [tilespmem:s10+$0x0]  }
.Ltmp46:
0x3ba: {  	[tilespmem:s14+$0xFFFFFFA0] =	vst v2;
	v2 =	vadd.f32 v1, v4;
	v1 =	vld [tilespmem:s14+$0xFFFFFFE0];
	(pc) =	sbr.rel @p0 .LBB2_94-.Ltmp46, $4  }
0x3bb: {  	v3 =	vld [tilespmem:s10+$0x10]  }
0x3bc: {  	[tilespmem:s14+$0xFFFFFFB0] =	vst v2;
	v7 =	vadd.f32 v8, v7;
	v2 =	vld [tilespmem:s14+$0xFFFFFFF0]  }
0x3bd: {  	v5 =	vld [tilespmem:s10+$0x20]  }
0x3be: {  	s14 =	sadd.s32 $0x100, s14;
	v4 =	vld [tilespmem:s5+$0xFFFFFF90];
	[tilespmem:s5+$0xFFFFFFC0] =	vst v7;
	v6 =	vadd.f32 v9, v6  }
0x3bf: {  	_ =	sdelay $0x1  }
0x3c0: {  	v1 =	vadd.f32 v3, v1  }
0x3c1: {  	[tilespmem:s5+$0xFFFFFFD0] =	vst v6;
	v2 =	vadd.f32 v5, v2  }
0x3c2: {  	[tilespmem:s5+$0xFFFFFFE0] =	vst v1;
	v0 =	vadd.f32 v0, v4  }
0x3c3: {  	s10 =	simm.s32 $0x80;
	[tilespmem:s5+$0xFFFFFFF0] =	vst v2  }
0x3c4: {  	s14 =	sadd.s32 $0x0, s3;
	s12 =	simm.s32 $0x180;
	[tilespmem:s5+$0xFFFFFF90] =	vst v0;
	s5 =	simm.s32 $0x10  }
.LBB2_96:
0x3c5: {  	[hbm4b:s14+s1] =	stream.linear.scatter [tilespmem:s10], [sflag:$0x4], $0x80, $0x38;
	[tilespmem:$0x18000] =	vst v63  }
0x3c6: {  	s14 =	smov.u32 s5;
	s10 =	smov.u32 s12;
	p0 =	sne.s32 s5, $0xFF0  }
.Ltmp47:
0x3c7: {  	s5 =	sadd.s32 $0x10, s5;
	(pc) =	sbr.rel @p0 .LBB2_96-.Ltmp47, $2  }
0x3c8: {  	_ =	sdelay $0x2  }
0x3c9: {  	s12 =	sadd.s32 $0x100, s12;
	s14 =	sadd.s32 s14, s3  }
0x3ca: {  	[hbm4b:s14+s1] =	stream.linear.scatter [tilespmem:s10], [sflag:$0x4], $0x80, $0x38;
	[tilespmem:$0x18000] =	vst v63  }
0x3cb: {  	s5 =	simm.s32 $0x3  }
0x3cc: {  	_ =	swait.ge [sflag:s5], $0x8000  }
0x3cd: {  	[sflag:s5] =	ssyncset.done $0x0  }
0x3ce: {  	s10 =	simm.s32 $0x4;
	[sflag:s5] =	ssyncadd.s32 $0xFFFF8000  }
0x3cf: {  	_ =	swait.ge [sflag:s10], $0x8000  }
0x3d0: {  	s12 =	rddreg [dreg:$0xe]  }
0x3d1: {  	s14 =	rddreg [dreg:$0xd];
	s12 =	sadd.s32 $0x1, s12  }
0x3d2: {  	p0 =	sne.s32 s12, s14  }
.Ltmp48:
0x3d3: {  	_ = 	snop;
	(pc) =	sbr.rel @p0 .LBB2_1-.Ltmp48, $3  }
0x3d4: {  	_ =	sdelay $0x1  }
0x3d5: {  	[sflag:s10] =	ssyncset.done $0x0  }
0x3d6: {  	[sflag:s10] =	ssyncadd.s32 $0xFFFF8000  }
0x3d7: {  	_ =	sfence.sel $0x180000  }
0x3d8: {  	[bflag:$0x0] =	sbarrier.arrive $0xFFFF  }
0x3d9: {  	_ =	strace $0x9000004A  }
0x3da: {  	s0 =	stileid.u32;
	[bflag:$0x2] =	sbarrier.arrive $0xFFFF  }
0x3db: {  	p0 =	sne.s32 s0, $0x0;
	s0 =	rddreg [dreg:$0x2]  }
0x3dc: {  	s0 =	sadd.s32 @!p0 $0x100000, s0  }
0x3dd: {  	[sflag:s0] =	ssyncadd.tile.s32 @!p0 $0x1;
	_ =	shalt  }
.Lfunc_end2:
_tile_overlayer_lowered:
.L_overlay_start_2:
0x3de: {  	(tag) =	ssettag $0x2  }
0x3df: {  	s0 =	rddreg [dreg:$0x0];
	s2 =	stileid.u32  }
0x3e0: {  	s1 =	rddreg [dreg:$0x1];
	p0 =	sne.s32 s2, $0x0  }
0x3e1: {  	s3 =	rddreg [dreg:$0x2];
	[bflag:$0x3] =	sbarrier.arrive $0xFFFF;
	s2 =	simm.s32 @!p0 $0x1C05  }
0x3e2: {  	[timem:s3], [sflag:s2] =	dma.local @!p0 [hbm:s0], s1  }
0x3e3: {  	s0 =	simm.s32 @!p0 $0x5  }
0x3e4: {  	_ =	swait.ge @!p0 [sflag:s0], s1  }
0x3e5: {  	s1 =	ssub.s32 @!p0 $0x0, s1;
	[sflag:s0] =	ssyncset.done @!p0 $0x0  }
0x3e6: {  	[sflag:s0] =	ssyncadd.s32 @!p0 s1  }
0x3e7: {  	[bflag:$0x3] =	sbarrier.arrive $0xFFFF  }
0x3e8: {  	_ =	shalt  }

// kernel: sparse-core-data-format-call.cloned.1.call-start
scs
called_computation_lowered:
.L_overlay_start_0:
0x0: {  	s2 =	sld [smem:$0x3FD9]  }
0x1: {  	s3 =	sld [smem:$0x3FFE];
	_ =	sdelay $0x1  }
0x2: {  	s1 =	srdreg.scid  }
0x3: {  	s0 =	sand.u32 $0x1, s1  }
0x4: {  	s19 =	sshll.u32 s0, $0xA;
	s2 =	sadd.s32 s3, s2  }
0x5: {  	s2 =	sadd.s32 s2, s19  }
0x6: {  	[smem:$0x3FC6] =	sst s2  }
0x7: {  	_ = 	snop  }
0x8: {  	s2 =	sld [smem:$0x3FC9]  }
0x9: {  	s20 =	sld [smem:$0x3FD0];
	(tm) =	ssettm $0x1  }
0xa: {  	s4 =	sld [smem:$0x3FFB];
	_ =	sdelay $0x3  }
0xb: {  	_ =	strace s4  }
0xc: {  	s4 =	sld [smem:$0x3FFC];
	_ =	sdelay $0x3  }
0xd: {  	_ =	strace s4  }
0xe: {  	s4 =	sld [smem:$0x3FFD];
	_ =	sdelay $0x3  }
0xf: {  	_ =	strace s4  }
0x10: {  	_ =	strace $0x8FFFFFFF  }
0x11: {  	s21 =	sld [smem:$0x3FDB];
	_ =	sdelay $0x1  }
0x12: {  	s5 =	simm.s32 $_scs_section_size  }
0x13: {  	s6 =	simm.s32 $_size__tile_overlayer_lowered;
	s7 =	simm.s32 $_tile_overlayer_lowered  }
0x14: {  	s24 =	simm.s32 $0x1BFF;
	s23 =	sshll.u32 s7, $0x1;
	s4 =	sadd.s32 s5, s21  }
0x15: {  	s8 =	simm.s32 $0x0;
	s22 =	sshll.u32 s6, $0x1;
	s6 =	sadd.s32 s23, s4  }
0x16: {  	[timem:s8], [sflag:s24] =	dma.local [hbm:s6], s22  }
0x17: {  	_ =	swait.ge [sflag:s24], s22  }
0x18: {  	s5 =	ssub.s32 $0x0, s22;
	[sflag:s24] =	ssyncset.done $0x0  }
0x19: {  	[sflag:s24] =	ssyncadd.s32 s5;
	_ =	sdelay $0x1  }
0x1a: {  	s25 =	simm.s32 $0x1B8B  }
0x1b: {  	_ =	swait.ge [sflag:s25], $0x1  }
0x1c: {  	[sflag:s25] =	ssyncset.done $0x0  }
0x1d: {  	s26 =	simm.s32 $0x1B8E;
	[sflag:s25] =	ssyncadd.s32 $0xFFFFFFFF  }
0x1e: {  	s27 =	simm.s32 $execute0_lowered;
	[smem:$0x3FD2] =	sst s26  }
0x1f: {  	s5 =	sshll.u32 s27, $0x1;
	_ =	strace $0x80000046;
	[dreg:$0x1] =	wrdreg $0xFFFFFFFF  }
0x20: {  	s28 =	simm.s32 $_size_execute0_lowered;
	s4 =	sadd.s32 s4, s5;
	[dreg:$0x0] =	wrdreg $0x0  }
0x21: {  	s5 =	sshll.u32 s28, $0x1;
	[dreg:$0x2] =	wrdreg s4  }
0x22: {  	[dreg:$0x3] =	wrdreg s5  }
0x23: {  	[dreg:$0x4] =	wrdreg $0xC0  }
0x24: {  	_ =	task [dreg:s8], $0x5FFFF  }
0x25: {  	[dreg:$0x1] =	wrdreg $0xFFFFFFFF  }
0x26: {  	[dreg:$0x0] =	wrdreg $0x60  }
0x27: {  	[dreg:$0x2] =	wrdreg s2  }
0x28: {  	[dreg:$0x3] =	wrdreg s20  }
0x29: {  	[dreg:$0x4] =	wrdreg $0x9  }
0x2a: {  	_ =	task.clear_ibuf [dreg:s8], $0x5FFFF;
	_ =	strace $0x90000046  }
0x2b: {  	s29 =	simm.s32 $0x9;
	_ =	strace $0x80000048  }
0x2c: {  	_ =	swait.ge [sflag:s29], $0x1  }
0x2d: {  	[sflag:s29] =	ssyncadd.s32 $0xFFFFFFFF  }
0x2e: {  	_ =	strace $0x90000048  }
0x2f: {  	_ =	sfence  }
0x30: {  	s30 =	sld [smem:$0x0];
	_ =	sdelay $0x2  }
0x31: {  	s31 =	sshll.u32 s1, $0xD;
	s1 =	sshrl.u32 s1, $0x2  }
0x32: {  	s3 =	sand.u32 $0x4000, s31;
	s1 =	sadd.s32 s1, s30  }
0x33: {  	s0 =	sor.u32 s3, s0;
	s1 =	sshll.u32 s1, $0x11  }
0x34: {  	s0 =	sor.u32 s1, s0  }
0x35: {  	s0 =	sadd.s32 $0x8F2B, s0  }
0x36: {  	[sflag:s0] =	ssyncadd.remote.s32 $0x1  }
0x37: {  	_ =	sfence.sel $0xFFFF  }
0x38: {  	[dreg:$0x0] =	wrdreg $0xFFFFFFFF;
	(pc) =	sbr.abs _section_cstart, $3  }
0x39: {  	[dreg:$0x1] =	wrdreg $0xFFFFFFFF  }
0x3a: {  	_ =	task.clear_ibuf [dreg:s8], $0x2FFFF;
	_ =	strace $0x9FFFFFFF  }
0x3b: {  	(tm) =	ssettm $0x7FFFFFFF  }
tec
execute0_lowered:
.L_overlay_start_1:
0x0: {  	(tag) =	ssettag $0x1  }
0x1: {  	s2 =	rddreg [dreg:$0x0]  }
0x2: {  	s3 =	rddreg [dreg:$0x1]  }
0x3: {  	s0 =	rddreg [dreg:$0x2];
	s4 =	srdreg.scid  }
.Ltmp0:
0x4: {  	_ =	strace $0x80000047;
	s1 =	stileid.u32;
	(pc) =	sbr.rel .LBB1_1-.Ltmp0, $4  }
0x5: {  	s6 =	simm.s32 $0x2;
	p0 =	por $0x0, $0x0;
	s5 =	sshll.u32 s4, $0x4  }
0x6: {  	s9 =	simm.s32 $0x0;
	s4 =	simm.s32 $0x1;
	s5 =	sand.u32 $0x10, s5  }
0x7: {  	s7 =	simm.s32 $0x0;
	[sflag:s4] =	ssyncpa.u1 $0x0;
	s5 =	sor.u32 s1, s5  }
0x8: {  	[sflag:s6] =	ssyncpa.u1 $0x0;
	s6 =	simm.s32 $0x0;
	s8 =	smov.u32 s5  }
.LBB1_7:
0x9: {  	s11 =	sadd.s32 $0x20, s8  }
0xa: {  	p1 =	slt.u32 s7, $0x2;
	s7 =	sadd.s32 $0x1, s7;
	p2 =	sgt.s32 s11, $0x3FF  }
0xb: {  	s11 =	smov.u32 @p2 s5;
	p2 =	sne.s32 s7, $0x22  }
.Ltmp1:
0xc: {  	_ = 	snop;
	(pc) =	sbr.rel @!p2 .LBB1_8-.Ltmp1, $4  }
0xd: {  	s10 =	simm.s32 @!p1 $0x2  }
0xe: {  	_ =	swait.ge @!p1 [sflag:s10], $0x4000  }
0xf: {  	s9 =	smov.u32 s8;
	[sflag:s10] =	ssyncset.done @!p1 $0x0  }
0x10: {  	p0 =	por !p0, !p0;
	s8 =	smov.u32 s11;
	[sflag:s10] =	ssyncadd.s32 @!p1 $0xFFFFC000  }
.LBB1_1:
0x11: {  	p1 =	sgt.u32 s7, $0x1F  }
0x12: {  	s10 =	sxor.u32 @!p1 $0xFFFFFFFF, s7  }
0x13: {  	s11 =	sshll.u32 @!p1 s8, $0xB;
	s10 =	sshll.u32 @!p1 s10, $0xE  }
0x14: {  	s12 =	simm.s32 @!p1 $0x0;
	s11 =	sadd.s32 @!p1 s2, s11;
	s10 =	sand.u32 @!p1 $0x4000, s10  }
0x15: {  	[tilespmem:s10], [sflag:$0x1] =	stream.linear.gather @!p1 [hbm4b:s11+s12], $0x4000, $0x38;
	[tilespmem:$0x10000] =	vst v63  }
0x16: {  	p1 =	seq.s32 s7, $0x0  }
0x17: {  	p2 =	seq.s32 @!p1 s7, $0x21  }
0x18: {  	p1 =	por p1, p2  }
.Ltmp2:
0x19: {  	_ = 	snop;
	(pc) =	sbr.rel @p1 .LBB1_7-.Ltmp2, $1  }
0x1a: {  	_ =	sdelay $0x3  }
0x1b: {  	s10 =	simm.s32 $0x1;
	_ =	swait.ge [sflag:s4], $0x4000;
	s12 =	sshll.u32 s7, $0xE  }
0x1c: {  	s13 =	simm.s32 $0x0;
	s10 =	simm.s32 @!p0 $0x0;
	[sflag:s4] =	ssyncset.done $0x0  }
0x1d: {  	s12 =	sand.u32 $0x4000, s12;
	s11 =	sshll.u32 s10, $0xE;
	[sflag:s4] =	ssyncadd.s32 $0xFFFFC000  }
0x1e: {  	s12 =	sor.u32 $0x8000, s12;
	s10 =	sor.u32 $0x8040, s11;
	s11 =	sor.u32 $0x40, s11  }
.LBB1_3:
0x1f: {  	v0 =	vmov s11;
	_ =	sdelay $0x3  }
0x20: {  	s15 =	simm.s32 $0x0  }
0x21: {  	v6 =	vld.idx.msk [tilespmem:v0+s15+$0x30 ss:$0x1], $0xffff  }
0x22: {  	v7 =	vld.idx.msk [tilespmem:v0+s15+$0xFFFFFFC0 ss:$0x1], $0xffff  }
0x23: {  	v5 =	vld.idx.msk [tilespmem:v0+s15+$0xFFFFFFD0 ss:$0x1], $0xffff  }
0x24: {  	v4 =	vld.idx.msk [tilespmem:v0+s15+$0xFFFFFFE0 ss:$0x1], $0xffff  }
0x25: {  	v3 =	vld.idx.msk [tilespmem:v0+s15+$0xFFFFFFF0 ss:$0x1], $0xffff  }
0x26: {  	v1 =	vld.idx.msk [tilespmem:v0+s15+$0x0 ss:$0x1], $0xffff  }
0x27: {  	v2 =	vld.idx.msk [tilespmem:v0+s15+$0x10 ss:$0x1], $0xffff;
	[tilespmem:s10+$0x30] =	vst v6  }
0x28: {  	s14 =	simm.s32 $0x80;
	s16 =	simm.s32 $0x400;
	[tilespmem:s10+$0xFFFFFFC0] =	vst v7;
	v6 =	vld.idx.msk [tilespmem:v0+s15+$0x20 ss:$0x1], $0xffff;
	s15 =	smov.u32 s10  }
.LBB1_4:
0x29: {  	p1 =	sne.s32 s16, $0xE00;
	v7 =	vld.idx.msk [tilespmem:v0+s14+$0x30 ss:$0x1], $0xffff;
	[tilespmem:s15+$0xFFFFFFD0] =	vst v5  }
0x2a: {  	v8 =	vld.idx.msk [tilespmem:v0+s14+$0xFFFFFFC0 ss:$0x1], $0xffff;
	[tilespmem:s15+$0xFFFFFFE0] =	vst v4  }
0x2b: {  	v5 =	vld.idx.msk [tilespmem:v0+s14+$0xFFFFFFD0 ss:$0x1], $0xffff;
	[tilespmem:s15+$0xFFFFFFF0] =	vst v3  }
.Ltmp3:
0x2c: {  	v4 =	vld.idx.msk [tilespmem:v0+s14+$0xFFFFFFE0 ss:$0x1], $0xffff;
	[tilespmem:s15+$0x0] =	vst v1;
	(pc) =	sbr.rel @p1 .LBB1_4-.Ltmp3, $4  }
0x2d: {  	v3 =	vld.idx.msk [tilespmem:v0+s14+$0xFFFFFFF0 ss:$0x1], $0xffff;
	[tilespmem:s15+$0x10] =	vst v2  }
0x2e: {  	v1 =	vld.idx.msk [tilespmem:v0+s14+$0x0 ss:$0x1], $0xffff;
	[tilespmem:s15+$0x20] =	vst v6;
	s15 =	sadd.s32 $0x800, s15  }
0x2f: {  	v2 =	vld.idx.msk [tilespmem:v0+s14+$0x10 ss:$0x1], $0xffff;
	[tilespmem:s15+$0x30] =	vst v7  }
0x30: {  	[tilespmem:s15+$0xFFFFFFC0] =	vst v8;
	v6 =	vld.idx.msk [tilespmem:v0+s14+$0x20 ss:$0x1], $0xffff;
	s14 =	sshra.s32 s16, $0x2;
	s16 =	sadd.s32 $0x200, s16  }
0x31: {  	_ =	sdelay $0x2  }
0x32: {  	[tilespmem:s15+$0xFFFFFFD0] =	vst v5  }
0x33: {  	v56 =	vld.idx.msk [tilespmem:v0+s14+$0x30 ss:$0x1], $0xffff;
	[tilespmem:s15+$0xFFFFFFE0] =	vst v4  }
0x34: {  	v57 =	vld.idx.msk [tilespmem:v0+s14+$0xFFFFFFC0 ss:$0x1], $0xffff;
	[tilespmem:s15+$0xFFFFFFF0] =	vst v3  }
0x35: {  	v58 =	vld.idx.msk [tilespmem:v0+s14+$0xFFFFFFD0 ss:$0x1], $0xffff;
	[tilespmem:s15+$0x0] =	vst v1  }
0x36: {  	v59 =	vld.idx.msk [tilespmem:v0+s14+$0xFFFFFFE0 ss:$0x1], $0xffff;
	[tilespmem:s15+$0x10] =	vst v2  }
0x37: {  	v60 =	vld.idx.msk [tilespmem:v0+s14+$0xFFFFFFF0 ss:$0x1], $0xffff;
	s31 =	sadd.s32 $0x800, s15;
	[tilespmem:s15+$0x20] =	vst v6  }
0x38: {  	v61 =	vld.idx.msk [tilespmem:v0+s14+$0x0 ss:$0x1], $0xffff;
	[tilespmem:s31+$0x30] =	vst v56  }
0x39: {  	v62 =	vld.idx.msk [tilespmem:v0+s14+$0x10 ss:$0x1], $0xffff;
	s13 =	sadd.s32 $0x1, s13;
	[tilespmem:s31+$0xFFFFFFC0] =	vst v57  }
0x3a: {  	v63 =	vld.idx.msk [tilespmem:v0+s14+$0x20 ss:$0x1], $0xffff;
	p1 =	sne.s32 s13, $0x10;
	[tilespmem:s31+$0xFFFFFFD0] =	vst v58  }
.Ltmp4:
0x3b: {  	[tilespmem:s31+$0xFFFFFFE0] =	vst v59;
	(pc) =	sbr.rel @p1 .LBB1_3-.Ltmp4, $4  }
0x3c: {  	[tilespmem:s31+$0xFFFFFFF0] =	vst v60  }
0x3d: {  	[tilespmem:s31+$0x0] =	vst v61  }
0x3e: {  	[tilespmem:s31+$0x10] =	vst v62  }
0x3f: {  	s10 =	sadd.s32 $0x80, s10;
	s11 =	sadd.s32 $0x400, s11;
	[tilespmem:s31+$0x20] =	vst v63  }
.Ltmp5:
0x40: {  	(pc) =	sbr.rel .LBB1_7-.Ltmp5, $4  }
0x41: {  	_ = 	snop  }
0x42: {  	s9 =	sshll.u32 s9, $0xB  }
0x43: {  	s9 =	sadd.s32 s3, s9  }
0x44: {  	[hbm4b:s9+s6] =	stream.linear.scatter [tilespmem:s12], [sflag:$0x2], $0x4000, $0x38;
	[tilespmem:$0x10000] =	vst v63  }
.LBB1_8:
0x45: {  	_ =	sfence.sel $0x180000  }
0x46: {  	s2 =	simm.s32 $0x1;
	[bflag:$0x0] =	sbarrier.arrive $0xFFFF  }
0x47: {  	s31 =	simm.s32 $0x2;
	[sflag:s2] =	ssyncpa.u1 $0x1  }
0x48: {  	[sflag:s31] =	ssyncpa.u1 $0x1  }
0x49: {  	p0 =	sne.s32 s1, $0x0;
	_ =	strace $0x90000047  }
0x4a: {  	s0 =	sadd.s32 @!p0 $0x100000, s0;
	[bflag:$0x2] =	sbarrier.arrive $0xFFFF  }
0x4b: {  	[sflag:s0] =	ssyncadd.tile.s32 @!p0 $0x1;
	_ =	shalt  }
.Lfunc_end1:
_tile_overlayer_lowered:
.L_overlay_start_2:
0x4c: {  	(tag) =	ssettag $0x2  }
0x4d: {  	s0 =	rddreg [dreg:$0x0];
	s2 =	stileid.u32  }
0x4e: {  	s1 =	rddreg [dreg:$0x1];
	p0 =	sne.s32 s2, $0x0  }
0x4f: {  	s3 =	rddreg [dreg:$0x2];
	[bflag:$0x3] =	sbarrier.arrive $0xFFFF;
	s2 =	simm.s32 @!p0 $0x1C01  }
0x50: {  	[timem:s3], [sflag:s2] =	dma.local @!p0 [hbm:s0], s1  }
0x51: {  	s0 =	simm.s32 @!p0 $0x1  }
0x52: {  	_ =	swait.ge @!p0 [sflag:s0], s1  }
0x53: {  	s1 =	ssub.s32 @!p0 $0x0, s1;
	[sflag:s0] =	ssyncset.done @!p0 $0x0  }
0x54: {  	[sflag:s0] =	ssyncadd.s32 @!p0 s1  }
0x55: {  	[bflag:$0x3] =	sbarrier.arrive $0xFFFF  }
0x56: {  	_ =	shalt  }

</sc_bundles>
